<compile_context>
chip_gen: v7x
topology: tpu7x:2x2x1
jax: 0.10.2.dev20260603
libtpu: 0.0.44.dev20260713+nightly
codegen_flags: <defaults>
</compile_context>

<pallas_src>
import functools

import jax
import jax.numpy as jnp
from jax import lax
from jax.experimental import pallas as pl
from jax.experimental.pallas import tpu as pltpu, tpu_sc as plsc

N = 10000
NP = 10112
E = 320000
D = 128
G = 64
NC = 2
NS = 16
NW = NC * NS
K = 125
KE = 125
NCH = E // NW // KE
GR = 8
RT = NP // NS
BW = 16
BC = N // BW // K
HW = 128

_MESH = plsc.VectorSubcoreMesh(core_axis_name="c", subcore_axis_name="s")



@functools.partial(
    pl.kernel,
    out_type=jax.ShapeDtypeStruct((NC, NP, HW), jnp.float32),
    mesh=_MESH,
    scratch_types=[
        pltpu.VMEM((GR, KE), jnp.int32),
        pltpu.VMEM((KE, HW), jnp.float32),
        pltpu.SemaphoreType.DMA,
        pltpu.VMEM_SHARED((NP, HW), jnp.float32),
    ],
)
def _sc_hist(dst3, degp_out, didx, ones_v, sem0, dacc):
    c = lax.axis_index("c")
    s = lax.axis_index("s")
    wid = c * NS + s

    zv = jnp.zeros((16,), jnp.float32)
    def zb(i, _):
        for cc in range(HW // 16):
            ones_v[i, pl.ds(cc * 16, 16)] = zv
        return _
    lax.fori_loop(0, KE, zb, None)
    def zc(k, _):
        pltpu.sync_copy(ones_v, dacc.at[pl.ds(s * RT + k * KE, KE)])
        return _
    lax.fori_loop(0, RT // KE, zc, None)
    pltpu.sync_copy(ones_v.at[pl.ds(0, RT % KE)],
                    dacc.at[pl.ds(s * RT + (RT // KE) * KE, RT % KE)])
    e0 = jnp.where(lax.iota(jnp.int32, 16) == 0,
                   jnp.float32(1), jnp.float32(0))
    def ob(i, _):
        ones_v[i, pl.ds(0, 16)] = e0
        return _
    lax.fori_loop(0, KE, ob, None)
    plsc.subcore_barrier()

    def group(g, _):
        pltpu.sync_copy(dst3.at[wid, pl.ds(g * GR, GR)], didx)
        cps = [pltpu.async_copy(ones_v, dacc.at[didx.at[j]], sem0,
                                add=True)
               for j in range(GR)]
        for cp in cps:
            cp.wait()
        return _
    lax.fori_loop(0, NCH // GR, group, None)

    plsc.subcore_barrier()
    pltpu.sync_copy(dacc.at[pl.ds(s * RT, RT)],
                    degp_out.at[c, pl.ds(s * RT, RT)])


@functools.partial(
    pl.kernel,
    out_type=jax.ShapeDtypeStruct((NC, NP, D), jnp.float32),
    mesh=_MESH,
    scratch_types=[
        pltpu.VMEM((GR, KE), jnp.int32),
        pltpu.VMEM((GR, KE), jnp.int32),
        pltpu.VMEM((KE, D), jnp.float32),
        pltpu.VMEM((KE, D), jnp.float32),
        pltpu.SemaphoreType.DMA,
        pltpu.SemaphoreType.DMA,
        pltpu.VMEM_SHARED((NP, D), jnp.float32),
    ],
)
def _sc_edge_scatter(hs, src3, dst3, s_out,
                     sidx, didx, buf0, buf1, sem0, sem1, acc):
    c = lax.axis_index("c")
    s = lax.axis_index("s")
    wid = c * NS + s

    zv = jnp.zeros((16,), jnp.float32)
    def zb(i, _):
        for cc in range(D // 16):
            buf0[i, pl.ds(cc * 16, 16)] = zv
        return _
    lax.fori_loop(0, KE, zb, None)
    def zc(k, _):
        pltpu.sync_copy(buf0, acc.at[pl.ds(s * RT + k * KE, KE)])
        return _
    lax.fori_loop(0, RT // KE, zc, None)
    pltpu.sync_copy(buf0.at[pl.ds(0, RT % KE)],
                    acc.at[pl.ds(s * RT + (RT // KE) * KE, RT % KE)])
    plsc.subcore_barrier()

    def group(g, _):
        pltpu.sync_copy(src3.at[wid, pl.ds(g * GR, GR)], sidx)
        pltpu.sync_copy(dst3.at[wid, pl.ds(g * GR, GR)], didx)
        bufs = (buf0, buf1)
        sems = (sem0, sem1)
        cps = [pltpu.async_copy(hs.at[sidx.at[0]], buf0, sem0), None]
        for j in range(GR):
            if j + 1 < GR:
                cps[(j + 1) % 2] = pltpu.async_copy(
                    hs.at[sidx.at[j + 1]], bufs[(j + 1) % 2],
                    sems[(j + 1) % 2])
            cps[j % 2].wait()
            pltpu.sync_copy(bufs[j % 2], acc.at[didx.at[j]], add=True)
        return _
    lax.fori_loop(0, NCH // GR, group, None)

    plsc.subcore_barrier()
    pltpu.sync_copy(acc.at[pl.ds(s * RT, RT)],
                    s_out.at[c, pl.ds(s * RT, RT)])


@functools.partial(
    pl.kernel,
    out_type=jax.ShapeDtypeStruct((NC, G, D), jnp.float32),
    mesh=_MESH,
    scratch_types=[
        pltpu.VMEM((BC, K), jnp.int32),
        pltpu.VMEM((BC, K), jnp.int32),
        pltpu.VMEM((K, D), jnp.float32),
        pltpu.SemaphoreType.DMA,
        pltpu.VMEM_SHARED((G, D), jnp.float32),
    ],
)
def _sc_pool(h2, bidx, ridx, zg, p_out, bv, rv, rbuf, sem, pacc):
    c = lax.axis_index("c")
    s = lax.axis_index("s")
    pw = c * (BW // NC) + s

    @pl.when(s == 0)
    def _():
        pltpu.sync_copy(zg, pacc)
    plsc.subcore_barrier()

    @pl.when(s < BW // NC)
    def _():
        pltpu.sync_copy(bidx.at[pw], bv)
        pltpu.sync_copy(ridx.at[pw], rv)
        def body(j, _):
            pltpu.async_copy(h2.at[rv.at[j]], rbuf, sem).wait()
            pltpu.sync_copy(rbuf, pacc.at[bv.at[j]], add=True)
            return _
        lax.fori_loop(0, BC, body, None)

    plsc.subcore_barrier()
    @pl.when(s == 0)
    def _():
        pltpu.sync_copy(pacc, p_out.at[c])



_RB = 2000


def _dinv_of(d_ref):
    deg = d_ref[0, :, 0] + d_ref[1, :, 0] + 1.0
    return lax.rsqrt(deg)


def _mm_scale_body(x_ref, w_ref, d_ref, o_ref):
    dinv = _dinv_of(d_ref)
    h = jnp.dot(x_ref[...], w_ref[...], preferred_element_type=jnp.float32)
    o_ref[...] = h * dinv[:, None]


def _mm_scale(x, W, degp):
    return pl.pallas_call(
        _mm_scale_body,
        grid=(N // _RB,),
        in_specs=[pl.BlockSpec((_RB, D), lambda i: (i, 0)),
                  pl.BlockSpec((D, D), lambda i: (0, 0)),
                  pl.BlockSpec((NC, _RB, 16), lambda i: (0, i, 0))],
        out_specs=pl.BlockSpec((_RB, D), lambda i: (i, 0)),
        out_shape=jax.ShapeDtypeStruct((N, D), jnp.float32),
    )(x, W, degp)


def _fuse_body(s_ref, hs_ref, d_ref, b_ref, w_ref, o_ref):
    dinv = _dinv_of(d_ref)
    t = (s_ref[0] + s_ref[1] + hs_ref[...]) * dinv[:, None] + b_ref[...]
    h1 = jnp.maximum(t, 0.0)
    o_ref[...] = jnp.dot(h1, w_ref[...],
                         preferred_element_type=jnp.float32) * dinv[:, None]


def _fuse(S, hs, degp, b, W):
    return pl.pallas_call(
        _fuse_body,
        grid=(N // _RB,),
        in_specs=[pl.BlockSpec((NC, _RB, D), lambda i: (0, i, 0)),
                  pl.BlockSpec((_RB, D), lambda i: (i, 0)),
                  pl.BlockSpec((NC, _RB, 16), lambda i: (0, i, 0)),
                  pl.BlockSpec((1, D), lambda i: (0, 0)),
                  pl.BlockSpec((D, D), lambda i: (0, 0))],
        out_specs=pl.BlockSpec((_RB, D), lambda i: (i, 0)),
        out_shape=jax.ShapeDtypeStruct((N, D), jnp.float32),
    )(S, hs, degp, b, W)


def _epi_body(s_ref, hs_ref, d_ref, b_ref, o_ref):
    dinv = _dinv_of(d_ref)
    t = (s_ref[0] + s_ref[1] + hs_ref[...]) * dinv[:, None] + b_ref[...]
    o_ref[...] = jnp.maximum(t, 0.0)


def _epi(S, hs, degp, b):
    return pl.pallas_call(
        _epi_body,
        grid=(N // _RB,),
        in_specs=[pl.BlockSpec((NC, _RB, D), lambda i: (0, i, 0)),
                  pl.BlockSpec((_RB, D), lambda i: (i, 0)),
                  pl.BlockSpec((NC, _RB, 16), lambda i: (0, i, 0)),
                  pl.BlockSpec((1, D), lambda i: (0, 0))],
        out_specs=pl.BlockSpec((_RB, D), lambda i: (i, 0)),
        out_shape=jax.ShapeDtypeStruct((N, D), jnp.float32),
    )(S, hs, degp, b)


def _head_body(p_ref, b_ref2, w1_ref, b1_ref, w2_ref, b2_ref, w3_ref, b3_ref,
               emb_ref, out_ref):
    b = b_ref2[...]
    gids = lax.broadcasted_iota(jnp.int32, (G, 1, 1), 0)
    cnt = jnp.sum((b[None, :, :] == gids).astype(jnp.float32), axis=(1, 2))
    g = (p_ref[0] + p_ref[1]) / jnp.maximum(cnt, 1.0)[:, None]
    a = jnp.maximum(
        jnp.dot(g, w1_ref[...], preferred_element_type=jnp.float32)
        + b1_ref[...], 0.0)
    emb = jnp.maximum(
        jnp.dot(a, w2_ref[...], preferred_element_type=jnp.float32)
        + b2_ref[...], 0.0)
    emb_ref[...] = emb
    out_ref[...] = jnp.dot(emb, w3_ref[...],
                           preferred_element_type=jnp.float32) + b3_ref[...]


def _head(P, batch2d, fc1_W, fc1_b, fce_W, fce_b, fco_W, fco_b):
    return pl.pallas_call(
        _head_body,
        out_shape=[jax.ShapeDtypeStruct((G, D), jnp.float32),
                   jax.ShapeDtypeStruct((G, 1), jnp.float32)],
    )(P, batch2d, fc1_W, fc1_b, fce_W, fce_b, fco_W, fco_b)



def kernel(x, edge_index, batch, W1, b1, W2, b2,
           fc1_W, fc1_b, fce_W, fce_b, fco_W, fco_b):
    ei = edge_index.astype(jnp.int32)
    src3 = ei[0].reshape(NW, NCH, KE)
    dst3 = ei[1].reshape(NW, NCH, KE)
    bidx = batch.astype(jnp.int32).reshape(BW, BC, K)
    ridx = jnp.arange(N, dtype=jnp.int32).reshape(BW, BC, K)

    zg = jnp.zeros((G, D), jnp.float32)

    degp = _sc_hist(dst3)[:, :, :16]

    hs1 = _mm_scale(x, W1, degp)
    S1 = _sc_edge_scatter(hs1, src3, dst3)
    hs2 = _fuse(S1, hs1, degp, b1.reshape(1, D), W2)
    S2 = _sc_edge_scatter(hs2, src3, dst3)
    h2 = _epi(S2, hs2, degp, b2.reshape(1, D))

    P = _sc_pool(h2, bidx, ridx, zg)
    batch2d = batch.astype(jnp.int32).reshape(80, K)
    emb, out = _head(P, batch2d, fc1_W, fc1_b.reshape(1, -1),
                     fce_W, fce_b.reshape(1, -1),
                     fco_W, fco_b.reshape(1, 1))
    return emb, out

# --- scband reference (transcript-rebuilt; emitter-appended) ---
"""Pipeline reference for scband-cpmodel-46497315946702 (READ-ONLY COPY).

The authoritative reference and input builder live on the scoring server;
editing this copy changes nothing except your own understanding.
"""

import jax, jax.numpy as jnp
import numpy as np

N_NODES = 10000
N_EDGES = 320000
D_IN = 128
D_HID = 128
D_EMB = 128
D_OUT = 1
N_GRAPHS = 64


def setup_inputs(seed: int = 0) -> dict:
    key = jax.random.key(seed)
    ks = jax.random.split(key, 16)
    x = jax.random.normal(ks[0], (N_NODES, D_IN), dtype=jnp.float32)
    edge_index = jax.random.randint(ks[1], (2, N_EDGES), 0, N_NODES, dtype=jnp.int64)
    batch = jnp.sort(jax.random.randint(ks[2], (N_NODES,), 0, N_GRAPHS, dtype=jnp.int64))
    def glorot(k, shape):
        lim = float(np.sqrt(6.0 / (shape[0] + shape[1])))
        return jax.random.uniform(k, shape, dtype=jnp.float32, minval=-lim, maxval=lim)
    W1 = glorot(ks[3], (D_IN, D_HID))
    b1 = jnp.zeros((D_HID,), dtype=jnp.float32)
    W2 = glorot(ks[4], (D_HID, D_HID))
    b2 = jnp.zeros((D_HID,), dtype=jnp.float32)
    fc1_W = glorot(ks[5], (D_HID, D_HID // 2))
    fc1_b = jnp.zeros((D_HID // 2,), dtype=jnp.float32)
    fce_W = glorot(ks[6], (D_HID // 2, D_EMB))
    fce_b = jnp.zeros((D_EMB,), dtype=jnp.float32)
    fco_W = glorot(ks[7], (D_EMB, D_OUT))
    fco_b = jnp.zeros((D_OUT,), dtype=jnp.float32)
    return {"x": x, "edge_index": edge_index, "batch": batch,
            "W1": W1, "b1": b1, "W2": W2, "b2": b2,
            "fc1_W": fc1_W, "fc1_b": fc1_b,
            "fce_W": fce_W, "fce_b": fce_b,
            "fco_W": fco_W, "fco_b": fco_b}


def _gcn_conv(x, edge_index, W, b):
    # PyG GCNConv: linear transform, add self-loops, symmetric normalization, scatter-add
    h = x @ W
    n = x.shape[0]
    loop = jnp.arange(n, dtype=edge_index.dtype)
    src = jnp.concatenate([edge_index[0], loop])
    dst = jnp.concatenate([edge_index[1], loop])
    deg = jnp.zeros((n,), dtype=h.dtype).at[dst].add(1.0)
    dinv = jnp.where(deg > 0, deg ** -0.5, 0.0)
    norm = dinv[src] * dinv[dst]
    msg = h[src] * norm[:, None]
    out = jnp.zeros_like(h).at[dst].add(msg)
    return out + b


def _global_mean_pool(x, batch, num_graphs):
    sums = jax.ops.segment_sum(x, batch, num_segments=num_graphs)
    cnts = jax.ops.segment_sum(jnp.ones((x.shape[0],), dtype=x.dtype), batch, num_segments=num_graphs)
    return sums / jnp.clip(cnts, 1.0)[:, None]


def reference(x, edge_index, batch, W1, b1, W2, b2, fc1_W, fc1_b, fce_W, fce_b, fco_W, fco_b):
    # dropout is a no-op in eval mode
    h = jax.nn.relu(_gcn_conv(x, edge_index, W1, b1))
    h = jax.nn.relu(_gcn_conv(h, edge_index, W2, b2))
    g = _global_mean_pool(h, batch, N_GRAPHS)
    g = jax.nn.relu(g @ fc1_W + fc1_b)
    emb = jax.nn.relu(g @ fce_W + fce_b)
    out = emb @ fco_W + fco_b
    return (emb, out)

if __name__ == "__main__":
    import jax
    _d = setup_inputs()
    print(jax.jit(kernel)(*tuple(_d.values())))

</pallas_src>

<mosaic_0001>
#map = affine_map<(d0, d1) -> (0, 0)>
#map1 = affine_map<(d0, d1) -> (0, 0, 0)>
module attributes {stable_mosaic.version = 14 : i64} {
  func.func @_sc_edge_scatter(%arg0: i32, %arg1: i32, %arg2: memref<10000x128xf32, #tpu.memory_space<hbm>>, %arg3: memref<32x80x125xi32, #tpu.memory_space<hbm>>, %arg4: memref<32x80x125xi32, #tpu.memory_space<hbm>>, %arg5: memref<2x10112x128xf32, #tpu.memory_space<hbm>>, %arg6: memref<8x125xi32, #tpu.memory_space<vmem>>, %arg7: memref<8x125xi32, #tpu.memory_space<vmem>>, %arg8: memref<125x128xf32, #tpu.memory_space<vmem>>, %arg9: memref<125x128xf32, #tpu.memory_space<vmem>>, %arg10: memref<!tpu.dma_semaphore, #tpu.memory_space<semaphore_mem>>, %arg11: memref<!tpu.dma_semaphore, #tpu.memory_space<semaphore_mem>>, %arg12: memref<10112x128xf32, #tpu.memory_space<vmem_shared>>) attributes {dimension_semantics = [#tpu.dimension_semantics<core_parallel>, #tpu.dimension_semantics<subcore_parallel>], iteration_bounds = array<i64: 2, 16>, scalar_prefetch = 0 : i64, scratch_operands = 7 : i64, tpu.core_type = #tpu.core_type<sc_vector_subcore>, window_params = [{transform_indices = #map}, {transform_indices = #map1}, {transform_indices = #map1}, {transform_indices = #map1}]} {
    %mul3A = arith.constant 16 : i32
    %mul3A_0 = arith.muli %arg0, %mul3A : i32
    %add3A = arith.addi %mul3A_0, %arg1 : i32
    %broadcast_in_dim3A = arith.constant 0.000000e+00 : f32
    %broadcast_in_dim3A_1 = vector.broadcast %broadcast_in_dim3A : f32 to vector<16xf32>
    %scan3A = arith.constant 0 : i32
    %scan3A_2 = arith.constant 125 : i32
    %scan3A_3 = arith.addi %scan3A, %scan3A_2 : i32
    %scan3A_4 = arith.constant 1 : i32
    scf.for %scan3A_25 = %scan3A to %scan3A_3 step %scan3A_4  : i32 {
      %swap3A = arith.index_cast %scan3A_25 : i32 to index
      %swap3A_26 = arith.constant 0 : index
      %swap3A_27 = tpu.vector_load %arg8[%swap3A, %swap3A_26] {strides = array<i32>} : memref<125x128xf32, #tpu.memory_space<vmem>>, vector<1x16xf32>,
      %swap3A_28 = vector.shape_cast %swap3A_27 : vector<1x16xf32> to vector<16xf32>
      %swap3A_29 = vector.shape_cast %broadcast_in_dim3A_1 : vector<16xf32> to vector<1x16xf32>
      tpu.vector_store %arg8[%swap3A, %swap3A_26], %swap3A_29 {strides = array<i32>} : memref<125x128xf32, #tpu.memory_space<vmem>>, vector<1x16xf32>,
      %swap3A_30 = arith.index_cast %scan3A_25 : i32 to index
      %swap3A_31 = arith.constant 16 : index
      %swap3A_32 = tpu.vector_load %arg8[%swap3A_30, %swap3A_31] {strides = array<i32>} : memref<125x128xf32, #tpu.memory_space<vmem>>, vector<1x16xf32>,
      %swap3A_33 = vector.shape_cast %swap3A_32 : vector<1x16xf32> to vector<16xf32>
      %swap3A_34 = vector.shape_cast %broadcast_in_dim3A_1 : vector<16xf32> to vector<1x16xf32>
      tpu.vector_store %arg8[%swap3A_30, %swap3A_31], %swap3A_34 {strides = array<i32>} : memref<125x128xf32, #tpu.memory_space<vmem>>, vector<1x16xf32>,
      %swap3A_35 = arith.index_cast %scan3A_25 : i32 to index
      %swap3A_36 = arith.constant 32 : index
      %swap3A_37 = tpu.vector_load %arg8[%swap3A_35, %swap3A_36] {strides = array<i32>} : memref<125x128xf32, #tpu.memory_space<vmem>>, vector<1x16xf32>,
      %swap3A_38 = vector.shape_cast %swap3A_37 : vector<1x16xf32> to vector<16xf32>
      %swap3A_39 = vector.shape_cast %broadcast_in_dim3A_1 : vector<16xf32> to vector<1x16xf32>
      tpu.vector_store %arg8[%swap3A_35, %swap3A_36], %swap3A_39 {strides = array<i32>} : memref<125x128xf32, #tpu.memory_space<vmem>>, vector<1x16xf32>,
      %swap3A_40 = arith.index_cast %scan3A_25 : i32 to index
      %swap3A_41 = arith.constant 48 : index
      %swap3A_42 = tpu.vector_load %arg8[%swap3A_40, %swap3A_41] {strides = array<i32>} : memref<125x128xf32, #tpu.memory_space<vmem>>, vector<1x16xf32>,
      %swap3A_43 = vector.shape_cast %swap3A_42 : vector<1x16xf32> to vector<16xf32>
      %swap3A_44 = vector.shape_cast %broadcast_in_dim3A_1 : vector<16xf32> to vector<1x16xf32>
      tpu.vector_store %arg8[%swap3A_40, %swap3A_41], %swap3A_44 {strides = array<i32>} : memref<125x128xf32, #tpu.memory_space<vmem>>, vector<1x16xf32>,
      %swap3A_45 = arith.index_cast %scan3A_25 : i32 to index
      %swap3A_46 = arith.constant 64 : index
      %swap3A_47 = tpu.vector_load %arg8[%swap3A_45, %swap3A_46] {strides = array<i32>} : memref<125x128xf32, #tpu.memory_space<vmem>>, vector<1x16xf32>,
      %swap3A_48 = vector.shape_cast %swap3A_47 : vector<1x16xf32> to vector<16xf32>
      %swap3A_49 = vector.shape_cast %broadcast_in_dim3A_1 : vector<16xf32> to vector<1x16xf32>
      tpu.vector_store %arg8[%swap3A_45, %swap3A_46], %swap3A_49 {strides = array<i32>} : memref<125x128xf32, #tpu.memory_space<vmem>>, vector<1x16xf32>,
      %swap3A_50 = arith.index_cast %scan3A_25 : i32 to index
      %swap3A_51 = arith.constant 80 : index
      %swap3A_52 = tpu.vector_load %arg8[%swap3A_50, %swap3A_51] {strides = array<i32>} : memref<125x128xf32, #tpu.memory_space<vmem>>, vector<1x16xf32>,
      %swap3A_53 = vector.shape_cast %swap3A_52 : vector<1x16xf32> to vector<16xf32>
      %swap3A_54 = vector.shape_cast %broadcast_in_dim3A_1 : vector<16xf32> to vector<1x16xf32>
      tpu.vector_store %arg8[%swap3A_50, %swap3A_51], %swap3A_54 {strides = array<i32>} : memref<125x128xf32, #tpu.memory_space<vmem>>, vector<1x16xf32>,
      %swap3A_55 = arith.index_cast %scan3A_25 : i32 to index
      %swap3A_56 = arith.constant 96 : index
      %swap3A_57 = tpu.vector_load %arg8[%swap3A_55, %swap3A_56] {strides = array<i32>} : memref<125x128xf32, #tpu.memory_space<vmem>>, vector<1x16xf32>,
      %swap3A_58 = vector.shape_cast %swap3A_57 : vector<1x16xf32> to vector<16xf32>
      %swap3A_59 = vector.shape_cast %broadcast_in_dim3A_1 : vector<16xf32> to vector<1x16xf32>
      tpu.vector_store %arg8[%swap3A_55, %swap3A_56], %swap3A_59 {strides = array<i32>} : memref<125x128xf32, #tpu.memory_space<vmem>>, vector<1x16xf32>,
      %swap3A_60 = arith.index_cast %scan3A_25 : i32 to index
      %swap3A_61 = arith.constant 112 : index
      %swap3A_62 = tpu.vector_load %arg8[%swap3A_60, %swap3A_61] {strides = array<i32>} : memref<125x128xf32, #tpu.memory_space<vmem>>, vector<1x16xf32>,
      %swap3A_63 = vector.shape_cast %swap3A_62 : vector<1x16xf32> to vector<16xf32>
      %swap3A_64 = vector.shape_cast %broadcast_in_dim3A_1 : vector<16xf32> to vector<1x16xf32>
      tpu.vector_store %arg8[%swap3A_60, %swap3A_61], %swap3A_64 {strides = array<i32>} : memref<125x128xf32, #tpu.memory_space<vmem>>, vector<1x16xf32>,
    }
    %scan3A_5 = arith.constant 125 : i32
    %scan3A_6 = arith.constant 0 : i32
    %scan3A_7 = arith.constant 5 : i32
    %scan3A_8 = arith.addi %scan3A_6, %scan3A_7 : i32
    %scan3A_9 = arith.constant 1 : i32
    scf.for %scan3A_25 = %scan3A_6 to %scan3A_8 step %scan3A_9  : i32 {
      %mul3A_26 = arith.constant 632 : i32
      %mul3A_27 = arith.muli %arg1, %mul3A_26 : i32
      %mul3A_28 = arith.constant 125 : i32
      %mul3A_29 = arith.muli %scan3A_25, %mul3A_28 : i32
      %add3A_30 = arith.addi %mul3A_27, %mul3A_29 : i32
      "tpu.region"() ({
        %run_scoped3A = tpu.sem_alloc : memref<!tpu.dma_semaphore, #tpu.memory_space<semaphore_mem>>
        %dma_start3A = arith.constant 0 : i32
        %dma_start3A_31 = tpu.memref_slice %arg12[%add3A_30, %dma_start3A] : memref<10112x128xf32, #tpu.memory_space<vmem_shared>> -> memref<125x128xf32, #tpu.memory_space<vmem_shared>>
        %dma_start3A_32 = arith.constant 0 : i32
        %dma_start3A_33 = tpu.memref_slice %arg12[%add3A_30, %dma_start3A_32] : memref<10112x128xf32, #tpu.memory_space<vmem_shared>> -> memref<125x128xf32, #tpu.memory_space<vmem_shared>>
        tpu.enqueue_dma source(%arg8 : memref<125x128xf32, #tpu.memory_space<vmem>>) target(%dma_start3A_33 : memref<125x128xf32, #tpu.memory_space<vmem_shared>>) target_semaphore(%run_scoped3A : memref<!tpu.dma_semaphore, #tpu.memory_space<semaphore_mem>>)
        %dma_wait3A = arith.constant 0 : i32
        %dma_wait3A_34 = tpu.memref_slice %arg12[%add3A_30, %dma_wait3A] : memref<10112x128xf32, #tpu.memory_space<vmem_shared>> -> memref<125x128xf32, #tpu.memory_space<vmem_shared>>
        %dma_wait3A_35 = arith.constant 0 : i32
        %dma_wait3A_36 = tpu.memref_slice %arg12[%add3A_30, %dma_wait3A_35] : memref<10112x128xf32, #tpu.memory_space<vmem_shared>> -> memref<125x128xf32, #tpu.memory_space<vmem_shared>>
        tpu.wait_dma2 semaphore(%run_scoped3A : memref<!tpu.dma_semaphore, #tpu.memory_space<semaphore_mem>>) src(%arg8 : memref<125x128xf32, #tpu.memory_space<vmem>>) dst(%dma_wait3A_36 : memref<125x128xf32, #tpu.memory_space<vmem_shared>>)
        tpu.yield
      }) : () -> ()
    }
    %scan3A_10 = arith.constant 5 : i32
    %mul3A_11 = arith.constant 632 : i32
    %mul3A_12 = arith.muli %arg1, %mul3A_11 : i32
    %add3A_13 = arith.constant 625 : i32
    %add3A_14 = arith.addi %mul3A_12, %add3A_13 : i32
    "tpu.region"() ({
      %run_scoped3A = tpu.sem_alloc : memref<!tpu.dma_semaphore, #tpu.memory_space<semaphore_mem>>
      %dma_start3A = arith.constant 0 : i32
      %dma_start3A_25 = arith.constant 0 : i32
      %dma_start3A_26 = tpu.memref_slice %arg8[%dma_start3A, %dma_start3A_25] : memref<125x128xf32, #tpu.memory_space<vmem>> -> memref<7x128xf32, #tpu.memory_space<vmem>>
      %dma_start3A_27 = arith.constant 0 : i32
      %dma_start3A_28 = tpu.memref_slice %arg12[%add3A_14, %dma_start3A_27] : memref<10112x128xf32, #tpu.memory_space<vmem_shared>> -> memref<7x128xf32, #tpu.memory_space<vmem_shared>>
      %dma_start3A_29 = arith.constant 0 : i32
      %dma_start3A_30 = tpu.memref_slice %arg12[%add3A_14, %dma_start3A_29] : memref<10112x128xf32, #tpu.memory_space<vmem_shared>> -> memref<7x128xf32, #tpu.memory_space<vmem_shared>>
      %dma_start3A_31 = arith.constant 0 : i32
      %dma_start3A_32 = arith.constant 0 : i32
      %dma_start3A_33 = tpu.memref_slice %arg8[%dma_start3A_31, %dma_start3A_32] : memref<125x128xf32, #tpu.memory_space<vmem>> -> memref<7x128xf32, #tpu.memory_space<vmem>>
      tpu.enqueue_dma source(%dma_start3A_33 : memref<7x128xf32, #tpu.memory_space<vmem>>) target(%dma_start3A_30 : memref<7x128xf32, #tpu.memory_space<vmem_shared>>) target_semaphore(%run_scoped3A : memref<!tpu.dma_semaphore, #tpu.memory_space<semaphore_mem>>)
      %dma_wait3A = arith.constant 0 : i32
      %dma_wait3A_34 = arith.constant 0 : i32
      %dma_wait3A_35 = tpu.memref_slice %arg8[%dma_wait3A, %dma_wait3A_34] : memref<125x128xf32, #tpu.memory_space<vmem>> -> memref<7x128xf32, #tpu.memory_space<vmem>>
      %dma_wait3A_36 = arith.constant 0 : i32
      %dma_wait3A_37 = tpu.memref_slice %arg12[%add3A_14, %dma_wait3A_36] : memref<10112x128xf32, #tpu.memory_space<vmem_shared>> -> memref<7x128xf32, #tpu.memory_space<vmem_shared>>
      %dma_wait3A_38 = arith.constant 0 : i32
      %dma_wait3A_39 = tpu.memref_slice %arg12[%add3A_14, %dma_wait3A_38] : memref<10112x128xf32, #tpu.memory_space<vmem_shared>> -> memref<7x128xf32, #tpu.memory_space<vmem_shared>>
      %dma_wait3A_40 = arith.constant 0 : i32
      %dma_wait3A_41 = arith.constant 0 : i32
      %dma_wait3A_42 = tpu.memref_slice %arg8[%dma_wait3A_40, %dma_wait3A_41] : memref<125x128xf32, #tpu.memory_space<vmem>> -> memref<7x128xf32, #tpu.memory_space<vmem>>
      tpu.wait_dma2 semaphore(%run_scoped3A : memref<!tpu.dma_semaphore, #tpu.memory_space<semaphore_mem>>) src(%dma_wait3A_42 : memref<7x128xf32, #tpu.memory_space<vmem>>) dst(%dma_wait3A_39 : memref<7x128xf32, #tpu.memory_space<vmem_shared>>)
      tpu.yield
    }) : () -> ()
    %barrier3A = arith.constant 0 : index
    tpu.barrier barrier_id(%barrier3A)
    %scan3A_15 = arith.constant 0 : i32
    %scan3A_16 = arith.constant 10 : i32
    %scan3A_17 = arith.addi %scan3A_15, %scan3A_16 : i32
    %scan3A_18 = arith.constant 1 : i32
    scf.for %scan3A_25 = %scan3A_15 to %scan3A_17 step %scan3A_18  : i32 {
      %mul3A_26 = arith.constant 8 : i32
      %mul3A_27 = arith.muli %scan3A_25, %mul3A_26 : i32
      "tpu.region"() ({
        %run_scoped3A_147 = tpu.sem_alloc : memref<!tpu.dma_semaphore, #tpu.memory_space<semaphore_mem>>
        %dma_start3A_148 = arith.constant 0 : i32
        %dma_start3A_149 = tpu.memref_slice %arg3[%add3A, %mul3A_27, %dma_start3A_148] : memref<32x80x125xi32, #tpu.memory_space<hbm>> -> memref<1x8x125xi32, #tpu.memory_space<hbm>>
        %dma_start3A_150 = tpu.memref_squeeze %dma_start3A_149 : memref<1x8x125xi32, #tpu.memory_space<hbm>> -> memref<8x125xi32, #tpu.memory_space<hbm>>
        %dma_start3A_151 = arith.constant 0 : i32
        %dma_start3A_152 = tpu.memref_slice %arg3[%add3A, %mul3A_27, %dma_start3A_151] : memref<32x80x125xi32, #tpu.memory_space<hbm>> -> memref<1x8x125xi32, #tpu.memory_space<hbm>>
        %dma_start3A_153 = tpu.memref_squeeze %dma_start3A_152 : memref<1x8x125xi32, #tpu.memory_space<hbm>> -> memref<8x125xi32, #tpu.memory_space<hbm>>
        tpu.enqueue_dma source(%dma_start3A_153 : memref<8x125xi32, #tpu.memory_space<hbm>>) target(%arg6 : memref<8x125xi32, #tpu.memory_space<vmem>>) target_semaphore(%run_scoped3A_147 : memref<!tpu.dma_semaphore, #tpu.memory_space<semaphore_mem>>)
        %dma_wait3A_154 = arith.constant 0 : i32
        %dma_wait3A_155 = tpu.memref_slice %arg3[%add3A, %mul3A_27, %dma_wait3A_154] : memref<32x80x125xi32, #tpu.memory_space<hbm>> -> memref<1x8x125xi32, #tpu.memory_space<hbm>>
        %dma_wait3A_156 = tpu.memref_squeeze %dma_wait3A_155 : memref<1x8x125xi32, #tpu.memory_space<hbm>> -> memref<8x125xi32, #tpu.memory_space<hbm>>
        %dma_wait3A_157 = arith.constant 0 : i32
        %dma_wait3A_158 = tpu.memref_slice %arg3[%add3A, %mul3A_27, %dma_wait3A_157] : memref<32x80x125xi32, #tpu.memory_space<hbm>> -> memref<1x8x125xi32, #tpu.memory_space<hbm>>
        %dma_wait3A_159 = tpu.memref_squeeze %dma_wait3A_158 : memref<1x8x125xi32, #tpu.memory_space<hbm>> -> memref<8x125xi32, #tpu.memory_space<hbm>>
        tpu.wait_dma2 semaphore(%run_scoped3A_147 : memref<!tpu.dma_semaphore, #tpu.memory_space<semaphore_mem>>) src(%dma_wait3A_159 : memref<8x125xi32, #tpu.memory_space<hbm>>) dst(%arg6 : memref<8x125xi32, #tpu.memory_space<vmem>>)
        tpu.yield
      }) : () -> ()
      %mul3A_28 = arith.constant 8 : i32
      %mul3A_29 = arith.muli %scan3A_25, %mul3A_28 : i32
      "tpu.region"() ({
        %run_scoped3A_147 = tpu.sem_alloc : memref<!tpu.dma_semaphore, #tpu.memory_space<semaphore_mem>>
        %dma_start3A_148 = arith.constant 0 : i32
        %dma_start3A_149 = tpu.memref_slice %arg4[%add3A, %mul3A_29, %dma_start3A_148] : memref<32x80x125xi32, #tpu.memory_space<hbm>> -> memref<1x8x125xi32, #tpu.memory_space<hbm>>
        %dma_start3A_150 = tpu.memref_squeeze %dma_start3A_149 : memref<1x8x125xi32, #tpu.memory_space<hbm>> -> memref<8x125xi32, #tpu.memory_space<hbm>>
        %dma_start3A_151 = arith.constant 0 : i32
        %dma_start3A_152 = tpu.memref_slice %arg4[%add3A, %mul3A_29, %dma_start3A_151] : memref<32x80x125xi32, #tpu.memory_space<hbm>> -> memref<1x8x125xi32, #tpu.memory_space<hbm>>
        %dma_start3A_153 = tpu.memref_squeeze %dma_start3A_152 : memref<1x8x125xi32, #tpu.memory_space<hbm>> -> memref<8x125xi32, #tpu.memory_space<hbm>>
        tpu.enqueue_dma source(%dma_start3A_153 : memref<8x125xi32, #tpu.memory_space<hbm>>) target(%arg7 : memref<8x125xi32, #tpu.memory_space<vmem>>) target_semaphore(%run_scoped3A_147 : memref<!tpu.dma_semaphore, #tpu.memory_space<semaphore_mem>>)
        %dma_wait3A_154 = arith.constant 0 : i32
        %dma_wait3A_155 = tpu.memref_slice %arg4[%add3A, %mul3A_29, %dma_wait3A_154] : memref<32x80x125xi32, #tpu.memory_space<hbm>> -> memref<1x8x125xi32, #tpu.memory_space<hbm>>
        %dma_wait3A_156 = tpu.memref_squeeze %dma_wait3A_155 : memref<1x8x125xi32, #tpu.memory_space<hbm>> -> memref<8x125xi32, #tpu.memory_space<hbm>>
        %dma_wait3A_157 = arith.constant 0 : i32
        %dma_wait3A_158 = tpu.memref_slice %arg4[%add3A, %mul3A_29, %dma_wait3A_157] : memref<32x80x125xi32, #tpu.memory_space<hbm>> -> memref<1x8x125xi32, #tpu.memory_space<hbm>>
        %dma_wait3A_159 = tpu.memref_squeeze %dma_wait3A_158 : memref<1x8x125xi32, #tpu.memory_space<hbm>> -> memref<8x125xi32, #tpu.memory_space<hbm>>
        tpu.wait_dma2 semaphore(%run_scoped3A_147 : memref<!tpu.dma_semaphore, #tpu.memory_space<semaphore_mem>>) src(%dma_wait3A_159 : memref<8x125xi32, #tpu.memory_space<hbm>>) dst(%arg7 : memref<8x125xi32, #tpu.memory_space<vmem>>)
        tpu.yield
      }) : () -> ()
      %dma_start3A = arith.constant 0 : i32
      %dma_start3A_30 = arith.constant 0 : i32
      %dma_start3A_31 = tpu.memref_slice %arg6[%dma_start3A, %dma_start3A_30] : memref<8x125xi32, #tpu.memory_space<vmem>> -> memref<1x125xi32, #tpu.memory_space<vmem>>
      %dma_start3A_32 = tpu.memref_squeeze %dma_start3A_31 : memref<1x125xi32, #tpu.memory_space<vmem>> -> memref<125xi32, #tpu.memory_space<vmem>>
      %dma_start3A_33 = arith.constant 0 : i32
      %dma_start3A_34 = arith.constant 0 : i32
      %dma_start3A_35 = tpu.memref_slice %arg2[%dma_start3A_33, %dma_start3A_34] : memref<10000x128xf32, #tpu.memory_space<hbm>> -> memref<10000x128xf32, #tpu.memory_space<hbm>>
      tpu.enqueue_indirect_dma source(%dma_start3A_35 : memref<10000x128xf32, #tpu.memory_space<hbm>>) target(%arg8 : memref<125x128xf32, #tpu.memory_space<vmem>>) offsets(%dma_start3A_32 : memref<125xi32, #tpu.memory_space<vmem>>) semaphore(%arg10 : memref<!tpu.dma_semaphore, #tpu.memory_space<semaphore_mem>>)
      %dma_start3A_36 = arith.constant 1 : i32
      %dma_start3A_37 = arith.constant 0 : i32
      %dma_start3A_38 = tpu.memref_slice %arg6[%dma_start3A_36, %dma_start3A_37] : memref<8x125xi32, #tpu.memory_space<vmem>> -> memref<1x125xi32, #tpu.memory_space<vmem>>
      %dma_start3A_39 = tpu.memref_squeeze %dma_start3A_38 : memref<1x125xi32, #tpu.memory_space<vmem>> -> memref<125xi32, #tpu.memory_space<vmem>>
      %dma_start3A_40 = arith.constant 0 : i32
      %dma_start3A_41 = arith.constant 0 : i32
      %dma_start3A_42 = tpu.memref_slice %arg2[%dma_start3A_40, %dma_start3A_41] : memref<10000x128xf32, #tpu.memory_space<hbm>> -> memref<10000x128xf32, #tpu.memory_space<hbm>>
      tpu.enqueue_indirect_dma source(%dma_start3A_42 : memref<10000x128xf32, #tpu.memory_space<hbm>>) target(%arg9 : memref<125x128xf32, #tpu.memory_space<vmem>>) offsets(%dma_start3A_39 : memref<125xi32, #tpu.memory_space<vmem>>) semaphore(%arg11 : memref<!tpu.dma_semaphore, #tpu.memory_space<semaphore_mem>>)
      %dma_wait3A = arith.constant 0 : i32
      %dma_wait3A_43 = arith.constant 0 : i32
      %dma_wait3A_44 = tpu.memref_slice %arg6[%dma_wait3A, %dma_wait3A_43] : memref<8x125xi32, #tpu.memory_space<vmem>> -> memref<1x125xi32, #tpu.memory_space<vmem>>
      %dma_wait3A_45 = tpu.memref_squeeze %dma_wait3A_44 : memref<1x125xi32, #tpu.memory_space<vmem>> -> memref<125xi32, #tpu.memory_space<vmem>>
      %dma_wait3A_46 = arith.constant 0 : i32
      %dma_wait3A_47 = arith.constant 0 : i32
      %dma_wait3A_48 = tpu.memref_slice %arg2[%dma_wait3A_46, %dma_wait3A_47] : memref<10000x128xf32, #tpu.memory_space<hbm>> -> memref<10000x128xf32, #tpu.memory_space<hbm>>
      tpu.wait_indirect_dma semaphore(%arg10 : memref<!tpu.dma_semaphore, #tpu.memory_space<semaphore_mem>>) src(%dma_wait3A_48 : memref<10000x128xf32, #tpu.memory_space<hbm>>) dst(%arg8 : memref<125x128xf32, #tpu.memory_space<vmem>>)
      %run_scoped3A = arith.constant 0 : i32
      "tpu.region"() ({
        %run_scoped3A_147 = tpu.sem_alloc : memref<!tpu.dma_semaphore, #tpu.memory_space<semaphore_mem>>
        %dma_start3A_148 = arith.constant 0 : i32
        %dma_start3A_149 = tpu.memref_slice %arg7[%run_scoped3A, %dma_start3A_148] : memref<8x125xi32, #tpu.memory_space<vmem>> -> memref<1x125xi32, #tpu.memory_space<vmem>>
        %dma_start3A_150 = tpu.memref_squeeze %dma_start3A_149 : memref<1x125xi32, #tpu.memory_space<vmem>> -> memref<125xi32, #tpu.memory_space<vmem>>
        %dma_start3A_151 = arith.constant 0 : i32
        %dma_start3A_152 = arith.constant 0 : i32
        %dma_start3A_153 = tpu.memref_slice %arg12[%dma_start3A_151, %dma_start3A_152] : memref<10112x128xf32, #tpu.memory_space<vmem_shared>> -> memref<10112x128xf32, #tpu.memory_space<vmem_shared>>
        tpu.enqueue_indirect_dma source(%arg8 : memref<125x128xf32, #tpu.memory_space<vmem>>) target(%dma_start3A_153 : memref<10112x128xf32, #tpu.memory_space<vmem_shared>>) offsets(%dma_start3A_150 : memref<125xi32, #tpu.memory_space<vmem>>) semaphore(%run_scoped3A_147 : memref<!tpu.dma_semaphore, #tpu.memory_space<semaphore_mem>>) {add = true}
        %dma_wait3A_154 = arith.constant 0 : i32
        %dma_wait3A_155 = tpu.memref_slice %arg7[%run_scoped3A, %dma_wait3A_154] : memref<8x125xi32, #tpu.memory_space<vmem>> -> memref<1x125xi32, #tpu.memory_space<vmem>>
        %dma_wait3A_156 = tpu.memref_squeeze %dma_wait3A_155 : memref<1x125xi32, #tpu.memory_space<vmem>> -> memref<125xi32, #tpu.memory_space<vmem>>
        %dma_wait3A_157 = arith.constant 0 : i32
        %dma_wait3A_158 = arith.constant 0 : i32
        %dma_wait3A_159 = tpu.memref_slice %arg12[%dma_wait3A_157, %dma_wait3A_158] : memref<10112x128xf32, #tpu.memory_space<vmem_shared>> -> memref<10112x128xf32, #tpu.memory_space<vmem_shared>>
        tpu.wait_indirect_dma semaphore(%run_scoped3A_147 : memref<!tpu.dma_semaphore, #tpu.memory_space<semaphore_mem>>) src(%arg8 : memref<125x128xf32, #tpu.memory_space<vmem>>) dst(%dma_wait3A_159 : memref<10112x128xf32, #tpu.memory_space<vmem_shared>>)
        tpu.yield
      }) : () -> ()
      %dma_start3A_49 = arith.constant 2 : i32
      %dma_start3A_50 = arith.constant 0 : i32
      %dma_start3A_51 = tpu.memref_slice %arg6[%dma_start3A_49, %dma_start3A_50] : memref<8x125xi32, #tpu.memory_space<vmem>> -> memref<1x125xi32, #tpu.memory_space<vmem>>
      %dma_start3A_52 = tpu.memref_squeeze %dma_start3A_51 : memref<1x125xi32, #tpu.memory_space<vmem>> -> memref<125xi32, #tpu.memory_space<vmem>>
      %dma_start3A_53 = arith.constant 0 : i32
      %dma_start3A_54 = arith.constant 0 : i32
      %dma_start3A_55 = tpu.memref_slice %arg2[%dma_start3A_53, %dma_start3A_54] : memref<10000x128xf32, #tpu.memory_space<hbm>> -> memref<10000x128xf32, #tpu.memory_space<hbm>>
      tpu.enqueue_indirect_dma source(%dma_start3A_55 : memref<10000x128xf32, #tpu.memory_space<hbm>>) target(%arg8 : memref<125x128xf32, #tpu.memory_space<vmem>>) offsets(%dma_start3A_52 : memref<125xi32, #tpu.memory_space<vmem>>) semaphore(%arg10 : memref<!tpu.dma_semaphore, #tpu.memory_space<semaphore_mem>>)
      %dma_wait3A_56 = arith.constant 1 : i32
      %dma_wait3A_57 = arith.constant 0 : i32
      %dma_wait3A_58 = tpu.memref_slice %arg6[%dma_wait3A_56, %dma_wait3A_57] : memref<8x125xi32, #tpu.memory_space<vmem>> -> memref<1x125xi32, #tpu.memory_space<vmem>>
      %dma_wait3A_59 = tpu.memref_squeeze %dma_wait3A_58 : memref<1x125xi32, #tpu.memory_space<vmem>> -> memref<125xi32, #tpu.memory_space<vmem>>
      %dma_wait3A_60 = arith.constant 0 : i32
      %dma_wait3A_61 = arith.constant 0 : i32
      %dma_wait3A_62 = tpu.memref_slice %arg2[%dma_wait3A_60, %dma_wait3A_61] : memref<10000x128xf32, #tpu.memory_space<hbm>> -> memref<10000x128xf32, #tpu.memory_space<hbm>>
      tpu.wait_indirect_dma semaphore(%arg11 : memref<!tpu.dma_semaphore, #tpu.memory_space<semaphore_mem>>) src(%dma_wait3A_62 : memref<10000x128xf32, #tpu.memory_space<hbm>>) dst(%arg9 : memref<125x128xf32, #tpu.memory_space<vmem>>)
      %run_scoped3A_63 = arith.constant 1 : i32
      "tpu.region"() ({
        %run_scoped3A_147 = tpu.sem_alloc : memref<!tpu.dma_semaphore, #tpu.memory_space<semaphore_mem>>
        %dma_start3A_148 = arith.constant 0 : i32
        %dma_start3A_149 = tpu.memref_slice %arg7[%run_scoped3A_63, %dma_start3A_148] : memref<8x125xi32, #tpu.memory_space<vmem>> -> memref<1x125xi32, #tpu.memory_space<vmem>>
        %dma_start3A_150 = tpu.memref_squeeze %dma_start3A_149 : memref<1x125xi32, #tpu.memory_space<vmem>> -> memref<125xi32, #tpu.memory_space<vmem>>
        %dma_start3A_151 = arith.constant 0 : i32
        %dma_start3A_152 = arith.constant 0 : i32
        %dma_start3A_153 = tpu.memref_slice %arg12[%dma_start3A_151, %dma_start3A_152] : memref<10112x128xf32, #tpu.memory_space<vmem_shared>> -> memref<10112x128xf32, #tpu.memory_space<vmem_shared>>
        tpu.enqueue_indirect_dma source(%arg9 : memref<125x128xf32, #tpu.memory_space<vmem>>) target(%dma_start3A_153 : memref<10112x128xf32, #tpu.memory_space<vmem_shared>>) offsets(%dma_start3A_150 : memref<125xi32, #tpu.memory_space<vmem>>) semaphore(%run_scoped3A_147 : memref<!tpu.dma_semaphore, #tpu.memory_space<semaphore_mem>>) {add = true}
        %dma_wait3A_154 = arith.constant 0 : i32
        %dma_wait3A_155 = tpu.memref_slice %arg7[%run_scoped3A_63, %dma_wait3A_154] : memref<8x125xi32, #tpu.memory_space<vmem>> -> memref<1x125xi32, #tpu.memory_space<vmem>>
        %dma_wait3A_156 = tpu.memref_squeeze %dma_wait3A_155 : memref<1x125xi32, #tpu.memory_space<vmem>> -> memref<125xi32, #tpu.memory_space<vmem>>
        %dma_wait3A_157 = arith.constant 0 : i32
        %dma_wait3A_158 = arith.constant 0 : i32
        %dma_wait3A_159 = tpu.memref_slice %arg12[%dma_wait3A_157, %dma_wait3A_158] : memref<10112x128xf32, #tpu.memory_space<vmem_shared>> -> memref<10112x128xf32, #tpu.memory_space<vmem_shared>>
        tpu.wait_indirect_dma semaphore(%run_scoped3A_147 : memref<!tpu.dma_semaphore, #tpu.memory_space<semaphore_mem>>) src(%arg9 : memref<125x128xf32, #tpu.memory_space<vmem>>) dst(%dma_wait3A_159 : memref<10112x128xf32, #tpu.memory_space<vmem_shared>>)
        tpu.yield
      }) : () -> ()
      %dma_start3A_64 = arith.constant 3 : i32
      %dma_start3A_65 = arith.constant 0 : i32
      %dma_start3A_66 = tpu.memref_slice %arg6[%dma_start3A_64, %dma_start3A_65] : memref<8x125xi32, #tpu.memory_space<vmem>> -> memref<1x125xi32, #tpu.memory_space<vmem>>
      %dma_start3A_67 = tpu.memref_squeeze %dma_start3A_66 : memref<1x125xi32, #tpu.memory_space<vmem>> -> memref<125xi32, #tpu.memory_space<vmem>>
      %dma_start3A_68 = arith.constant 0 : i32
      %dma_start3A_69 = arith.constant 0 : i32
      %dma_start3A_70 = tpu.memref_slice %arg2[%dma_start3A_68, %dma_start3A_69] : memref<10000x128xf32, #tpu.memory_space<hbm>> -> memref<10000x128xf32, #tpu.memory_space<hbm>>
      tpu.enqueue_indirect_dma source(%dma_start3A_70 : memref<10000x128xf32, #tpu.memory_space<hbm>>) target(%arg9 : memref<125x128xf32, #tpu.memory_space<vmem>>) offsets(%dma_start3A_67 : memref<125xi32, #tpu.memory_space<vmem>>) semaphore(%arg11 : memref<!tpu.dma_semaphore, #tpu.memory_space<semaphore_mem>>)
      %dma_wait3A_71 = arith.constant 2 : i32
      %dma_wait3A_72 = arith.constant 0 : i32
      %dma_wait3A_73 = tpu.memref_slice %arg6[%dma_wait3A_71, %dma_wait3A_72] : memref<8x125xi32, #tpu.memory_space<vmem>> -> memref<1x125xi32, #tpu.memory_space<vmem>>
      %dma_wait3A_74 = tpu.memref_squeeze %dma_wait3A_73 : memref<1x125xi32, #tpu.memory_space<vmem>> -> memref<125xi32, #tpu.memory_space<vmem>>
      %dma_wait3A_75 = arith.constant 0 : i32
      %dma_wait3A_76 = arith.constant 0 : i32
      %dma_wait3A_77 = tpu.memref_slice %arg2[%dma_wait3A_75, %dma_wait3A_76] : memref<10000x128xf32, #tpu.memory_space<hbm>> -> memref<10000x128xf32, #tpu.memory_space<hbm>>
      tpu.wait_indirect_dma semaphore(%arg10 : memref<!tpu.dma_semaphore, #tpu.memory_space<semaphore_mem>>) src(%dma_wait3A_77 : memref<10000x128xf32, #tpu.memory_space<hbm>>) dst(%arg8 : memref<125x128xf32, #tpu.memory_space<vmem>>)
      %run_scoped3A_78 = arith.constant 2 : i32
      "tpu.region"() ({
        %run_scoped3A_147 = tpu.sem_alloc : memref<!tpu.dma_semaphore, #tpu.memory_space<semaphore_mem>>
        %dma_start3A_148 = arith.constant 0 : i32
        %dma_start3A_149 = tpu.memref_slice %arg7[%run_scoped3A_78, %dma_start3A_148] : memref<8x125xi32, #tpu.memory_space<vmem>> -> memref<1x125xi32, #tpu.memory_space<vmem>>
        %dma_start3A_150 = tpu.memref_squeeze %dma_start3A_149 : memref<1x125xi32, #tpu.memory_space<vmem>> -> memref<125xi32, #tpu.memory_space<vmem>>
        %dma_start3A_151 = arith.constant 0 : i32
        %dma_start3A_152 = arith.constant 0 : i32
        %dma_start3A_153 = tpu.memref_slice %arg12[%dma_start3A_151, %dma_start3A_152] : memref<10112x128xf32, #tpu.memory_space<vmem_shared>> -> memref<10112x128xf32, #tpu.memory_space<vmem_shared>>
        tpu.enqueue_indirect_dma source(%arg8 : memref<125x128xf32, #tpu.memory_space<vmem>>) target(%dma_start3A_153 : memref<10112x128xf32, #tpu.memory_space<vmem_shared>>) offsets(%dma_start3A_150 : memref<125xi32, #tpu.memory_space<vmem>>) semaphore(%run_scoped3A_147 : memref<!tpu.dma_semaphore, #tpu.memory_space<semaphore_mem>>) {add = true}
        %dma_wait3A_154 = arith.constant 0 : i32
        %dma_wait3A_155 = tpu.memref_slice %arg7[%run_scoped3A_78, %dma_wait3A_154] : memref<8x125xi32, #tpu.memory_space<vmem>> -> memref<1x125xi32, #tpu.memory_space<vmem>>
        %dma_wait3A_156 = tpu.memref_squeeze %dma_wait3A_155 : memref<1x125xi32, #tpu.memory_space<vmem>> -> memref<125xi32, #tpu.memory_space<vmem>>
        %dma_wait3A_157 = arith.constant 0 : i32
        %dma_wait3A_158 = arith.constant 0 : i32
        %dma_wait3A_159 = tpu.memref_slice %arg12[%dma_wait3A_157, %dma_wait3A_158] : memref<10112x128xf32, #tpu.memory_space<vmem_shared>> -> memref<10112x128xf32, #tpu.memory_space<vmem_shared>>
        tpu.wait_indirect_dma semaphore(%run_scoped3A_147 : memref<!tpu.dma_semaphore, #tpu.memory_space<semaphore_mem>>) src(%arg8 : memref<125x128xf32, #tpu.memory_space<vmem>>) dst(%dma_wait3A_159 : memref<10112x128xf32, #tpu.memory_space<vmem_shared>>)
        tpu.yield
      }) : () -> ()
      %dma_start3A_79 = arith.constant 4 : i32
      %dma_start3A_80 = arith.constant 0 : i32
      %dma_start3A_81 = tpu.memref_slice %arg6[%dma_start3A_79, %dma_start3A_80] : memref<8x125xi32, #tpu.memory_space<vmem>> -> memref<1x125xi32, #tpu.memory_space<vmem>>
      %dma_start3A_82 = tpu.memref_squeeze %dma_start3A_81 : memref<1x125xi32, #tpu.memory_space<vmem>> -> memref<125xi32, #tpu.memory_space<vmem>>
      %dma_start3A_83 = arith.constant 0 : i32
      %dma_start3A_84 = arith.constant 0 : i32
      %dma_start3A_85 = tpu.memref_slice %arg2[%dma_start3A_83, %dma_start3A_84] : memref<10000x128xf32, #tpu.memory_space<hbm>> -> memref<10000x128xf32, #tpu.memory_space<hbm>>
      tpu.enqueue_indirect_dma source(%dma_start3A_85 : memref<10000x128xf32, #tpu.memory_space<hbm>>) target(%arg8 : memref<125x128xf32, #tpu.memory_space<vmem>>) offsets(%dma_start3A_82 : memref<125xi32, #tpu.memory_space<vmem>>) semaphore(%arg10 : memref<!tpu.dma_semaphore, #tpu.memory_space<semaphore_mem>>)
      %dma_wait3A_86 = arith.constant 3 : i32
      %dma_wait3A_87 = arith.constant 0 : i32
      %dma_wait3A_88 = tpu.memref_slice %arg6[%dma_wait3A_86, %dma_wait3A_87] : memref<8x125xi32, #tpu.memory_space<vmem>> -> memref<1x125xi32, #tpu.memory_space<vmem>>
      %dma_wait3A_89 = tpu.memref_squeeze %dma_wait3A_88 : memref<1x125xi32, #tpu.memory_space<vmem>> -> memref<125xi32, #tpu.memory_space<vmem>>
      %dma_wait3A_90 = arith.constant 0 : i32
      %dma_wait3A_91 = arith.constant 0 : i32
      %dma_wait3A_92 = tpu.memref_slice %arg2[%dma_wait3A_90, %dma_wait3A_91] : memref<10000x128xf32, #tpu.memory_space<hbm>> -> memref<10000x128xf32, #tpu.memory_space<hbm>>
      tpu.wait_indirect_dma semaphore(%arg11 : memref<!tpu.dma_semaphore, #tpu.memory_space<semaphore_mem>>) src(%dma_wait3A_92 : memref<10000x128xf32, #tpu.memory_space<hbm>>) dst(%arg9 : memref<125x128xf32, #tpu.memory_space<vmem>>)
      %run_scoped3A_93 = arith.constant 3 : i32
      "tpu.region"() ({
        %run_scoped3A_147 = tpu.sem_alloc : memref<!tpu.dma_semaphore, #tpu.memory_space<semaphore_mem>>
        %dma_start3A_148 = arith.constant 0 : i32
        %dma_start3A_149 = tpu.memref_slice %arg7[%run_scoped3A_93, %dma_start3A_148] : memref<8x125xi32, #tpu.memory_space<vmem>> -> memref<1x125xi32, #tpu.memory_space<vmem>>
        %dma_start3A_150 = tpu.memref_squeeze %dma_start3A_149 : memref<1x125xi32, #tpu.memory_space<vmem>> -> memref<125xi32, #tpu.memory_space<vmem>>
        %dma_start3A_151 = arith.constant 0 : i32
        %dma_start3A_152 = arith.constant 0 : i32
        %dma_start3A_153 = tpu.memref_slice %arg12[%dma_start3A_151, %dma_start3A_152] : memref<10112x128xf32, #tpu.memory_space<vmem_shared>> -> memref<10112x128xf32, #tpu.memory_space<vmem_shared>>
        tpu.enqueue_indirect_dma source(%arg9 : memref<125x128xf32, #tpu.memory_space<vmem>>) target(%dma_start3A_153 : memref<10112x128xf32, #tpu.memory_space<vmem_shared>>) offsets(%dma_start3A_150 : memref<125xi32, #tpu.memory_space<vmem>>) semaphore(%run_scoped3A_147 : memref<!tpu.dma_semaphore, #tpu.memory_space<semaphore_mem>>) {add = true}
        %dma_wait3A_154 = arith.constant 0 : i32
        %dma_wait3A_155 = tpu.memref_slice %arg7[%run_scoped3A_93, %dma_wait3A_154] : memref<8x125xi32, #tpu.memory_space<vmem>> -> memref<1x125xi32, #tpu.memory_space<vmem>>
        %dma_wait3A_156 = tpu.memref_squeeze %dma_wait3A_155 : memref<1x125xi32, #tpu.memory_space<vmem>> -> memref<125xi32, #tpu.memory_space<vmem>>
        %dma_wait3A_157 = arith.constant 0 : i32
        %dma_wait3A_158 = arith.constant 0 : i32
        %dma_wait3A_159 = tpu.memref_slice %arg12[%dma_wait3A_157, %dma_wait3A_158] : memref<10112x128xf32, #tpu.memory_space<vmem_shared>> -> memref<10112x128xf32, #tpu.memory_space<vmem_shared>>
        tpu.wait_indirect_dma semaphore(%run_scoped3A_147 : memref<!tpu.dma_semaphore, #tpu.memory_space<semaphore_mem>>) src(%arg9 : memref<125x128xf32, #tpu.memory_space<vmem>>) dst(%dma_wait3A_159 : memref<10112x128xf32, #tpu.memory_space<vmem_shared>>)
        tpu.yield
      }) : () -> ()
      %dma_start3A_94 = arith.constant 5 : i32
      %dma_start3A_95 = arith.constant 0 : i32
      %dma_start3A_96 = tpu.memref_slice %arg6[%dma_start3A_94, %dma_start3A_95] : memref<8x125xi32, #tpu.memory_space<vmem>> -> memref<1x125xi32, #tpu.memory_space<vmem>>
      %dma_start3A_97 = tpu.memref_squeeze %dma_start3A_96 : memref<1x125xi32, #tpu.memory_space<vmem>> -> memref<125xi32, #tpu.memory_space<vmem>>
      %dma_start3A_98 = arith.constant 0 : i32
      %dma_start3A_99 = arith.constant 0 : i32
      %dma_start3A_100 = tpu.memref_slice %arg2[%dma_start3A_98, %dma_start3A_99] : memref<10000x128xf32, #tpu.memory_space<hbm>> -> memref<10000x128xf32, #tpu.memory_space<hbm>>
      tpu.enqueue_indirect_dma source(%dma_start3A_100 : memref<10000x128xf32, #tpu.memory_space<hbm>>) target(%arg9 : memref<125x128xf32, #tpu.memory_space<vmem>>) offsets(%dma_start3A_97 : memref<125xi32, #tpu.memory_space<vmem>>) semaphore(%arg11 : memref<!tpu.dma_semaphore, #tpu.memory_space<semaphore_mem>>)
      %dma_wait3A_101 = arith.constant 4 : i32
      %dma_wait3A_102 = arith.constant 0 : i32
      %dma_wait3A_103 = tpu.memref_slice %arg6[%dma_wait3A_101, %dma_wait3A_102] : memref<8x125xi32, #tpu.memory_space<vmem>> -> memref<1x125xi32, #tpu.memory_space<vmem>>
      %dma_wait3A_104 = tpu.memref_squeeze %dma_wait3A_103 : memref<1x125xi32, #tpu.memory_space<vmem>> -> memref<125xi32, #tpu.memory_space<vmem>>
      %dma_wait3A_105 = arith.constant 0 : i32
      %dma_wait3A_106 = arith.constant 0 : i32
      %dma_wait3A_107 = tpu.memref_slice %arg2[%dma_wait3A_105, %dma_wait3A_106] : memref<10000x128xf32, #tpu.memory_space<hbm>> -> memref<10000x128xf32, #tpu.memory_space<hbm>>
      tpu.wait_indirect_dma semaphore(%arg10 : memref<!tpu.dma_semaphore, #tpu.memory_space<semaphore_mem>>) src(%dma_wait3A_107 : memref<10000x128xf32, #tpu.memory_space<hbm>>) dst(%arg8 : memref<125x128xf32, #tpu.memory_space<vmem>>)
      %run_scoped3A_108 = arith.constant 4 : i32
      "tpu.region"() ({
        %run_scoped3A_147 = tpu.sem_alloc : memref<!tpu.dma_semaphore, #tpu.memory_space<semaphore_mem>>
        %dma_start3A_148 = arith.constant 0 : i32
        %dma_start3A_149 = tpu.memref_slice %arg7[%run_scoped3A_108, %dma_start3A_148] : memref<8x125xi32, #tpu.memory_space<vmem>> -> memref<1x125xi32, #tpu.memory_space<vmem>>
        %dma_start3A_150 = tpu.memref_squeeze %dma_start3A_149 : memref<1x125xi32, #tpu.memory_space<vmem>> -> memref<125xi32, #tpu.memory_space<vmem>>
        %dma_start3A_151 = arith.constant 0 : i32
        %dma_start3A_152 = arith.constant 0 : i32
        %dma_start3A_153 = tpu.memref_slice %arg12[%dma_start3A_151, %dma_start3A_152] : memref<10112x128xf32, #tpu.memory_space<vmem_shared>> -> memref<10112x128xf32, #tpu.memory_space<vmem_shared>>
        tpu.enqueue_indirect_dma source(%arg8 : memref<125x128xf32, #tpu.memory_space<vmem>>) target(%dma_start3A_153 : memref<10112x128xf32, #tpu.memory_space<vmem_shared>>) offsets(%dma_start3A_150 : memref<125xi32, #tpu.memory_space<vmem>>) semaphore(%run_scoped3A_147 : memref<!tpu.dma_semaphore, #tpu.memory_space<semaphore_mem>>) {add = true}
        %dma_wait3A_154 = arith.constant 0 : i32
        %dma_wait3A_155 = tpu.memref_slice %arg7[%run_scoped3A_108, %dma_wait3A_154] : memref<8x125xi32, #tpu.memory_space<vmem>> -> memref<1x125xi32, #tpu.memory_space<vmem>>
        %dma_wait3A_156 = tpu.memref_squeeze %dma_wait3A_155 : memref<1x125xi32, #tpu.memory_space<vmem>> -> memref<125xi32, #tpu.memory_space<vmem>>
        %dma_wait3A_157 = arith.constant 0 : i32
        %dma_wait3A_158 = arith.constant 0 : i32
        %dma_wait3A_159 = tpu.memref_slice %arg12[%dma_wait3A_157, %dma_wait3A_158] : memref<10112x128xf32, #tpu.memory_space<vmem_shared>> -> memref<10112x128xf32, #tpu.memory_space<vmem_shared>>
        tpu.wait_indirect_dma semaphore(%run_scoped3A_147 : memref<!tpu.dma_semaphore, #tpu.memory_space<semaphore_mem>>) src(%arg8 : memref<125x128xf32, #tpu.memory_space<vmem>>) dst(%dma_wait3A_159 : memref<10112x128xf32, #tpu.memory_space<vmem_shared>>)
        tpu.yield
      }) : () -> ()
      %dma_start3A_109 = arith.constant 6 : i32
      %dma_start3A_110 = arith.constant 0 : i32
      %dma_start3A_111 = tpu.memref_slice %arg6[%dma_start3A_109, %dma_start3A_110] : memref<8x125xi32, #tpu.memory_space<vmem>> -> memref<1x125xi32, #tpu.memory_space<vmem>>
      %dma_start3A_112 = tpu.memref_squeeze %dma_start3A_111 : memref<1x125xi32, #tpu.memory_space<vmem>> -> memref<125xi32, #tpu.memory_space<vmem>>
      %dma_start3A_113 = arith.constant 0 : i32
      %dma_start3A_114 = arith.constant 0 : i32
      %dma_start3A_115 = tpu.memref_slice %arg2[%dma_start3A_113, %dma_start3A_114] : memref<10000x128xf32, #tpu.memory_space<hbm>> -> memref<10000x128xf32, #tpu.memory_space<hbm>>
      tpu.enqueue_indirect_dma source(%dma_start3A_115 : memref<10000x128xf32, #tpu.memory_space<hbm>>) target(%arg8 : memref<125x128xf32, #tpu.memory_space<vmem>>) offsets(%dma_start3A_112 : memref<125xi32, #tpu.memory_space<vmem>>) semaphore(%arg10 : memref<!tpu.dma_semaphore, #tpu.memory_space<semaphore_mem>>)
      %dma_wait3A_116 = arith.constant 5 : i32
      %dma_wait3A_117 = arith.constant 0 : i32
      %dma_wait3A_118 = tpu.memref_slice %arg6[%dma_wait3A_116, %dma_wait3A_117] : memref<8x125xi32, #tpu.memory_space<vmem>> -> memref<1x125xi32, #tpu.memory_space<vmem>>
      %dma_wait3A_119 = tpu.memref_squeeze %dma_wait3A_118 : memref<1x125xi32, #tpu.memory_space<vmem>> -> memref<125xi32, #tpu.memory_space<vmem>>
      %dma_wait3A_120 = arith.constant 0 : i32
      %dma_wait3A_121 = arith.constant 0 : i32
      %dma_wait3A_122 = tpu.memref_slice %arg2[%dma_wait3A_120, %dma_wait3A_121] : memref<10000x128xf32, #tpu.memory_space<hbm>> -> memref<10000x128xf32, #tpu.memory_space<hbm>>
      tpu.wait_indirect_dma semaphore(%arg11 : memref<!tpu.dma_semaphore, #tpu.memory_space<semaphore_mem>>) src(%dma_wait3A_122 : memref<10000x128xf32, #tpu.memory_space<hbm>>) dst(%arg9 : memref<125x128xf32, #tpu.memory_space<vmem>>)
      %run_scoped3A_123 = arith.constant 5 : i32
      "tpu.region"() ({
        %run_scoped3A_147 = tpu.sem_alloc : memref<!tpu.dma_semaphore, #tpu.memory_space<semaphore_mem>>
        %dma_start3A_148 = arith.constant 0 : i32
        %dma_start3A_149 = tpu.memref_slice %arg7[%run_scoped3A_123, %dma_start3A_148] : memref<8x125xi32, #tpu.memory_space<vmem>> -> memref<1x125xi32, #tpu.memory_space<vmem>>
        %dma_start3A_150 = tpu.memref_squeeze %dma_start3A_149 : memref<1x125xi32, #tpu.memory_space<vmem>> -> memref<125xi32, #tpu.memory_space<vmem>>
        %dma_start3A_151 = arith.constant 0 : i32
        %dma_start3A_152 = arith.constant 0 : i32
        %dma_start3A_153 = tpu.memref_slice %arg12[%dma_start3A_151, %dma_start3A_152] : memref<10112x128xf32, #tpu.memory_space<vmem_shared>> -> memref<10112x128xf32, #tpu.memory_space<vmem_shared>>
        tpu.enqueue_indirect_dma source(%arg9 : memref<125x128xf32, #tpu.memory_space<vmem>>) target(%dma_start3A_153 : memref<10112x128xf32, #tpu.memory_space<vmem_shared>>) offsets(%dma_start3A_150 : memref<125xi32, #tpu.memory_space<vmem>>) semaphore(%run_scoped3A_147 : memref<!tpu.dma_semaphore, #tpu.memory_space<semaphore_mem>>) {add = true}
        %dma_wait3A_154 = arith.constant 0 : i32
        %dma_wait3A_155 = tpu.memref_slice %arg7[%run_scoped3A_123, %dma_wait3A_154] : memref<8x125xi32, #tpu.memory_space<vmem>> -> memref<1x125xi32, #tpu.memory_space<vmem>>
        %dma_wait3A_156 = tpu.memref_squeeze %dma_wait3A_155 : memref<1x125xi32, #tpu.memory_space<vmem>> -> memref<125xi32, #tpu.memory_space<vmem>>
        %dma_wait3A_157 = arith.constant 0 : i32
        %dma_wait3A_158 = arith.constant 0 : i32
        %dma_wait3A_159 = tpu.memref_slice %arg12[%dma_wait3A_157, %dma_wait3A_158] : memref<10112x128xf32, #tpu.memory_space<vmem_shared>> -> memref<10112x128xf32, #tpu.memory_space<vmem_shared>>
        tpu.wait_indirect_dma semaphore(%run_scoped3A_147 : memref<!tpu.dma_semaphore, #tpu.memory_space<semaphore_mem>>) src(%arg9 : memref<125x128xf32, #tpu.memory_space<vmem>>) dst(%dma_wait3A_159 : memref<10112x128xf32, #tpu.memory_space<vmem_shared>>)
        tpu.yield
      }) : () -> ()
      %dma_start3A_124 = arith.constant 7 : i32
      %dma_start3A_125 = arith.constant 0 : i32
      %dma_start3A_126 = tpu.memref_slice %arg6[%dma_start3A_124, %dma_start3A_125] : memref<8x125xi32, #tpu.memory_space<vmem>> -> memref<1x125xi32, #tpu.memory_space<vmem>>
      %dma_start3A_127 = tpu.memref_squeeze %dma_start3A_126 : memref<1x125xi32, #tpu.memory_space<vmem>> -> memref<125xi32, #tpu.memory_space<vmem>>
      %dma_start3A_128 = arith.constant 0 : i32
      %dma_start3A_129 = arith.constant 0 : i32
      %dma_start3A_130 = tpu.memref_slice %arg2[%dma_start3A_128, %dma_start3A_129] : memref<10000x128xf32, #tpu.memory_space<hbm>> -> memref<10000x128xf32, #tpu.memory_space<hbm>>
      tpu.enqueue_indirect_dma source(%dma_start3A_130 : memref<10000x128xf32, #tpu.memory_space<hbm>>) target(%arg9 : memref<125x128xf32, #tpu.memory_space<vmem>>) offsets(%dma_start3A_127 : memref<125xi32, #tpu.memory_space<vmem>>) semaphore(%arg11 : memref<!tpu.dma_semaphore, #tpu.memory_space<semaphore_mem>>)
      %dma_wait3A_131 = arith.constant 6 : i32
      %dma_wait3A_132 = arith.constant 0 : i32
      %dma_wait3A_133 = tpu.memref_slice %arg6[%dma_wait3A_131, %dma_wait3A_132] : memref<8x125xi32, #tpu.memory_space<vmem>> -> memref<1x125xi32, #tpu.memory_space<vmem>>
      %dma_wait3A_134 = tpu.memref_squeeze %dma_wait3A_133 : memref<1x125xi32, #tpu.memory_space<vmem>> -> memref<125xi32, #tpu.memory_space<vmem>>
      %dma_wait3A_135 = arith.constant 0 : i32
      %dma_wait3A_136 = arith.constant 0 : i32
      %dma_wait3A_137 = tpu.memref_slice %arg2[%dma_wait3A_135, %dma_wait3A_136] : memref<10000x128xf32, #tpu.memory_space<hbm>> -> memref<10000x128xf32, #tpu.memory_space<hbm>>
      tpu.wait_indirect_dma semaphore(%arg10 : memref<!tpu.dma_semaphore, #tpu.memory_space<semaphore_mem>>) src(%dma_wait3A_137 : memref<10000x128xf32, #tpu.memory_space<hbm>>) dst(%arg8 : memref<125x128xf32, #tpu.memory_space<vmem>>)
      %run_scoped3A_138 = arith.constant 6 : i32
      "tpu.region"() ({
        %run_scoped3A_147 = tpu.sem_alloc : memref<!tpu.dma_semaphore, #tpu.memory_space<semaphore_mem>>
        %dma_start3A_148 = arith.constant 0 : i32
        %dma_start3A_149 = tpu.memref_slice %arg7[%run_scoped3A_138, %dma_start3A_148] : memref<8x125xi32, #tpu.memory_space<vmem>> -> memref<1x125xi32, #tpu.memory_space<vmem>>
        %dma_start3A_150 = tpu.memref_squeeze %dma_start3A_149 : memref<1x125xi32, #tpu.memory_space<vmem>> -> memref<125xi32, #tpu.memory_space<vmem>>
        %dma_start3A_151 = arith.constant 0 : i32
        %dma_start3A_152 = arith.constant 0 : i32
        %dma_start3A_153 = tpu.memref_slice %arg12[%dma_start3A_151, %dma_start3A_152] : memref<10112x128xf32, #tpu.memory_space<vmem_shared>> -> memref<10112x128xf32, #tpu.memory_space<vmem_shared>>
        tpu.enqueue_indirect_dma source(%arg8 : memref<125x128xf32, #tpu.memory_space<vmem>>) target(%dma_start3A_153 : memref<10112x128xf32, #tpu.memory_space<vmem_shared>>) offsets(%dma_start3A_150 : memref<125xi32, #tpu.memory_space<vmem>>) semaphore(%run_scoped3A_147 : memref<!tpu.dma_semaphore, #tpu.memory_space<semaphore_mem>>) {add = true}
        %dma_wait3A_154 = arith.constant 0 : i32
        %dma_wait3A_155 = tpu.memref_slice %arg7[%run_scoped3A_138, %dma_wait3A_154] : memref<8x125xi32, #tpu.memory_space<vmem>> -> memref<1x125xi32, #tpu.memory_space<vmem>>
        %dma_wait3A_156 = tpu.memref_squeeze %dma_wait3A_155 : memref<1x125xi32, #tpu.memory_space<vmem>> -> memref<125xi32, #tpu.memory_space<vmem>>
        %dma_wait3A_157 = arith.constant 0 : i32
        %dma_wait3A_158 = arith.constant 0 : i32
        %dma_wait3A_159 = tpu.memref_slice %arg12[%dma_wait3A_157, %dma_wait3A_158] : memref<10112x128xf32, #tpu.memory_space<vmem_shared>> -> memref<10112x128xf32, #tpu.memory_space<vmem_shared>>
        tpu.wait_indirect_dma semaphore(%run_scoped3A_147 : memref<!tpu.dma_semaphore, #tpu.memory_space<semaphore_mem>>) src(%arg8 : memref<125x128xf32, #tpu.memory_space<vmem>>) dst(%dma_wait3A_159 : memref<10112x128xf32, #tpu.memory_space<vmem_shared>>)
        tpu.yield
      }) : () -> ()
      %dma_wait3A_139 = arith.constant 7 : i32
      %dma_wait3A_140 = arith.constant 0 : i32
      %dma_wait3A_141 = tpu.memref_slice %arg6[%dma_wait3A_139, %dma_wait3A_140] : memref<8x125xi32, #tpu.memory_space<vmem>> -> memref<1x125xi32, #tpu.memory_space<vmem>>
      %dma_wait3A_142 = tpu.memref_squeeze %dma_wait3A_141 : memref<1x125xi32, #tpu.memory_space<vmem>> -> memref<125xi32, #tpu.memory_space<vmem>>
      %dma_wait3A_143 = arith.constant 0 : i32
      %dma_wait3A_144 = arith.constant 0 : i32
      %dma_wait3A_145 = tpu.memref_slice %arg2[%dma_wait3A_143, %dma_wait3A_144] : memref<10000x128xf32, #tpu.memory_space<hbm>> -> memref<10000x128xf32, #tpu.memory_space<hbm>>
      tpu.wait_indirect_dma semaphore(%arg11 : memref<!tpu.dma_semaphore, #tpu.memory_space<semaphore_mem>>) src(%dma_wait3A_145 : memref<10000x128xf32, #tpu.memory_space<hbm>>) dst(%arg9 : memref<125x128xf32, #tpu.memory_space<vmem>>)
      %run_scoped3A_146 = arith.constant 7 : i32
      "tpu.region"() ({
        %run_scoped3A_147 = tpu.sem_alloc : memref<!tpu.dma_semaphore, #tpu.memory_space<semaphore_mem>>
        %dma_start3A_148 = arith.constant 0 : i32
        %dma_start3A_149 = tpu.memref_slice %arg7[%run_scoped3A_146, %dma_start3A_148] : memref<8x125xi32, #tpu.memory_space<vmem>> -> memref<1x125xi32, #tpu.memory_space<vmem>>
        %dma_start3A_150 = tpu.memref_squeeze %dma_start3A_149 : memref<1x125xi32, #tpu.memory_space<vmem>> -> memref<125xi32, #tpu.memory_space<vmem>>
        %dma_start3A_151 = arith.constant 0 : i32
        %dma_start3A_152 = arith.constant 0 : i32
        %dma_start3A_153 = tpu.memref_slice %arg12[%dma_start3A_151, %dma_start3A_152] : memref<10112x128xf32, #tpu.memory_space<vmem_shared>> -> memref<10112x128xf32, #tpu.memory_space<vmem_shared>>
        tpu.enqueue_indirect_dma source(%arg9 : memref<125x128xf32, #tpu.memory_space<vmem>>) target(%dma_start3A_153 : memref<10112x128xf32, #tpu.memory_space<vmem_shared>>) offsets(%dma_start3A_150 : memref<125xi32, #tpu.memory_space<vmem>>) semaphore(%run_scoped3A_147 : memref<!tpu.dma_semaphore, #tpu.memory_space<semaphore_mem>>) {add = true}
        %dma_wait3A_154 = arith.constant 0 : i32
        %dma_wait3A_155 = tpu.memref_slice %arg7[%run_scoped3A_146, %dma_wait3A_154] : memref<8x125xi32, #tpu.memory_space<vmem>> -> memref<1x125xi32, #tpu.memory_space<vmem>>
        %dma_wait3A_156 = tpu.memref_squeeze %dma_wait3A_155 : memref<1x125xi32, #tpu.memory_space<vmem>> -> memref<125xi32, #tpu.memory_space<vmem>>
        %dma_wait3A_157 = arith.constant 0 : i32
        %dma_wait3A_158 = arith.constant 0 : i32
        %dma_wait3A_159 = tpu.memref_slice %arg12[%dma_wait3A_157, %dma_wait3A_158] : memref<10112x128xf32, #tpu.memory_space<vmem_shared>> -> memref<10112x128xf32, #tpu.memory_space<vmem_shared>>
        tpu.wait_indirect_dma semaphore(%run_scoped3A_147 : memref<!tpu.dma_semaphore, #tpu.memory_space<semaphore_mem>>) src(%arg9 : memref<125x128xf32, #tpu.memory_space<vmem>>) dst(%dma_wait3A_159 : memref<10112x128xf32, #tpu.memory_space<vmem_shared>>)
        tpu.yield
      }) : () -> ()
    }
    %scan3A_19 = arith.constant 10 : i32
    %barrier3A_20 = arith.constant 0 : index
    tpu.barrier barrier_id(%barrier3A_20)
    %mul3A_21 = arith.constant 632 : i32
    %mul3A_22 = arith.muli %arg1, %mul3A_21 : i32
    %mul3A_23 = arith.constant 632 : i32
    %mul3A_24 = arith.muli %arg1, %mul3A_23 : i32
    "tpu.region"() ({
      %run_scoped3A = tpu.sem_alloc : memref<!tpu.dma_semaphore, #tpu.memory_space<semaphore_mem>>
      %dma_start3A = arith.constant 0 : i32
      %dma_start3A_25 = tpu.memref_slice %arg5[%arg0, %mul3A_24, %dma_start3A] : memref<2x10112x128xf32, #tpu.memory_space<hbm>> -> memref<1x632x128xf32, #tpu.memory_space<hbm>>
      %dma_start3A_26 = tpu.memref_squeeze %dma_start3A_25 : memref<1x632x128xf32, #tpu.memory_space<hbm>> -> memref<632x128xf32, #tpu.memory_space<hbm>>
      %dma_start3A_27 = arith.constant 0 : i32
      %dma_start3A_28 = tpu.memref_slice %arg12[%mul3A_22, %dma_start3A_27] : memref<10112x128xf32, #tpu.memory_space<vmem_shared>> -> memref<632x128xf32, #tpu.memory_space<vmem_shared>>
      tpu.enqueue_dma source(%dma_start3A_28 : memref<632x128xf32, #tpu.memory_space<vmem_shared>>) target(%dma_start3A_26 : memref<632x128xf32, #tpu.memory_space<hbm>>) target_semaphore(%run_scoped3A : memref<!tpu.dma_semaphore, #tpu.memory_space<semaphore_mem>>)
      %dma_wait3A = arith.constant 0 : i32
      %dma_wait3A_29 = tpu.memref_slice %arg5[%arg0, %mul3A_24, %dma_wait3A] : memref<2x10112x128xf32, #tpu.memory_space<hbm>> -> memref<1x632x128xf32, #tpu.memory_space<hbm>>
      %dma_wait3A_30 = tpu.memref_squeeze %dma_wait3A_29 : memref<1x632x128xf32, #tpu.memory_space<hbm>> -> memref<632x128xf32, #tpu.memory_space<hbm>>
      %dma_wait3A_31 = arith.constant 0 : i32
      %dma_wait3A_32 = tpu.memref_slice %arg12[%mul3A_22, %dma_wait3A_31] : memref<10112x128xf32, #tpu.memory_space<vmem_shared>> -> memref<632x128xf32, #tpu.memory_space<vmem_shared>>
      tpu.wait_dma2 semaphore(%run_scoped3A : memref<!tpu.dma_semaphore, #tpu.memory_space<semaphore_mem>>) src(%dma_wait3A_32 : memref<632x128xf32, #tpu.memory_space<vmem_shared>>) dst(%dma_wait3A_30 : memref<632x128xf32, #tpu.memory_space<hbm>>)
      tpu.yield
    }) : () -> ()
    return
  }
}

#map = affine_map<(d0, d1) -> (0, 0, 0)>
module attributes {stable_mosaic.version = 14 : i64} {
  func.func @_sc_hist(%arg0: i32, %arg1: i32, %arg2: memref<32x80x125xi32, #tpu.memory_space<hbm>>, %arg3: memref<2x10112x128xf32, #tpu.memory_space<hbm>>, %arg4: memref<8x125xi32, #tpu.memory_space<vmem>>, %arg5: memref<125x128xf32, #tpu.memory_space<vmem>>, %arg6: memref<!tpu.dma_semaphore, #tpu.memory_space<semaphore_mem>>, %arg7: memref<10112x128xf32, #tpu.memory_space<vmem_shared>>) attributes {dimension_semantics = [#tpu.dimension_semantics<core_parallel>, #tpu.dimension_semantics<subcore_parallel>], iteration_bounds = array<i64: 2, 16>, scalar_prefetch = 0 : i64, scratch_operands = 4 : i64, tpu.core_type = #tpu.core_type<sc_vector_subcore>, window_params = [{transform_indices = #map}, {transform_indices = #map}]} {
    %mul3A = arith.constant 16 : i32
    %mul3A_0 = arith.muli %arg0, %mul3A : i32
    %add3A = arith.addi %mul3A_0, %arg1 : i32
    %broadcast_in_dim3A = arith.constant 0.000000e+00 : f32
    %broadcast_in_dim3A_1 = vector.broadcast %broadcast_in_dim3A : f32 to vector<16xf32>
    %scan3A = arith.constant 0 : i32
    %scan3A_2 = arith.constant 125 : i32
    %scan3A_3 = arith.addi %scan3A, %scan3A_2 : i32
    %scan3A_4 = arith.constant 1 : i32
    scf.for %scan3A_35 = %scan3A to %scan3A_3 step %scan3A_4  : i32 {
      %swap3A = arith.index_cast %scan3A_35 : i32 to index
      %swap3A_36 = arith.constant 0 : index
      %swap3A_37 = tpu.vector_load %arg5[%swap3A, %swap3A_36] {strides = array<i32>} : memref<125x128xf32, #tpu.memory_space<vmem>>, vector<1x16xf32>,
      %swap3A_38 = vector.shape_cast %swap3A_37 : vector<1x16xf32> to vector<16xf32>
      %swap3A_39 = vector.shape_cast %broadcast_in_dim3A_1 : vector<16xf32> to vector<1x16xf32>
      tpu.vector_store %arg5[%swap3A, %swap3A_36], %swap3A_39 {strides = array<i32>} : memref<125x128xf32, #tpu.memory_space<vmem>>, vector<1x16xf32>,
      %swap3A_40 = arith.index_cast %scan3A_35 : i32 to index
      %swap3A_41 = arith.constant 16 : index
      %swap3A_42 = tpu.vector_load %arg5[%swap3A_40, %swap3A_41] {strides = array<i32>} : memref<125x128xf32, #tpu.memory_space<vmem>>, vector<1x16xf32>,
      %swap3A_43 = vector.shape_cast %swap3A_42 : vector<1x16xf32> to vector<16xf32>
      %swap3A_44 = vector.shape_cast %broadcast_in_dim3A_1 : vector<16xf32> to vector<1x16xf32>
      tpu.vector_store %arg5[%swap3A_40, %swap3A_41], %swap3A_44 {strides = array<i32>} : memref<125x128xf32, #tpu.memory_space<vmem>>, vector<1x16xf32>,
      %swap3A_45 = arith.index_cast %scan3A_35 : i32 to index
      %swap3A_46 = arith.constant 32 : index
      %swap3A_47 = tpu.vector_load %arg5[%swap3A_45, %swap3A_46] {strides = array<i32>} : memref<125x128xf32, #tpu.memory_space<vmem>>, vector<1x16xf32>,
      %swap3A_48 = vector.shape_cast %swap3A_47 : vector<1x16xf32> to vector<16xf32>
      %swap3A_49 = vector.shape_cast %broadcast_in_dim3A_1 : vector<16xf32> to vector<1x16xf32>
      tpu.vector_store %arg5[%swap3A_45, %swap3A_46], %swap3A_49 {strides = array<i32>} : memref<125x128xf32, #tpu.memory_space<vmem>>, vector<1x16xf32>,
      %swap3A_50 = arith.index_cast %scan3A_35 : i32 to index
      %swap3A_51 = arith.constant 48 : index
      %swap3A_52 = tpu.vector_load %arg5[%swap3A_50, %swap3A_51] {strides = array<i32>} : memref<125x128xf32, #tpu.memory_space<vmem>>, vector<1x16xf32>,
      %swap3A_53 = vector.shape_cast %swap3A_52 : vector<1x16xf32> to vector<16xf32>
      %swap3A_54 = vector.shape_cast %broadcast_in_dim3A_1 : vector<16xf32> to vector<1x16xf32>
      tpu.vector_store %arg5[%swap3A_50, %swap3A_51], %swap3A_54 {strides = array<i32>} : memref<125x128xf32, #tpu.memory_space<vmem>>, vector<1x16xf32>,
      %swap3A_55 = arith.index_cast %scan3A_35 : i32 to index
      %swap3A_56 = arith.constant 64 : index
      %swap3A_57 = tpu.vector_load %arg5[%swap3A_55, %swap3A_56] {strides = array<i32>} : memref<125x128xf32, #tpu.memory_space<vmem>>, vector<1x16xf32>,
      %swap3A_58 = vector.shape_cast %swap3A_57 : vector<1x16xf32> to vector<16xf32>
      %swap3A_59 = vector.shape_cast %broadcast_in_dim3A_1 : vector<16xf32> to vector<1x16xf32>
      tpu.vector_store %arg5[%swap3A_55, %swap3A_56], %swap3A_59 {strides = array<i32>} : memref<125x128xf32, #tpu.memory_space<vmem>>, vector<1x16xf32>,
      %swap3A_60 = arith.index_cast %scan3A_35 : i32 to index
      %swap3A_61 = arith.constant 80 : index
      %swap3A_62 = tpu.vector_load %arg5[%swap3A_60, %swap3A_61] {strides = array<i32>} : memref<125x128xf32, #tpu.memory_space<vmem>>, vector<1x16xf32>,
      %swap3A_63 = vector.shape_cast %swap3A_62 : vector<1x16xf32> to vector<16xf32>
      %swap3A_64 = vector.shape_cast %broadcast_in_dim3A_1 : vector<16xf32> to vector<1x16xf32>
      tpu.vector_store %arg5[%swap3A_60, %swap3A_61], %swap3A_64 {strides = array<i32>} : memref<125x128xf32, #tpu.memory_space<vmem>>, vector<1x16xf32>,
      %swap3A_65 = arith.index_cast %scan3A_35 : i32 to index
      %swap3A_66 = arith.constant 96 : index
      %swap3A_67 = tpu.vector_load %arg5[%swap3A_65, %swap3A_66] {strides = array<i32>} : memref<125x128xf32, #tpu.memory_space<vmem>>, vector<1x16xf32>,
      %swap3A_68 = vector.shape_cast %swap3A_67 : vector<1x16xf32> to vector<16xf32>
      %swap3A_69 = vector.shape_cast %broadcast_in_dim3A_1 : vector<16xf32> to vector<1x16xf32>
      tpu.vector_store %arg5[%swap3A_65, %swap3A_66], %swap3A_69 {strides = array<i32>} : memref<125x128xf32, #tpu.memory_space<vmem>>, vector<1x16xf32>,
      %swap3A_70 = arith.index_cast %scan3A_35 : i32 to index
      %swap3A_71 = arith.constant 112 : index
      %swap3A_72 = tpu.vector_load %arg5[%swap3A_70, %swap3A_71] {strides = array<i32>} : memref<125x128xf32, #tpu.memory_space<vmem>>, vector<1x16xf32>,
      %swap3A_73 = vector.shape_cast %swap3A_72 : vector<1x16xf32> to vector<16xf32>
      %swap3A_74 = vector.shape_cast %broadcast_in_dim3A_1 : vector<16xf32> to vector<1x16xf32>
      tpu.vector_store %arg5[%swap3A_70, %swap3A_71], %swap3A_74 {strides = array<i32>} : memref<125x128xf32, #tpu.memory_space<vmem>>, vector<1x16xf32>,
    }
    %scan3A_5 = arith.constant 125 : i32
    %scan3A_6 = arith.constant 0 : i32
    %scan3A_7 = arith.constant 5 : i32
    %scan3A_8 = arith.addi %scan3A_6, %scan3A_7 : i32
    %scan3A_9 = arith.constant 1 : i32
    scf.for %scan3A_35 = %scan3A_6 to %scan3A_8 step %scan3A_9  : i32 {
      %mul3A_36 = arith.constant 632 : i32
      %mul3A_37 = arith.muli %arg1, %mul3A_36 : i32
      %mul3A_38 = arith.constant 125 : i32
      %mul3A_39 = arith.muli %scan3A_35, %mul3A_38 : i32
      %add3A_40 = arith.addi %mul3A_37, %mul3A_39 : i32
      "tpu.region"() ({
        %run_scoped3A = tpu.sem_alloc : memref<!tpu.dma_semaphore, #tpu.memory_space<semaphore_mem>>
        %dma_start3A = arith.constant 0 : i32
        %dma_start3A_41 = tpu.memref_slice %arg7[%add3A_40, %dma_start3A] : memref<10112x128xf32, #tpu.memory_space<vmem_shared>> -> memref<125x128xf32, #tpu.memory_space<vmem_shared>>
        %dma_start3A_42 = arith.constant 0 : i32
        %dma_start3A_43 = tpu.memref_slice %arg7[%add3A_40, %dma_start3A_42] : memref<10112x128xf32, #tpu.memory_space<vmem_shared>> -> memref<125x128xf32, #tpu.memory_space<vmem_shared>>
        tpu.enqueue_dma source(%arg5 : memref<125x128xf32, #tpu.memory_space<vmem>>) target(%dma_start3A_43 : memref<125x128xf32, #tpu.memory_space<vmem_shared>>) target_semaphore(%run_scoped3A : memref<!tpu.dma_semaphore, #tpu.memory_space<semaphore_mem>>)
        %dma_wait3A = arith.constant 0 : i32
        %dma_wait3A_44 = tpu.memref_slice %arg7[%add3A_40, %dma_wait3A] : memref<10112x128xf32, #tpu.memory_space<vmem_shared>> -> memref<125x128xf32, #tpu.memory_space<vmem_shared>>
        %dma_wait3A_45 = arith.constant 0 : i32
        %dma_wait3A_46 = tpu.memref_slice %arg7[%add3A_40, %dma_wait3A_45] : memref<10112x128xf32, #tpu.memory_space<vmem_shared>> -> memref<125x128xf32, #tpu.memory_space<vmem_shared>>
        tpu.wait_dma2 semaphore(%run_scoped3A : memref<!tpu.dma_semaphore, #tpu.memory_space<semaphore_mem>>) src(%arg5 : memref<125x128xf32, #tpu.memory_space<vmem>>) dst(%dma_wait3A_46 : memref<125x128xf32, #tpu.memory_space<vmem_shared>>)
        tpu.yield
      }) : () -> ()
    }
    %scan3A_10 = arith.constant 5 : i32
    %mul3A_11 = arith.constant 632 : i32
    %mul3A_12 = arith.muli %arg1, %mul3A_11 : i32
    %add3A_13 = arith.constant 625 : i32
    %add3A_14 = arith.addi %mul3A_12, %add3A_13 : i32
    "tpu.region"() ({
      %run_scoped3A = tpu.sem_alloc : memref<!tpu.dma_semaphore, #tpu.memory_space<semaphore_mem>>
      %dma_start3A = arith.constant 0 : i32
      %dma_start3A_35 = arith.constant 0 : i32
      %dma_start3A_36 = tpu.memref_slice %arg5[%dma_start3A, %dma_start3A_35] : memref<125x128xf32, #tpu.memory_space<vmem>> -> memref<7x128xf32, #tpu.memory_space<vmem>>
      %dma_start3A_37 = arith.constant 0 : i32
      %dma_start3A_38 = tpu.memref_slice %arg7[%add3A_14, %dma_start3A_37] : memref<10112x128xf32, #tpu.memory_space<vmem_shared>> -> memref<7x128xf32, #tpu.memory_space<vmem_shared>>
      %dma_start3A_39 = arith.constant 0 : i32
      %dma_start3A_40 = tpu.memref_slice %arg7[%add3A_14, %dma_start3A_39] : memref<10112x128xf32, #tpu.memory_space<vmem_shared>> -> memref<7x128xf32, #tpu.memory_space<vmem_shared>>
      %dma_start3A_41 = arith.constant 0 : i32
      %dma_start3A_42 = arith.constant 0 : i32
      %dma_start3A_43 = tpu.memref_slice %arg5[%dma_start3A_41, %dma_start3A_42] : memref<125x128xf32, #tpu.memory_space<vmem>> -> memref<7x128xf32, #tpu.memory_space<vmem>>
      tpu.enqueue_dma source(%dma_start3A_43 : memref<7x128xf32, #tpu.memory_space<vmem>>) target(%dma_start3A_40 : memref<7x128xf32, #tpu.memory_space<vmem_shared>>) target_semaphore(%run_scoped3A : memref<!tpu.dma_semaphore, #tpu.memory_space<semaphore_mem>>)
      %dma_wait3A = arith.constant 0 : i32
      %dma_wait3A_44 = arith.constant 0 : i32
      %dma_wait3A_45 = tpu.memref_slice %arg5[%dma_wait3A, %dma_wait3A_44] : memref<125x128xf32, #tpu.memory_space<vmem>> -> memref<7x128xf32, #tpu.memory_space<vmem>>
      %dma_wait3A_46 = arith.constant 0 : i32
      %dma_wait3A_47 = tpu.memref_slice %arg7[%add3A_14, %dma_wait3A_46] : memref<10112x128xf32, #tpu.memory_space<vmem_shared>> -> memref<7x128xf32, #tpu.memory_space<vmem_shared>>
      %dma_wait3A_48 = arith.constant 0 : i32
      %dma_wait3A_49 = tpu.memref_slice %arg7[%add3A_14, %dma_wait3A_48] : memref<10112x128xf32, #tpu.memory_space<vmem_shared>> -> memref<7x128xf32, #tpu.memory_space<vmem_shared>>
      %dma_wait3A_50 = arith.constant 0 : i32
      %dma_wait3A_51 = arith.constant 0 : i32
      %dma_wait3A_52 = tpu.memref_slice %arg5[%dma_wait3A_50, %dma_wait3A_51] : memref<125x128xf32, #tpu.memory_space<vmem>> -> memref<7x128xf32, #tpu.memory_space<vmem>>
      tpu.wait_dma2 semaphore(%run_scoped3A : memref<!tpu.dma_semaphore, #tpu.memory_space<semaphore_mem>>) src(%dma_wait3A_52 : memref<7x128xf32, #tpu.memory_space<vmem>>) dst(%dma_wait3A_49 : memref<7x128xf32, #tpu.memory_space<vmem_shared>>)
      tpu.yield
    }) : () -> ()
    %iota3A = tpu.iota {dimensions = array<i32: 0>} : vector<16xi32>
    %eq3A = arith.constant 0 : i32
    %eq3A_15 = vector.broadcast %eq3A : i32 to vector<16xi32>
    %eq3A_16 = arith.cmpi eq, %iota3A, %eq3A_15 : vector<16xi32>
    %jit3A = arith.constant 1.000000e+00 : f32
    %jit3A_17 = arith.constant 0.000000e+00 : f32
    %broadcast_in_dim3A_18 = vector.broadcast %jit3A : f32 to vector<16xf32>
    %broadcast_in_dim3A_19 = vector.broadcast %jit3A_17 : f32 to vector<16xf32>
    %select_n3A = arith.select %eq3A_16, %broadcast_in_dim3A_18, %broadcast_in_dim3A_19 : vector<16xi1>, vector<16xf32>
    %scan3A_20 = arith.constant 0 : i32
    %scan3A_21 = arith.constant 125 : i32
    %scan3A_22 = arith.addi %scan3A_20, %scan3A_21 : i32
    %scan3A_23 = arith.constant 1 : i32
    scf.for %scan3A_35 = %scan3A_20 to %scan3A_22 step %scan3A_23  : i32 {
      %swap3A = arith.index_cast %scan3A_35 : i32 to index
      %swap3A_36 = arith.constant 0 : index
      %swap3A_37 = tpu.vector_load %arg5[%swap3A, %swap3A_36] {strides = array<i32>} : memref<125x128xf32, #tpu.memory_space<vmem>>, vector<1x16xf32>,
      %swap3A_38 = vector.shape_cast %swap3A_37 : vector<1x16xf32> to vector<16xf32>
      %swap3A_39 = vector.shape_cast %select_n3A : vector<16xf32> to vector<1x16xf32>
      tpu.vector_store %arg5[%swap3A, %swap3A_36], %swap3A_39 {strides = array<i32>} : memref<125x128xf32, #tpu.memory_space<vmem>>, vector<1x16xf32>,
    }
    %scan3A_24 = arith.constant 125 : i32
    %barrier3A = arith.constant 0 : index
    tpu.barrier barrier_id(%barrier3A)
    %scan3A_25 = arith.constant 0 : i32
    %scan3A_26 = arith.constant 10 : i32
    %scan3A_27 = arith.addi %scan3A_25, %scan3A_26 : i32
    %scan3A_28 = arith.constant 1 : i32
    scf.for %scan3A_35 = %scan3A_25 to %scan3A_27 step %scan3A_28  : i32 {
      %mul3A_36 = arith.constant 8 : i32
      %mul3A_37 = arith.muli %scan3A_35, %mul3A_36 : i32
      "tpu.region"() ({
        %run_scoped3A = tpu.sem_alloc : memref<!tpu.dma_semaphore, #tpu.memory_space<semaphore_mem>>
        %dma_start3A_148 = arith.constant 0 : i32
        %dma_start3A_149 = tpu.memref_slice %arg2[%add3A, %mul3A_37, %dma_start3A_148] : memref<32x80x125xi32, #tpu.memory_space<hbm>> -> memref<1x8x125xi32, #tpu.memory_space<hbm>>
        %dma_start3A_150 = tpu.memref_squeeze %dma_start3A_149 : memref<1x8x125xi32, #tpu.memory_space<hbm>> -> memref<8x125xi32, #tpu.memory_space<hbm>>
        %dma_start3A_151 = arith.constant 0 : i32
        %dma_start3A_152 = tpu.memref_slice %arg2[%add3A, %mul3A_37, %dma_start3A_151] : memref<32x80x125xi32, #tpu.memory_space<hbm>> -> memref<1x8x125xi32, #tpu.memory_space<hbm>>
        %dma_start3A_153 = tpu.memref_squeeze %dma_start3A_152 : memref<1x8x125xi32, #tpu.memory_space<hbm>> -> memref<8x125xi32, #tpu.memory_space<hbm>>
        tpu.enqueue_dma source(%dma_start3A_153 : memref<8x125xi32, #tpu.memory_space<hbm>>) target(%arg4 : memref<8x125xi32, #tpu.memory_space<vmem>>) target_semaphore(%run_scoped3A : memref<!tpu.dma_semaphore, #tpu.memory_space<semaphore_mem>>)
        %dma_wait3A_154 = arith.constant 0 : i32
        %dma_wait3A_155 = tpu.memref_slice %arg2[%add3A, %mul3A_37, %dma_wait3A_154] : memref<32x80x125xi32, #tpu.memory_space<hbm>> -> memref<1x8x125xi32, #tpu.memory_space<hbm>>
        %dma_wait3A_156 = tpu.memref_squeeze %dma_wait3A_155 : memref<1x8x125xi32, #tpu.memory_space<hbm>> -> memref<8x125xi32, #tpu.memory_space<hbm>>
        %dma_wait3A_157 = arith.constant 0 : i32
        %dma_wait3A_158 = tpu.memref_slice %arg2[%add3A, %mul3A_37, %dma_wait3A_157] : memref<32x80x125xi32, #tpu.memory_space<hbm>> -> memref<1x8x125xi32, #tpu.memory_space<hbm>>
        %dma_wait3A_159 = tpu.memref_squeeze %dma_wait3A_158 : memref<1x8x125xi32, #tpu.memory_space<hbm>> -> memref<8x125xi32, #tpu.memory_space<hbm>>
        tpu.wait_dma2 semaphore(%run_scoped3A : memref<!tpu.dma_semaphore, #tpu.memory_space<semaphore_mem>>) src(%dma_wait3A_159 : memref<8x125xi32, #tpu.memory_space<hbm>>) dst(%arg4 : memref<8x125xi32, #tpu.memory_space<vmem>>)
        tpu.yield
      }) : () -> ()
      %dma_start3A = arith.constant 0 : i32
      %dma_start3A_38 = arith.constant 0 : i32
      %dma_start3A_39 = tpu.memref_slice %arg4[%dma_start3A, %dma_start3A_38] : memref<8x125xi32, #tpu.memory_space<vmem>> -> memref<1x125xi32, #tpu.memory_space<vmem>>
      %dma_start3A_40 = tpu.memref_squeeze %dma_start3A_39 : memref<1x125xi32, #tpu.memory_space<vmem>> -> memref<125xi32, #tpu.memory_space<vmem>>
      %dma_start3A_41 = arith.constant 0 : i32
      %dma_start3A_42 = arith.constant 0 : i32
      %dma_start3A_43 = tpu.memref_slice %arg7[%dma_start3A_41, %dma_start3A_42] : memref<10112x128xf32, #tpu.memory_space<vmem_shared>> -> memref<10112x128xf32, #tpu.memory_space<vmem_shared>>
      tpu.enqueue_indirect_dma source(%arg5 : memref<125x128xf32, #tpu.memory_space<vmem>>) target(%dma_start3A_43 : memref<10112x128xf32, #tpu.memory_space<vmem_shared>>) offsets(%dma_start3A_40 : memref<125xi32, #tpu.memory_space<vmem>>) semaphore(%arg6 : memref<!tpu.dma_semaphore, #tpu.memory_space<semaphore_mem>>) {add = true}
      %dma_start3A_44 = arith.constant 1 : i32
      %dma_start3A_45 = arith.constant 0 : i32
      %dma_start3A_46 = tpu.memref_slice %arg4[%dma_start3A_44, %dma_start3A_45] : memref<8x125xi32, #tpu.memory_space<vmem>> -> memref<1x125xi32, #tpu.memory_space<vmem>>
      %dma_start3A_47 = tpu.memref_squeeze %dma_start3A_46 : memref<1x125xi32, #tpu.memory_space<vmem>> -> memref<125xi32, #tpu.memory_space<vmem>>
      %dma_start3A_48 = arith.constant 0 : i32
      %dma_start3A_49 = arith.constant 0 : i32
      %dma_start3A_50 = tpu.memref_slice %arg7[%dma_start3A_48, %dma_start3A_49] : memref<10112x128xf32, #tpu.memory_space<vmem_shared>> -> memref<10112x128xf32, #tpu.memory_space<vmem_shared>>
      tpu.enqueue_indirect_dma source(%arg5 : memref<125x128xf32, #tpu.memory_space<vmem>>) target(%dma_start3A_50 : memref<10112x128xf32, #tpu.memory_space<vmem_shared>>) offsets(%dma_start3A_47 : memref<125xi32, #tpu.memory_space<vmem>>) semaphore(%arg6 : memref<!tpu.dma_semaphore, #tpu.memory_space<semaphore_mem>>) {add = true}
      %dma_start3A_51 = arith.constant 2 : i32
      %dma_start3A_52 = arith.constant 0 : i32
      %dma_start3A_53 = tpu.memref_slice %arg4[%dma_start3A_51, %dma_start3A_52] : memref<8x125xi32, #tpu.memory_space<vmem>> -> memref<1x125xi32, #tpu.memory_space<vmem>>
      %dma_start3A_54 = tpu.memref_squeeze %dma_start3A_53 : memref<1x125xi32, #tpu.memory_space<vmem>> -> memref<125xi32, #tpu.memory_space<vmem>>
      %dma_start3A_55 = arith.constant 0 : i32
      %dma_start3A_56 = arith.constant 0 : i32
      %dma_start3A_57 = tpu.memref_slice %arg7[%dma_start3A_55, %dma_start3A_56] : memref<10112x128xf32, #tpu.memory_space<vmem_shared>> -> memref<10112x128xf32, #tpu.memory_space<vmem_shared>>
      tpu.enqueue_indirect_dma source(%arg5 : memref<125x128xf32, #tpu.memory_space<vmem>>) target(%dma_start3A_57 : memref<10112x128xf32, #tpu.memory_space<vmem_shared>>) offsets(%dma_start3A_54 : memref<125xi32, #tpu.memory_space<vmem>>) semaphore(%arg6 : memref<!tpu.dma_semaphore, #tpu.memory_space<semaphore_mem>>) {add = true}
      %dma_start3A_58 = arith.constant 3 : i32
      %dma_start3A_59 = arith.constant 0 : i32
      %dma_start3A_60 = tpu.memref_slice %arg4[%dma_start3A_58, %dma_start3A_59] : memref<8x125xi32, #tpu.memory_space<vmem>> -> memref<1x125xi32, #tpu.memory_space<vmem>>
      %dma_start3A_61 = tpu.memref_squeeze %dma_start3A_60 : memref<1x125xi32, #tpu.memory_space<vmem>> -> memref<125xi32, #tpu.memory_space<vmem>>
      %dma_start3A_62 = arith.constant 0 : i32
      %dma_start3A_63 = arith.constant 0 : i32
      %dma_start3A_64 = tpu.memref_slice %arg7[%dma_start3A_62, %dma_start3A_63] : memref<10112x128xf32, #tpu.memory_space<vmem_shared>> -> memref<10112x128xf32, #tpu.memory_space<vmem_shared>>
      tpu.enqueue_indirect_dma source(%arg5 : memref<125x128xf32, #tpu.memory_space<vmem>>) target(%dma_start3A_64 : memref<10112x128xf32, #tpu.memory_space<vmem_shared>>) offsets(%dma_start3A_61 : memref<125xi32, #tpu.memory_space<vmem>>) semaphore(%arg6 : memref<!tpu.dma_semaphore, #tpu.memory_space<semaphore_mem>>) {add = true}
      %dma_start3A_65 = arith.constant 4 : i32
      %dma_start3A_66 = arith.constant 0 : i32
      %dma_start3A_67 = tpu.memref_slice %arg4[%dma_start3A_65, %dma_start3A_66] : memref<8x125xi32, #tpu.memory_space<vmem>> -> memref<1x125xi32, #tpu.memory_space<vmem>>
      %dma_start3A_68 = tpu.memref_squeeze %dma_start3A_67 : memref<1x125xi32, #tpu.memory_space<vmem>> -> memref<125xi32, #tpu.memory_space<vmem>>
      %dma_start3A_69 = arith.constant 0 : i32
      %dma_start3A_70 = arith.constant 0 : i32
      %dma_start3A_71 = tpu.memref_slice %arg7[%dma_start3A_69, %dma_start3A_70] : memref<10112x128xf32, #tpu.memory_space<vmem_shared>> -> memref<10112x128xf32, #tpu.memory_space<vmem_shared>>
      tpu.enqueue_indirect_dma source(%arg5 : memref<125x128xf32, #tpu.memory_space<vmem>>) target(%dma_start3A_71 : memref<10112x128xf32, #tpu.memory_space<vmem_shared>>) offsets(%dma_start3A_68 : memref<125xi32, #tpu.memory_space<vmem>>) semaphore(%arg6 : memref<!tpu.dma_semaphore, #tpu.memory_space<semaphore_mem>>) {add = true}
      %dma_start3A_72 = arith.constant 5 : i32
      %dma_start3A_73 = arith.constant 0 : i32
      %dma_start3A_74 = tpu.memref_slice %arg4[%dma_start3A_72, %dma_start3A_73] : memref<8x125xi32, #tpu.memory_space<vmem>> -> memref<1x125xi32, #tpu.memory_space<vmem>>
      %dma_start3A_75 = tpu.memref_squeeze %dma_start3A_74 : memref<1x125xi32, #tpu.memory_space<vmem>> -> memref<125xi32, #tpu.memory_space<vmem>>
      %dma_start3A_76 = arith.constant 0 : i32
      %dma_start3A_77 = arith.constant 0 : i32
      %dma_start3A_78 = tpu.memref_slice %arg7[%dma_start3A_76, %dma_start3A_77] : memref<10112x128xf32, #tpu.memory_space<vmem_shared>> -> memref<10112x128xf32, #tpu.memory_space<vmem_shared>>
      tpu.enqueue_indirect_dma source(%arg5 : memref<125x128xf32, #tpu.memory_space<vmem>>) target(%dma_start3A_78 : memref<10112x128xf32, #tpu.memory_space<vmem_shared>>) offsets(%dma_start3A_75 : memref<125xi32, #tpu.memory_space<vmem>>) semaphore(%arg6 : memref<!tpu.dma_semaphore, #tpu.memory_space<semaphore_mem>>) {add = true}
      %dma_start3A_79 = arith.constant 6 : i32
      %dma_start3A_80 = arith.constant 0 : i32
      %dma_start3A_81 = tpu.memref_slice %arg4[%dma_start3A_79, %dma_start3A_80] : memref<8x125xi32, #tpu.memory_space<vmem>> -> memref<1x125xi32, #tpu.memory_space<vmem>>
      %dma_start3A_82 = tpu.memref_squeeze %dma_start3A_81 : memref<1x125xi32, #tpu.memory_space<vmem>> -> memref<125xi32, #tpu.memory_space<vmem>>
      %dma_start3A_83 = arith.constant 0 : i32
      %dma_start3A_84 = arith.constant 0 : i32
      %dma_start3A_85 = tpu.memref_slice %arg7[%dma_start3A_83, %dma_start3A_84] : memref<10112x128xf32, #tpu.memory_space<vmem_shared>> -> memref<10112x128xf32, #tpu.memory_space<vmem_shared>>
      tpu.enqueue_indirect_dma source(%arg5 : memref<125x128xf32, #tpu.memory_space<vmem>>) target(%dma_start3A_85 : memref<10112x128xf32, #tpu.memory_space<vmem_shared>>) offsets(%dma_start3A_82 : memref<125xi32, #tpu.memory_space<vmem>>) semaphore(%arg6 : memref<!tpu.dma_semaphore, #tpu.memory_space<semaphore_mem>>) {add = true}
      %dma_start3A_86 = arith.constant 7 : i32
      %dma_start3A_87 = arith.constant 0 : i32
      %dma_start3A_88 = tpu.memref_slice %arg4[%dma_start3A_86, %dma_start3A_87] : memref<8x125xi32, #tpu.memory_space<vmem>> -> memref<1x125xi32, #tpu.memory_space<vmem>>
      %dma_start3A_89 = tpu.memref_squeeze %dma_start3A_88 : memref<1x125xi32, #tpu.memory_space<vmem>> -> memref<125xi32, #tpu.memory_space<vmem>>
      %dma_start3A_90 = arith.constant 0 : i32
      %dma_start3A_91 = arith.constant 0 : i32
      %dma_start3A_92 = tpu.memref_slice %arg7[%dma_start3A_90, %dma_start3A_91] : memref<10112x128xf32, #tpu.memory_space<vmem_shared>> -> memref<10112x128xf32, #tpu.memory_space<vmem_shared>>
      tpu.enqueue_indirect_dma source(%arg5 : memref<125x128xf32, #tpu.memory_space<vmem>>) target(%dma_start3A_92 : memref<10112x128xf32, #tpu.memory_space<vmem_shared>>) offsets(%dma_start3A_89 : memref<125xi32, #tpu.memory_space<vmem>>) semaphore(%arg6 : memref<!tpu.dma_semaphore, #tpu.memory_space<semaphore_mem>>) {add = true}
      %dma_wait3A = arith.constant 0 : i32
      %dma_wait3A_93 = arith.constant 0 : i32
      %dma_wait3A_94 = tpu.memref_slice %arg4[%dma_wait3A, %dma_wait3A_93] : memref<8x125xi32, #tpu.memory_space<vmem>> -> memref<1x125xi32, #tpu.memory_space<vmem>>
      %dma_wait3A_95 = tpu.memref_squeeze %dma_wait3A_94 : memref<1x125xi32, #tpu.memory_space<vmem>> -> memref<125xi32, #tpu.memory_space<vmem>>
      %dma_wait3A_96 = arith.constant 0 : i32
      %dma_wait3A_97 = arith.constant 0 : i32
      %dma_wait3A_98 = tpu.memref_slice %arg7[%dma_wait3A_96, %dma_wait3A_97] : memref<10112x128xf32, #tpu.memory_space<vmem_shared>> -> memref<10112x128xf32, #tpu.memory_space<vmem_shared>>
      tpu.wait_indirect_dma semaphore(%arg6 : memref<!tpu.dma_semaphore, #tpu.memory_space<semaphore_mem>>) src(%arg5 : memref<125x128xf32, #tpu.memory_space<vmem>>) dst(%dma_wait3A_98 : memref<10112x128xf32, #tpu.memory_space<vmem_shared>>)
      %dma_wait3A_99 = arith.constant 1 : i32
      %dma_wait3A_100 = arith.constant 0 : i32
      %dma_wait3A_101 = tpu.memref_slice %arg4[%dma_wait3A_99, %dma_wait3A_100] : memref<8x125xi32, #tpu.memory_space<vmem>> -> memref<1x125xi32, #tpu.memory_space<vmem>>
      %dma_wait3A_102 = tpu.memref_squeeze %dma_wait3A_101 : memref<1x125xi32, #tpu.memory_space<vmem>> -> memref<125xi32, #tpu.memory_space<vmem>>
      %dma_wait3A_103 = arith.constant 0 : i32
      %dma_wait3A_104 = arith.constant 0 : i32
      %dma_wait3A_105 = tpu.memref_slice %arg7[%dma_wait3A_103, %dma_wait3A_104] : memref<10112x128xf32, #tpu.memory_space<vmem_shared>> -> memref<10112x128xf32, #tpu.memory_space<vmem_shared>>
      tpu.wait_indirect_dma semaphore(%arg6 : memref<!tpu.dma_semaphore, #tpu.memory_space<semaphore_mem>>) src(%arg5 : memref<125x128xf32, #tpu.memory_space<vmem>>) dst(%dma_wait3A_105 : memref<10112x128xf32, #tpu.memory_space<vmem_shared>>)
      %dma_wait3A_106 = arith.constant 2 : i32
      %dma_wait3A_107 = arith.constant 0 : i32
      %dma_wait3A_108 = tpu.memref_slice %arg4[%dma_wait3A_106, %dma_wait3A_107] : memref<8x125xi32, #tpu.memory_space<vmem>> -> memref<1x125xi32, #tpu.memory_space<vmem>>
      %dma_wait3A_109 = tpu.memref_squeeze %dma_wait3A_108 : memref<1x125xi32, #tpu.memory_space<vmem>> -> memref<125xi32, #tpu.memory_space<vmem>>
      %dma_wait3A_110 = arith.constant 0 : i32
      %dma_wait3A_111 = arith.constant 0 : i32
      %dma_wait3A_112 = tpu.memref_slice %arg7[%dma_wait3A_110, %dma_wait3A_111] : memref<10112x128xf32, #tpu.memory_space<vmem_shared>> -> memref<10112x128xf32, #tpu.memory_space<vmem_shared>>
      tpu.wait_indirect_dma semaphore(%arg6 : memref<!tpu.dma_semaphore, #tpu.memory_space<semaphore_mem>>) src(%arg5 : memref<125x128xf32, #tpu.memory_space<vmem>>) dst(%dma_wait3A_112 : memref<10112x128xf32, #tpu.memory_space<vmem_shared>>)
      %dma_wait3A_113 = arith.constant 3 : i32
      %dma_wait3A_114 = arith.constant 0 : i32
      %dma_wait3A_115 = tpu.memref_slice %arg4[%dma_wait3A_113, %dma_wait3A_114] : memref<8x125xi32, #tpu.memory_space<vmem>> -> memref<1x125xi32, #tpu.memory_space<vmem>>
      %dma_wait3A_116 = tpu.memref_squeeze %dma_wait3A_115 : memref<1x125xi32, #tpu.memory_space<vmem>> -> memref<125xi32, #tpu.memory_space<vmem>>
      %dma_wait3A_117 = arith.constant 0 : i32
      %dma_wait3A_118 = arith.constant 0 : i32
      %dma_wait3A_119 = tpu.memref_slice %arg7[%dma_wait3A_117, %dma_wait3A_118] : memref<10112x128xf32, #tpu.memory_space<vmem_shared>> -> memref<10112x128xf32, #tpu.memory_space<vmem_shared>>
      tpu.wait_indirect_dma semaphore(%arg6 : memref<!tpu.dma_semaphore, #tpu.memory_space<semaphore_mem>>) src(%arg5 : memref<125x128xf32, #tpu.memory_space<vmem>>) dst(%dma_wait3A_119 : memref<10112x128xf32, #tpu.memory_space<vmem_shared>>)
      %dma_wait3A_120 = arith.constant 4 : i32
      %dma_wait3A_121 = arith.constant 0 : i32
      %dma_wait3A_122 = tpu.memref_slice %arg4[%dma_wait3A_120, %dma_wait3A_121] : memref<8x125xi32, #tpu.memory_space<vmem>> -> memref<1x125xi32, #tpu.memory_space<vmem>>
      %dma_wait3A_123 = tpu.memref_squeeze %dma_wait3A_122 : memref<1x125xi32, #tpu.memory_space<vmem>> -> memref<125xi32, #tpu.memory_space<vmem>>
      %dma_wait3A_124 = arith.constant 0 : i32
      %dma_wait3A_125 = arith.constant 0 : i32
      %dma_wait3A_126 = tpu.memref_slice %arg7[%dma_wait3A_124, %dma_wait3A_125] : memref<10112x128xf32, #tpu.memory_space<vmem_shared>> -> memref<10112x128xf32, #tpu.memory_space<vmem_shared>>
      tpu.wait_indirect_dma semaphore(%arg6 : memref<!tpu.dma_semaphore, #tpu.memory_space<semaphore_mem>>) src(%arg5 : memref<125x128xf32, #tpu.memory_space<vmem>>) dst(%dma_wait3A_126 : memref<10112x128xf32, #tpu.memory_space<vmem_shared>>)
      %dma_wait3A_127 = arith.constant 5 : i32
      %dma_wait3A_128 = arith.constant 0 : i32
      %dma_wait3A_129 = tpu.memref_slice %arg4[%dma_wait3A_127, %dma_wait3A_128] : memref<8x125xi32, #tpu.memory_space<vmem>> -> memref<1x125xi32, #tpu.memory_space<vmem>>
      %dma_wait3A_130 = tpu.memref_squeeze %dma_wait3A_129 : memref<1x125xi32, #tpu.memory_space<vmem>> -> memref<125xi32, #tpu.memory_space<vmem>>
      %dma_wait3A_131 = arith.constant 0 : i32
      %dma_wait3A_132 = arith.constant 0 : i32
      %dma_wait3A_133 = tpu.memref_slice %arg7[%dma_wait3A_131, %dma_wait3A_132] : memref<10112x128xf32, #tpu.memory_space<vmem_shared>> -> memref<10112x128xf32, #tpu.memory_space<vmem_shared>>
      tpu.wait_indirect_dma semaphore(%arg6 : memref<!tpu.dma_semaphore, #tpu.memory_space<semaphore_mem>>) src(%arg5 : memref<125x128xf32, #tpu.memory_space<vmem>>) dst(%dma_wait3A_133 : memref<10112x128xf32, #tpu.memory_space<vmem_shared>>)
      %dma_wait3A_134 = arith.constant 6 : i32
      %dma_wait3A_135 = arith.constant 0 : i32
      %dma_wait3A_136 = tpu.memref_slice %arg4[%dma_wait3A_134, %dma_wait3A_135] : memref<8x125xi32, #tpu.memory_space<vmem>> -> memref<1x125xi32, #tpu.memory_space<vmem>>
      %dma_wait3A_137 = tpu.memref_squeeze %dma_wait3A_136 : memref<1x125xi32, #tpu.memory_space<vmem>> -> memref<125xi32, #tpu.memory_space<vmem>>
      %dma_wait3A_138 = arith.constant 0 : i32
      %dma_wait3A_139 = arith.constant 0 : i32
      %dma_wait3A_140 = tpu.memref_slice %arg7[%dma_wait3A_138, %dma_wait3A_139] : memref<10112x128xf32, #tpu.memory_space<vmem_shared>> -> memref<10112x128xf32, #tpu.memory_space<vmem_shared>>
      tpu.wait_indirect_dma semaphore(%arg6 : memref<!tpu.dma_semaphore, #tpu.memory_space<semaphore_mem>>) src(%arg5 : memref<125x128xf32, #tpu.memory_space<vmem>>) dst(%dma_wait3A_140 : memref<10112x128xf32, #tpu.memory_space<vmem_shared>>)
      %dma_wait3A_141 = arith.constant 7 : i32
      %dma_wait3A_142 = arith.constant 0 : i32
      %dma_wait3A_143 = tpu.memref_slice %arg4[%dma_wait3A_141, %dma_wait3A_142] : memref<8x125xi32, #tpu.memory_space<vmem>> -> memref<1x125xi32, #tpu.memory_space<vmem>>
      %dma_wait3A_144 = tpu.memref_squeeze %dma_wait3A_143 : memref<1x125xi32, #tpu.memory_space<vmem>> -> memref<125xi32, #tpu.memory_space<vmem>>
      %dma_wait3A_145 = arith.constant 0 : i32
      %dma_wait3A_146 = arith.constant 0 : i32
      %dma_wait3A_147 = tpu.memref_slice %arg7[%dma_wait3A_145, %dma_wait3A_146] : memref<10112x128xf32, #tpu.memory_space<vmem_shared>> -> memref<10112x128xf32, #tpu.memory_space<vmem_shared>>
      tpu.wait_indirect_dma semaphore(%arg6 : memref<!tpu.dma_semaphore, #tpu.memory_space<semaphore_mem>>) src(%arg5 : memref<125x128xf32, #tpu.memory_space<vmem>>) dst(%dma_wait3A_147 : memref<10112x128xf32, #tpu.memory_space<vmem_shared>>)
    }
    %scan3A_29 = arith.constant 10 : i32
    %barrier3A_30 = arith.constant 0 : index
    tpu.barrier barrier_id(%barrier3A_30)
    %mul3A_31 = arith.constant 632 : i32
    %mul3A_32 = arith.muli %arg1, %mul3A_31 : i32
    %mul3A_33 = arith.constant 632 : i32
    %mul3A_34 = arith.muli %arg1, %mul3A_33 : i32
    "tpu.region"() ({
      %run_scoped3A = tpu.sem_alloc : memref<!tpu.dma_semaphore, #tpu.memory_space<semaphore_mem>>
      %dma_start3A = arith.constant 0 : i32
      %dma_start3A_35 = tpu.memref_slice %arg3[%arg0, %mul3A_34, %dma_start3A] : memref<2x10112x128xf32, #tpu.memory_space<hbm>> -> memref<1x632x128xf32, #tpu.memory_space<hbm>>
      %dma_start3A_36 = tpu.memref_squeeze %dma_start3A_35 : memref<1x632x128xf32, #tpu.memory_space<hbm>> -> memref<632x128xf32, #tpu.memory_space<hbm>>
      %dma_start3A_37 = arith.constant 0 : i32
      %dma_start3A_38 = tpu.memref_slice %arg7[%mul3A_32, %dma_start3A_37] : memref<10112x128xf32, #tpu.memory_space<vmem_shared>> -> memref<632x128xf32, #tpu.memory_space<vmem_shared>>
      tpu.enqueue_dma source(%dma_start3A_38 : memref<632x128xf32, #tpu.memory_space<vmem_shared>>) target(%dma_start3A_36 : memref<632x128xf32, #tpu.memory_space<hbm>>) target_semaphore(%run_scoped3A : memref<!tpu.dma_semaphore, #tpu.memory_space<semaphore_mem>>)
      %dma_wait3A = arith.constant 0 : i32
      %dma_wait3A_39 = tpu.memref_slice %arg3[%arg0, %mul3A_34, %dma_wait3A] : memref<2x10112x128xf32, #tpu.memory_space<hbm>> -> memref<1x632x128xf32, #tpu.memory_space<hbm>>
      %dma_wait3A_40 = tpu.memref_squeeze %dma_wait3A_39 : memref<1x632x128xf32, #tpu.memory_space<hbm>> -> memref<632x128xf32, #tpu.memory_space<hbm>>
      %dma_wait3A_41 = arith.constant 0 : i32
      %dma_wait3A_42 = tpu.memref_slice %arg7[%mul3A_32, %dma_wait3A_41] : memref<10112x128xf32, #tpu.memory_space<vmem_shared>> -> memref<632x128xf32, #tpu.memory_space<vmem_shared>>
      tpu.wait_dma2 semaphore(%run_scoped3A : memref<!tpu.dma_semaphore, #tpu.memory_space<semaphore_mem>>) src(%dma_wait3A_42 : memref<632x128xf32, #tpu.memory_space<vmem_shared>>) dst(%dma_wait3A_40 : memref<632x128xf32, #tpu.memory_space<hbm>>)
      tpu.yield
    }) : () -> ()
    return
  }
}

#map = affine_map<(d0, d1) -> (0, 0)>
#map1 = affine_map<(d0, d1) -> (0, 0, 0)>
module attributes {stable_mosaic.version = 14 : i64} {
  func.func @_sc_edge_scatter(%arg0: i32, %arg1: i32, %arg2: memref<10000x128xf32, #tpu.memory_space<hbm>>, %arg3: memref<32x80x125xi32, #tpu.memory_space<hbm>>, %arg4: memref<32x80x125xi32, #tpu.memory_space<hbm>>, %arg5: memref<2x10112x128xf32, #tpu.memory_space<hbm>>, %arg6: memref<8x125xi32, #tpu.memory_space<vmem>>, %arg7: memref<8x125xi32, #tpu.memory_space<vmem>>, %arg8: memref<125x128xf32, #tpu.memory_space<vmem>>, %arg9: memref<125x128xf32, #tpu.memory_space<vmem>>, %arg10: memref<!tpu.dma_semaphore, #tpu.memory_space<semaphore_mem>>, %arg11: memref<!tpu.dma_semaphore, #tpu.memory_space<semaphore_mem>>, %arg12: memref<10112x128xf32, #tpu.memory_space<vmem_shared>>) attributes {dimension_semantics = [#tpu.dimension_semantics<core_parallel>, #tpu.dimension_semantics<subcore_parallel>], iteration_bounds = array<i64: 2, 16>, scalar_prefetch = 0 : i64, scratch_operands = 7 : i64, tpu.core_type = #tpu.core_type<sc_vector_subcore>, window_params = [{transform_indices = #map}, {transform_indices = #map1}, {transform_indices = #map1}, {transform_indices = #map1}]} {
    %mul3A = arith.constant 16 : i32
    %mul3A_0 = arith.muli %arg0, %mul3A : i32
    %add3A = arith.addi %mul3A_0, %arg1 : i32
    %broadcast_in_dim3A = arith.constant 0.000000e+00 : f32
    %broadcast_in_dim3A_1 = vector.broadcast %broadcast_in_dim3A : f32 to vector<16xf32>
    %scan3A = arith.constant 0 : i32
    %scan3A_2 = arith.constant 125 : i32
    %scan3A_3 = arith.addi %scan3A, %scan3A_2 : i32
    %scan3A_4 = arith.constant 1 : i32
    scf.for %scan3A_25 = %scan3A to %scan3A_3 step %scan3A_4  : i32 {
      %swap3A = arith.index_cast %scan3A_25 : i32 to index
      %swap3A_26 = arith.constant 0 : index
      %swap3A_27 = tpu.vector_load %arg8[%swap3A, %swap3A_26] {strides = array<i32>} : memref<125x128xf32, #tpu.memory_space<vmem>>, vector<1x16xf32>,
      %swap3A_28 = vector.shape_cast %swap3A_27 : vector<1x16xf32> to vector<16xf32>
      %swap3A_29 = vector.shape_cast %broadcast_in_dim3A_1 : vector<16xf32> to vector<1x16xf32>
      tpu.vector_store %arg8[%swap3A, %swap3A_26], %swap3A_29 {strides = array<i32>} : memref<125x128xf32, #tpu.memory_space<vmem>>, vector<1x16xf32>,
      %swap3A_30 = arith.index_cast %scan3A_25 : i32 to index
      %swap3A_31 = arith.constant 16 : index
      %swap3A_32 = tpu.vector_load %arg8[%swap3A_30, %swap3A_31] {strides = array<i32>} : memref<125x128xf32, #tpu.memory_space<vmem>>, vector<1x16xf32>,
      %swap3A_33 = vector.shape_cast %swap3A_32 : vector<1x16xf32> to vector<16xf32>
      %swap3A_34 = vector.shape_cast %broadcast_in_dim3A_1 : vector<16xf32> to vector<1x16xf32>
      tpu.vector_store %arg8[%swap3A_30, %swap3A_31], %swap3A_34 {strides = array<i32>} : memref<125x128xf32, #tpu.memory_space<vmem>>, vector<1x16xf32>,
      %swap3A_35 = arith.index_cast %scan3A_25 : i32 to index
      %swap3A_36 = arith.constant 32 : index
      %swap3A_37 = tpu.vector_load %arg8[%swap3A_35, %swap3A_36] {strides = array<i32>} : memref<125x128xf32, #tpu.memory_space<vmem>>, vector<1x16xf32>,
      %swap3A_38 = vector.shape_cast %swap3A_37 : vector<1x16xf32> to vector<16xf32>
      %swap3A_39 = vector.shape_cast %broadcast_in_dim3A_1 : vector<16xf32> to vector<1x16xf32>
      tpu.vector_store %arg8[%swap3A_35, %swap3A_36], %swap3A_39 {strides = array<i32>} : memref<125x128xf32, #tpu.memory_space<vmem>>, vector<1x16xf32>,
      %swap3A_40 = arith.index_cast %scan3A_25 : i32 to index
      %swap3A_41 = arith.constant 48 : index
      %swap3A_42 = tpu.vector_load %arg8[%swap3A_40, %swap3A_41] {strides = array<i32>} : memref<125x128xf32, #tpu.memory_space<vmem>>, vector<1x16xf32>,
      %swap3A_43 = vector.shape_cast %swap3A_42 : vector<1x16xf32> to vector<16xf32>
      %swap3A_44 = vector.shape_cast %broadcast_in_dim3A_1 : vector<16xf32> to vector<1x16xf32>
      tpu.vector_store %arg8[%swap3A_40, %swap3A_41], %swap3A_44 {strides = array<i32>} : memref<125x128xf32, #tpu.memory_space<vmem>>, vector<1x16xf32>,
      %swap3A_45 = arith.index_cast %scan3A_25 : i32 to index
      %swap3A_46 = arith.constant 64 : index
      %swap3A_47 = tpu.vector_load %arg8[%swap3A_45, %swap3A_46] {strides = array<i32>} : memref<125x128xf32, #tpu.memory_space<vmem>>, vector<1x16xf32>,
      %swap3A_48 = vector.shape_cast %swap3A_47 : vector<1x16xf32> to vector<16xf32>
      %swap3A_49 = vector.shape_cast %broadcast_in_dim3A_1 : vector<16xf32> to vector<1x16xf32>
      tpu.vector_store %arg8[%swap3A_45, %swap3A_46], %swap3A_49 {strides = array<i32>} : memref<125x128xf32, #tpu.memory_space<vmem>>, vector<1x16xf32>,
      %swap3A_50 = arith.index_cast %scan3A_25 : i32 to index
      %swap3A_51 = arith.constant 80 : index
      %swap3A_52 = tpu.vector_load %arg8[%swap3A_50, %swap3A_51] {strides = array<i32>} : memref<125x128xf32, #tpu.memory_space<vmem>>, vector<1x16xf32>,
      %swap3A_53 = vector.shape_cast %swap3A_52 : vector<1x16xf32> to vector<16xf32>
      %swap3A_54 = vector.shape_cast %broadcast_in_dim3A_1 : vector<16xf32> to vector<1x16xf32>
      tpu.vector_store %arg8[%swap3A_50, %swap3A_51], %swap3A_54 {strides = array<i32>} : memref<125x128xf32, #tpu.memory_space<vmem>>, vector<1x16xf32>,
      %swap3A_55 = arith.index_cast %scan3A_25 : i32 to index
      %swap3A_56 = arith.constant 96 : index
      %swap3A_57 = tpu.vector_load %arg8[%swap3A_55, %swap3A_56] {strides = array<i32>} : memref<125x128xf32, #tpu.memory_space<vmem>>, vector<1x16xf32>,
      %swap3A_58 = vector.shape_cast %swap3A_57 : vector<1x16xf32> to vector<16xf32>
      %swap3A_59 = vector.shape_cast %broadcast_in_dim3A_1 : vector<16xf32> to vector<1x16xf32>
      tpu.vector_store %arg8[%swap3A_55, %swap3A_56], %swap3A_59 {strides = array<i32>} : memref<125x128xf32, #tpu.memory_space<vmem>>, vector<1x16xf32>,
      %swap3A_60 = arith.index_cast %scan3A_25 : i32 to index
      %swap3A_61 = arith.constant 112 : index
      %swap3A_62 = tpu.vector_load %arg8[%swap3A_60, %swap3A_61] {strides = array<i32>} : memref<125x128xf32, #tpu.memory_space<vmem>>, vector<1x16xf32>,
      %swap3A_63 = vector.shape_cast %swap3A_62 : vector<1x16xf32> to vector<16xf32>
      %swap3A_64 = vector.shape_cast %broadcast_in_dim3A_1 : vector<16xf32> to vector<1x16xf32>
      tpu.vector_store %arg8[%swap3A_60, %swap3A_61], %swap3A_64 {strides = array<i32>} : memref<125x128xf32, #tpu.memory_space<vmem>>, vector<1x16xf32>,
    }
    %scan3A_5 = arith.constant 125 : i32
    %scan3A_6 = arith.constant 0 : i32
    %scan3A_7 = arith.constant 5 : i32
    %scan3A_8 = arith.addi %scan3A_6, %scan3A_7 : i32
    %scan3A_9 = arith.constant 1 : i32
    scf.for %scan3A_25 = %scan3A_6 to %scan3A_8 step %scan3A_9  : i32 {
      %mul3A_26 = arith.constant 632 : i32
      %mul3A_27 = arith.muli %arg1, %mul3A_26 : i32
      %mul3A_28 = arith.constant 125 : i32
      %mul3A_29 = arith.muli %scan3A_25, %mul3A_28 : i32
      %add3A_30 = arith.addi %mul3A_27, %mul3A_29 : i32
      "tpu.region"() ({
        %run_scoped3A = tpu.sem_alloc : memref<!tpu.dma_semaphore, #tpu.memory_space<semaphore_mem>>
        %dma_start3A = arith.constant 0 : i32
        %dma_start3A_31 = tpu.memref_slice %arg12[%add3A_30, %dma_start3A] : memref<10112x128xf32, #tpu.memory_space<vmem_shared>> -> memref<125x128xf32, #tpu.memory_space<vmem_shared>>
        %dma_start3A_32 = arith.constant 0 : i32
        %dma_start3A_33 = tpu.memref_slice %arg12[%add3A_30, %dma_start3A_32] : memref<10112x128xf32, #tpu.memory_space<vmem_shared>> -> memref<125x128xf32, #tpu.memory_space<vmem_shared>>
        tpu.enqueue_dma source(%arg8 : memref<125x128xf32, #tpu.memory_space<vmem>>) target(%dma_start3A_33 : memref<125x128xf32, #tpu.memory_space<vmem_shared>>) target_semaphore(%run_scoped3A : memref<!tpu.dma_semaphore, #tpu.memory_space<semaphore_mem>>)
        %dma_wait3A = arith.constant 0 : i32
        %dma_wait3A_34 = tpu.memref_slice %arg12[%add3A_30, %dma_wait3A] : memref<10112x128xf32, #tpu.memory_space<vmem_shared>> -> memref<125x128xf32, #tpu.memory_space<vmem_shared>>
        %dma_wait3A_35 = arith.constant 0 : i32
        %dma_wait3A_36 = tpu.memref_slice %arg12[%add3A_30, %dma_wait3A_35] : memref<10112x128xf32, #tpu.memory_space<vmem_shared>> -> memref<125x128xf32, #tpu.memory_space<vmem_shared>>
        tpu.wait_dma2 semaphore(%run_scoped3A : memref<!tpu.dma_semaphore, #tpu.memory_space<semaphore_mem>>) src(%arg8 : memref<125x128xf32, #tpu.memory_space<vmem>>) dst(%dma_wait3A_36 : memref<125x128xf32, #tpu.memory_space<vmem_shared>>)
        tpu.yield
      }) : () -> ()
    }
    %scan3A_10 = arith.constant 5 : i32
    %mul3A_11 = arith.constant 632 : i32
    %mul3A_12 = arith.muli %arg1, %mul3A_11 : i32
    %add3A_13 = arith.constant 625 : i32
    %add3A_14 = arith.addi %mul3A_12, %add3A_13 : i32
    "tpu.region"() ({
      %run_scoped3A = tpu.sem_alloc : memref<!tpu.dma_semaphore, #tpu.memory_space<semaphore_mem>>
      %dma_start3A = arith.constant 0 : i32
      %dma_start3A_25 = arith.constant 0 : i32
      %dma_start3A_26 = tpu.memref_slice %arg8[%dma_start3A, %dma_start3A_25] : memref<125x128xf32, #tpu.memory_space<vmem>> -> memref<7x128xf32, #tpu.memory_space<vmem>>
      %dma_start3A_27 = arith.constant 0 : i32
      %dma_start3A_28 = tpu.memref_slice %arg12[%add3A_14, %dma_start3A_27] : memref<10112x128xf32, #tpu.memory_space<vmem_shared>> -> memref<7x128xf32, #tpu.memory_space<vmem_shared>>
      %dma_start3A_29 = arith.constant 0 : i32
      %dma_start3A_30 = tpu.memref_slice %arg12[%add3A_14, %dma_start3A_29] : memref<10112x128xf32, #tpu.memory_space<vmem_shared>> -> memref<7x128xf32, #tpu.memory_space<vmem_shared>>
      %dma_start3A_31 = arith.constant 0 : i32
      %dma_start3A_32 = arith.constant 0 : i32
      %dma_start3A_33 = tpu.memref_slice %arg8[%dma_start3A_31, %dma_start3A_32] : memref<125x128xf32, #tpu.memory_space<vmem>> -> memref<7x128xf32, #tpu.memory_space<vmem>>
      tpu.enqueue_dma source(%dma_start3A_33 : memref<7x128xf32, #tpu.memory_space<vmem>>) target(%dma_start3A_30 : memref<7x128xf32, #tpu.memory_space<vmem_shared>>) target_semaphore(%run_scoped3A : memref<!tpu.dma_semaphore, #tpu.memory_space<semaphore_mem>>)
      %dma_wait3A = arith.constant 0 : i32
      %dma_wait3A_34 = arith.constant 0 : i32
      %dma_wait3A_35 = tpu.memref_slice %arg8[%dma_wait3A, %dma_wait3A_34] : memref<125x128xf32, #tpu.memory_space<vmem>> -> memref<7x128xf32, #tpu.memory_space<vmem>>
      %dma_wait3A_36 = arith.constant 0 : i32
      %dma_wait3A_37 = tpu.memref_slice %arg12[%add3A_14, %dma_wait3A_36] : memref<10112x128xf32, #tpu.memory_space<vmem_shared>> -> memref<7x128xf32, #tpu.memory_space<vmem_shared>>
      %dma_wait3A_38 = arith.constant 0 : i32
      %dma_wait3A_39 = tpu.memref_slice %arg12[%add3A_14, %dma_wait3A_38] : memref<10112x128xf32, #tpu.memory_space<vmem_shared>> -> memref<7x128xf32, #tpu.memory_space<vmem_shared>>
      %dma_wait3A_40 = arith.constant 0 : i32
      %dma_wait3A_41 = arith.constant 0 : i32
      %dma_wait3A_42 = tpu.memref_slice %arg8[%dma_wait3A_40, %dma_wait3A_41] : memref<125x128xf32, #tpu.memory_space<vmem>> -> memref<7x128xf32, #tpu.memory_space<vmem>>
      tpu.wait_dma2 semaphore(%run_scoped3A : memref<!tpu.dma_semaphore, #tpu.memory_space<semaphore_mem>>) src(%dma_wait3A_42 : memref<7x128xf32, #tpu.memory_space<vmem>>) dst(%dma_wait3A_39 : memref<7x128xf32, #tpu.memory_space<vmem_shared>>)
      tpu.yield
    }) : () -> ()
    %barrier3A = arith.constant 0 : index
    tpu.barrier barrier_id(%barrier3A)
    %scan3A_15 = arith.constant 0 : i32
    %scan3A_16 = arith.constant 10 : i32
    %scan3A_17 = arith.addi %scan3A_15, %scan3A_16 : i32
    %scan3A_18 = arith.constant 1 : i32
    scf.for %scan3A_25 = %scan3A_15 to %scan3A_17 step %scan3A_18  : i32 {
      %mul3A_26 = arith.constant 8 : i32
      %mul3A_27 = arith.muli %scan3A_25, %mul3A_26 : i32
      "tpu.region"() ({
        %run_scoped3A_147 = tpu.sem_alloc : memref<!tpu.dma_semaphore, #tpu.memory_space<semaphore_mem>>
        %dma_start3A_148 = arith.constant 0 : i32
        %dma_start3A_149 = tpu.memref_slice %arg3[%add3A, %mul3A_27, %dma_start3A_148] : memref<32x80x125xi32, #tpu.memory_space<hbm>> -> memref<1x8x125xi32, #tpu.memory_space<hbm>>
        %dma_start3A_150 = tpu.memref_squeeze %dma_start3A_149 : memref<1x8x125xi32, #tpu.memory_space<hbm>> -> memref<8x125xi32, #tpu.memory_space<hbm>>
        %dma_start3A_151 = arith.constant 0 : i32
        %dma_start3A_152 = tpu.memref_slice %arg3[%add3A, %mul3A_27, %dma_start3A_151] : memref<32x80x125xi32, #tpu.memory_space<hbm>> -> memref<1x8x125xi32, #tpu.memory_space<hbm>>
        %dma_start3A_153 = tpu.memref_squeeze %dma_start3A_152 : memref<1x8x125xi32, #tpu.memory_space<hbm>> -> memref<8x125xi32, #tpu.memory_space<hbm>>
        tpu.enqueue_dma source(%dma_start3A_153 : memref<8x125xi32, #tpu.memory_space<hbm>>) target(%arg6 : memref<8x125xi32, #tpu.memory_space<vmem>>) target_semaphore(%run_scoped3A_147 : memref<!tpu.dma_semaphore, #tpu.memory_space<semaphore_mem>>)
        %dma_wait3A_154 = arith.constant 0 : i32
        %dma_wait3A_155 = tpu.memref_slice %arg3[%add3A, %mul3A_27, %dma_wait3A_154] : memref<32x80x125xi32, #tpu.memory_space<hbm>> -> memref<1x8x125xi32, #tpu.memory_space<hbm>>
        %dma_wait3A_156 = tpu.memref_squeeze %dma_wait3A_155 : memref<1x8x125xi32, #tpu.memory_space<hbm>> -> memref<8x125xi32, #tpu.memory_space<hbm>>
        %dma_wait3A_157 = arith.constant 0 : i32
        %dma_wait3A_158 = tpu.memref_slice %arg3[%add3A, %mul3A_27, %dma_wait3A_157] : memref<32x80x125xi32, #tpu.memory_space<hbm>> -> memref<1x8x125xi32, #tpu.memory_space<hbm>>
        %dma_wait3A_159 = tpu.memref_squeeze %dma_wait3A_158 : memref<1x8x125xi32, #tpu.memory_space<hbm>> -> memref<8x125xi32, #tpu.memory_space<hbm>>
        tpu.wait_dma2 semaphore(%run_scoped3A_147 : memref<!tpu.dma_semaphore, #tpu.memory_space<semaphore_mem>>) src(%dma_wait3A_159 : memref<8x125xi32, #tpu.memory_space<hbm>>) dst(%arg6 : memref<8x125xi32, #tpu.memory_space<vmem>>)
        tpu.yield
      }) : () -> ()
      %mul3A_28 = arith.constant 8 : i32
      %mul3A_29 = arith.muli %scan3A_25, %mul3A_28 : i32
      "tpu.region"() ({
        %run_scoped3A_147 = tpu.sem_alloc : memref<!tpu.dma_semaphore, #tpu.memory_space<semaphore_mem>>
        %dma_start3A_148 = arith.constant 0 : i32
        %dma_start3A_149 = tpu.memref_slice %arg4[%add3A, %mul3A_29, %dma_start3A_148] : memref<32x80x125xi32, #tpu.memory_space<hbm>> -> memref<1x8x125xi32, #tpu.memory_space<hbm>>
        %dma_start3A_150 = tpu.memref_squeeze %dma_start3A_149 : memref<1x8x125xi32, #tpu.memory_space<hbm>> -> memref<8x125xi32, #tpu.memory_space<hbm>>
        %dma_start3A_151 = arith.constant 0 : i32
        %dma_start3A_152 = tpu.memref_slice %arg4[%add3A, %mul3A_29, %dma_start3A_151] : memref<32x80x125xi32, #tpu.memory_space<hbm>> -> memref<1x8x125xi32, #tpu.memory_space<hbm>>
        %dma_start3A_153 = tpu.memref_squeeze %dma_start3A_152 : memref<1x8x125xi32, #tpu.memory_space<hbm>> -> memref<8x125xi32, #tpu.memory_space<hbm>>
        tpu.enqueue_dma source(%dma_start3A_153 : memref<8x125xi32, #tpu.memory_space<hbm>>) target(%arg7 : memref<8x125xi32, #tpu.memory_space<vmem>>) target_semaphore(%run_scoped3A_147 : memref<!tpu.dma_semaphore, #tpu.memory_space<semaphore_mem>>)
        %dma_wait3A_154 = arith.constant 0 : i32
        %dma_wait3A_155 = tpu.memref_slice %arg4[%add3A, %mul3A_29, %dma_wait3A_154] : memref<32x80x125xi32, #tpu.memory_space<hbm>> -> memref<1x8x125xi32, #tpu.memory_space<hbm>>
        %dma_wait3A_156 = tpu.memref_squeeze %dma_wait3A_155 : memref<1x8x125xi32, #tpu.memory_space<hbm>> -> memref<8x125xi32, #tpu.memory_space<hbm>>
        %dma_wait3A_157 = arith.constant 0 : i32
        %dma_wait3A_158 = tpu.memref_slice %arg4[%add3A, %mul3A_29, %dma_wait3A_157] : memref<32x80x125xi32, #tpu.memory_space<hbm>> -> memref<1x8x125xi32, #tpu.memory_space<hbm>>
        %dma_wait3A_159 = tpu.memref_squeeze %dma_wait3A_158 : memref<1x8x125xi32, #tpu.memory_space<hbm>> -> memref<8x125xi32, #tpu.memory_space<hbm>>
        tpu.wait_dma2 semaphore(%run_scoped3A_147 : memref<!tpu.dma_semaphore, #tpu.memory_space<semaphore_mem>>) src(%dma_wait3A_159 : memref<8x125xi32, #tpu.memory_space<hbm>>) dst(%arg7 : memref<8x125xi32, #tpu.memory_space<vmem>>)
        tpu.yield
      }) : () -> ()
      %dma_start3A = arith.constant 0 : i32
      %dma_start3A_30 = arith.constant 0 : i32
      %dma_start3A_31 = tpu.memref_slice %arg6[%dma_start3A, %dma_start3A_30] : memref<8x125xi32, #tpu.memory_space<vmem>> -> memref<1x125xi32, #tpu.memory_space<vmem>>
      %dma_start3A_32 = tpu.memref_squeeze %dma_start3A_31 : memref<1x125xi32, #tpu.memory_space<vmem>> -> memref<125xi32, #tpu.memory_space<vmem>>
      %dma_start3A_33 = arith.constant 0 : i32
      %dma_start3A_34 = arith.constant 0 : i32
      %dma_start3A_35 = tpu.memref_slice %arg2[%dma_start3A_33, %dma_start3A_34] : memref<10000x128xf32, #tpu.memory_space<hbm>> -> memref<10000x128xf32, #tpu.memory_space<hbm>>
      tpu.enqueue_indirect_dma source(%dma_start3A_35 : memref<10000x128xf32, #tpu.memory_space<hbm>>) target(%arg8 : memref<125x128xf32, #tpu.memory_space<vmem>>) offsets(%dma_start3A_32 : memref<125xi32, #tpu.memory_space<vmem>>) semaphore(%arg10 : memref<!tpu.dma_semaphore, #tpu.memory_space<semaphore_mem>>)
      %dma_start3A_36 = arith.constant 1 : i32
      %dma_start3A_37 = arith.constant 0 : i32
      %dma_start3A_38 = tpu.memref_slice %arg6[%dma_start3A_36, %dma_start3A_37] : memref<8x125xi32, #tpu.memory_space<vmem>> -> memref<1x125xi32, #tpu.memory_space<vmem>>
      %dma_start3A_39 = tpu.memref_squeeze %dma_start3A_38 : memref<1x125xi32, #tpu.memory_space<vmem>> -> memref<125xi32, #tpu.memory_space<vmem>>
      %dma_start3A_40 = arith.constant 0 : i32
      %dma_start3A_41 = arith.constant 0 : i32
      %dma_start3A_42 = tpu.memref_slice %arg2[%dma_start3A_40, %dma_start3A_41] : memref<10000x128xf32, #tpu.memory_space<hbm>> -> memref<10000x128xf32, #tpu.memory_space<hbm>>
      tpu.enqueue_indirect_dma source(%dma_start3A_42 : memref<10000x128xf32, #tpu.memory_space<hbm>>) target(%arg9 : memref<125x128xf32, #tpu.memory_space<vmem>>) offsets(%dma_start3A_39 : memref<125xi32, #tpu.memory_space<vmem>>) semaphore(%arg11 : memref<!tpu.dma_semaphore, #tpu.memory_space<semaphore_mem>>)
      %dma_wait3A = arith.constant 0 : i32
      %dma_wait3A_43 = arith.constant 0 : i32
      %dma_wait3A_44 = tpu.memref_slice %arg6[%dma_wait3A, %dma_wait3A_43] : memref<8x125xi32, #tpu.memory_space<vmem>> -> memref<1x125xi32, #tpu.memory_space<vmem>>
      %dma_wait3A_45 = tpu.memref_squeeze %dma_wait3A_44 : memref<1x125xi32, #tpu.memory_space<vmem>> -> memref<125xi32, #tpu.memory_space<vmem>>
      %dma_wait3A_46 = arith.constant 0 : i32
      %dma_wait3A_47 = arith.constant 0 : i32
      %dma_wait3A_48 = tpu.memref_slice %arg2[%dma_wait3A_46, %dma_wait3A_47] : memref<10000x128xf32, #tpu.memory_space<hbm>> -> memref<10000x128xf32, #tpu.memory_space<hbm>>
      tpu.wait_indirect_dma semaphore(%arg10 : memref<!tpu.dma_semaphore, #tpu.memory_space<semaphore_mem>>) src(%dma_wait3A_48 : memref<10000x128xf32, #tpu.memory_space<hbm>>) dst(%arg8 : memref<125x128xf32, #tpu.memory_space<vmem>>)
      %run_scoped3A = arith.constant 0 : i32
      "tpu.region"() ({
        %run_scoped3A_147 = tpu.sem_alloc : memref<!tpu.dma_semaphore, #tpu.memory_space<semaphore_mem>>
        %dma_start3A_148 = arith.constant 0 : i32
        %dma_start3A_149 = tpu.memref_slice %arg7[%run_scoped3A, %dma_start3A_148] : memref<8x125xi32, #tpu.memory_space<vmem>> -> memref<1x125xi32, #tpu.memory_space<vmem>>
        %dma_start3A_150 = tpu.memref_squeeze %dma_start3A_149 : memref<1x125xi32, #tpu.memory_space<vmem>> -> memref<125xi32, #tpu.memory_space<vmem>>
        %dma_start3A_151 = arith.constant 0 : i32
        %dma_start3A_152 = arith.constant 0 : i32
        %dma_start3A_153 = tpu.memref_slice %arg12[%dma_start3A_151, %dma_start3A_152] : memref<10112x128xf32, #tpu.memory_space<vmem_shared>> -> memref<10112x128xf32, #tpu.memory_space<vmem_shared>>
        tpu.enqueue_indirect_dma source(%arg8 : memref<125x128xf32, #tpu.memory_space<vmem>>) target(%dma_start3A_153 : memref<10112x128xf32, #tpu.memory_space<vmem_shared>>) offsets(%dma_start3A_150 : memref<125xi32, #tpu.memory_space<vmem>>) semaphore(%run_scoped3A_147 : memref<!tpu.dma_semaphore, #tpu.memory_space<semaphore_mem>>) {add = true}
        %dma_wait3A_154 = arith.constant 0 : i32
        %dma_wait3A_155 = tpu.memref_slice %arg7[%run_scoped3A, %dma_wait3A_154] : memref<8x125xi32, #tpu.memory_space<vmem>> -> memref<1x125xi32, #tpu.memory_space<vmem>>
        %dma_wait3A_156 = tpu.memref_squeeze %dma_wait3A_155 : memref<1x125xi32, #tpu.memory_space<vmem>> -> memref<125xi32, #tpu.memory_space<vmem>>
        %dma_wait3A_157 = arith.constant 0 : i32
        %dma_wait3A_158 = arith.constant 0 : i32
        %dma_wait3A_159 = tpu.memref_slice %arg12[%dma_wait3A_157, %dma_wait3A_158] : memref<10112x128xf32, #tpu.memory_space<vmem_shared>> -> memref<10112x128xf32, #tpu.memory_space<vmem_shared>>
        tpu.wait_indirect_dma semaphore(%run_scoped3A_147 : memref<!tpu.dma_semaphore, #tpu.memory_space<semaphore_mem>>) src(%arg8 : memref<125x128xf32, #tpu.memory_space<vmem>>) dst(%dma_wait3A_159 : memref<10112x128xf32, #tpu.memory_space<vmem_shared>>)
        tpu.yield
      }) : () -> ()
      %dma_start3A_49 = arith.constant 2 : i32
      %dma_start3A_50 = arith.constant 0 : i32
      %dma_start3A_51 = tpu.memref_slice %arg6[%dma_start3A_49, %dma_start3A_50] : memref<8x125xi32, #tpu.memory_space<vmem>> -> memref<1x125xi32, #tpu.memory_space<vmem>>
      %dma_start3A_52 = tpu.memref_squeeze %dma_start3A_51 : memref<1x125xi32, #tpu.memory_space<vmem>> -> memref<125xi32, #tpu.memory_space<vmem>>
      %dma_start3A_53 = arith.constant 0 : i32
      %dma_start3A_54 = arith.constant 0 : i32
      %dma_start3A_55 = tpu.memref_slice %arg2[%dma_start3A_53, %dma_start3A_54] : memref<10000x128xf32, #tpu.memory_space<hbm>> -> memref<10000x128xf32, #tpu.memory_space<hbm>>
      tpu.enqueue_indirect_dma source(%dma_start3A_55 : memref<10000x128xf32, #tpu.memory_space<hbm>>) target(%arg8 : memref<125x128xf32, #tpu.memory_space<vmem>>) offsets(%dma_start3A_52 : memref<125xi32, #tpu.memory_space<vmem>>) semaphore(%arg10 : memref<!tpu.dma_semaphore, #tpu.memory_space<semaphore_mem>>)
      %dma_wait3A_56 = arith.constant 1 : i32
      %dma_wait3A_57 = arith.constant 0 : i32
      %dma_wait3A_58 = tpu.memref_slice %arg6[%dma_wait3A_56, %dma_wait3A_57] : memref<8x125xi32, #tpu.memory_space<vmem>> -> memref<1x125xi32, #tpu.memory_space<vmem>>
      %dma_wait3A_59 = tpu.memref_squeeze %dma_wait3A_58 : memref<1x125xi32, #tpu.memory_space<vmem>> -> memref<125xi32, #tpu.memory_space<vmem>>
      %dma_wait3A_60 = arith.constant 0 : i32
      %dma_wait3A_61 = arith.constant 0 : i32
      %dma_wait3A_62 = tpu.memref_slice %arg2[%dma_wait3A_60, %dma_wait3A_61] : memref<10000x128xf32, #tpu.memory_space<hbm>> -> memref<10000x128xf32, #tpu.memory_space<hbm>>
      tpu.wait_indirect_dma semaphore(%arg11 : memref<!tpu.dma_semaphore, #tpu.memory_space<semaphore_mem>>) src(%dma_wait3A_62 : memref<10000x128xf32, #tpu.memory_space<hbm>>) dst(%arg9 : memref<125x128xf32, #tpu.memory_space<vmem>>)
      %run_scoped3A_63 = arith.constant 1 : i32
      "tpu.region"() ({
        %run_scoped3A_147 = tpu.sem_alloc : memref<!tpu.dma_semaphore, #tpu.memory_space<semaphore_mem>>
        %dma_start3A_148 = arith.constant 0 : i32
        %dma_start3A_149 = tpu.memref_slice %arg7[%run_scoped3A_63, %dma_start3A_148] : memref<8x125xi32, #tpu.memory_space<vmem>> -> memref<1x125xi32, #tpu.memory_space<vmem>>
        %dma_start3A_150 = tpu.memref_squeeze %dma_start3A_149 : memref<1x125xi32, #tpu.memory_space<vmem>> -> memref<125xi32, #tpu.memory_space<vmem>>
        %dma_start3A_151 = arith.constant 0 : i32
        %dma_start3A_152 = arith.constant 0 : i32
        %dma_start3A_153 = tpu.memref_slice %arg12[%dma_start3A_151, %dma_start3A_152] : memref<10112x128xf32, #tpu.memory_space<vmem_shared>> -> memref<10112x128xf32, #tpu.memory_space<vmem_shared>>
        tpu.enqueue_indirect_dma source(%arg9 : memref<125x128xf32, #tpu.memory_space<vmem>>) target(%dma_start3A_153 : memref<10112x128xf32, #tpu.memory_space<vmem_shared>>) offsets(%dma_start3A_150 : memref<125xi32, #tpu.memory_space<vmem>>) semaphore(%run_scoped3A_147 : memref<!tpu.dma_semaphore, #tpu.memory_space<semaphore_mem>>) {add = true}
        %dma_wait3A_154 = arith.constant 0 : i32
        %dma_wait3A_155 = tpu.memref_slice %arg7[%run_scoped3A_63, %dma_wait3A_154] : memref<8x125xi32, #tpu.memory_space<vmem>> -> memref<1x125xi32, #tpu.memory_space<vmem>>
        %dma_wait3A_156 = tpu.memref_squeeze %dma_wait3A_155 : memref<1x125xi32, #tpu.memory_space<vmem>> -> memref<125xi32, #tpu.memory_space<vmem>>
        %dma_wait3A_157 = arith.constant 0 : i32
        %dma_wait3A_158 = arith.constant 0 : i32
        %dma_wait3A_159 = tpu.memref_slice %arg12[%dma_wait3A_157, %dma_wait3A_158] : memref<10112x128xf32, #tpu.memory_space<vmem_shared>> -> memref<10112x128xf32, #tpu.memory_space<vmem_shared>>
        tpu.wait_indirect_dma semaphore(%run_scoped3A_147 : memref<!tpu.dma_semaphore, #tpu.memory_space<semaphore_mem>>) src(%arg9 : memref<125x128xf32, #tpu.memory_space<vmem>>) dst(%dma_wait3A_159 : memref<10112x128xf32, #tpu.memory_space<vmem_shared>>)
        tpu.yield
      }) : () -> ()
      %dma_start3A_64 = arith.constant 3 : i32
      %dma_start3A_65 = arith.constant 0 : i32
      %dma_start3A_66 = tpu.memref_slice %arg6[%dma_start3A_64, %dma_start3A_65] : memref<8x125xi32, #tpu.memory_space<vmem>> -> memref<1x125xi32, #tpu.memory_space<vmem>>
      %dma_start3A_67 = tpu.memref_squeeze %dma_start3A_66 : memref<1x125xi32, #tpu.memory_space<vmem>> -> memref<125xi32, #tpu.memory_space<vmem>>
      %dma_start3A_68 = arith.constant 0 : i32
      %dma_start3A_69 = arith.constant 0 : i32
      %dma_start3A_70 = tpu.memref_slice %arg2[%dma_start3A_68, %dma_start3A_69] : memref<10000x128xf32, #tpu.memory_space<hbm>> -> memref<10000x128xf32, #tpu.memory_space<hbm>>
      tpu.enqueue_indirect_dma source(%dma_start3A_70 : memref<10000x128xf32, #tpu.memory_space<hbm>>) target(%arg9 : memref<125x128xf32, #tpu.memory_space<vmem>>) offsets(%dma_start3A_67 : memref<125xi32, #tpu.memory_space<vmem>>) semaphore(%arg11 : memref<!tpu.dma_semaphore, #tpu.memory_space<semaphore_mem>>)
      %dma_wait3A_71 = arith.constant 2 : i32
      %dma_wait3A_72 = arith.constant 0 : i32
      %dma_wait3A_73 = tpu.memref_slice %arg6[%dma_wait3A_71, %dma_wait3A_72] : memref<8x125xi32, #tpu.memory_space<vmem>> -> memref<1x125xi32, #tpu.memory_space<vmem>>
      %dma_wait3A_74 = tpu.memref_squeeze %dma_wait3A_73 : memref<1x125xi32, #tpu.memory_space<vmem>> -> memref<125xi32, #tpu.memory_space<vmem>>
      %dma_wait3A_75 = arith.constant 0 : i32
      %dma_wait3A_76 = arith.constant 0 : i32
      %dma_wait3A_77 = tpu.memref_slice %arg2[%dma_wait3A_75, %dma_wait3A_76] : memref<10000x128xf32, #tpu.memory_space<hbm>> -> memref<10000x128xf32, #tpu.memory_space<hbm>>
      tpu.wait_indirect_dma semaphore(%arg10 : memref<!tpu.dma_semaphore, #tpu.memory_space<semaphore_mem>>) src(%dma_wait3A_77 : memref<10000x128xf32, #tpu.memory_space<hbm>>) dst(%arg8 : memref<125x128xf32, #tpu.memory_space<vmem>>)
      %run_scoped3A_78 = arith.constant 2 : i32
      "tpu.region"() ({
        %run_scoped3A_147 = tpu.sem_alloc : memref<!tpu.dma_semaphore, #tpu.memory_space<semaphore_mem>>
        %dma_start3A_148 = arith.constant 0 : i32
        %dma_start3A_149 = tpu.memref_slice %arg7[%run_scoped3A_78, %dma_start3A_148] : memref<8x125xi32, #tpu.memory_space<vmem>> -> memref<1x125xi32, #tpu.memory_space<vmem>>
        %dma_start3A_150 = tpu.memref_squeeze %dma_start3A_149 : memref<1x125xi32, #tpu.memory_space<vmem>> -> memref<125xi32, #tpu.memory_space<vmem>>
        %dma_start3A_151 = arith.constant 0 : i32
        %dma_start3A_152 = arith.constant 0 : i32
        %dma_start3A_153 = tpu.memref_slice %arg12[%dma_start3A_151, %dma_start3A_152] : memref<10112x128xf32, #tpu.memory_space<vmem_shared>> -> memref<10112x128xf32, #tpu.memory_space<vmem_shared>>
        tpu.enqueue_indirect_dma source(%arg8 : memref<125x128xf32, #tpu.memory_space<vmem>>) target(%dma_start3A_153 : memref<10112x128xf32, #tpu.memory_space<vmem_shared>>) offsets(%dma_start3A_150 : memref<125xi32, #tpu.memory_space<vmem>>) semaphore(%run_scoped3A_147 : memref<!tpu.dma_semaphore, #tpu.memory_space<semaphore_mem>>) {add = true}
        %dma_wait3A_154 = arith.constant 0 : i32
        %dma_wait3A_155 = tpu.memref_slice %arg7[%run_scoped3A_78, %dma_wait3A_154] : memref<8x125xi32, #tpu.memory_space<vmem>> -> memref<1x125xi32, #tpu.memory_space<vmem>>
        %dma_wait3A_156 = tpu.memref_squeeze %dma_wait3A_155 : memref<1x125xi32, #tpu.memory_space<vmem>> -> memref<125xi32, #tpu.memory_space<vmem>>
        %dma_wait3A_157 = arith.constant 0 : i32
        %dma_wait3A_158 = arith.constant 0 : i32
        %dma_wait3A_159 = tpu.memref_slice %arg12[%dma_wait3A_157, %dma_wait3A_158] : memref<10112x128xf32, #tpu.memory_space<vmem_shared>> -> memref<10112x128xf32, #tpu.memory_space<vmem_shared>>
        tpu.wait_indirect_dma semaphore(%run_scoped3A_147 : memref<!tpu.dma_semaphore, #tpu.memory_space<semaphore_mem>>) src(%arg8 : memref<125x128xf32, #tpu.memory_space<vmem>>) dst(%dma_wait3A_159 : memref<10112x128xf32, #tpu.memory_space<vmem_shared>>)
        tpu.yield
      }) : () -> ()
      %dma_start3A_79 = arith.constant 4 : i32
      %dma_start3A_80 = arith.constant 0 : i32
      %dma_start3A_81 = tpu.memref_slice %arg6[%dma_start3A_79, %dma_start3A_80] : memref<8x125xi32, #tpu.memory_space<vmem>> -> memref<1x125xi32, #tpu.memory_space<vmem>>
      %dma_start3A_82 = tpu.memref_squeeze %dma_start3A_81 : memref<1x125xi32, #tpu.memory_space<vmem>> -> memref<125xi32, #tpu.memory_space<vmem>>
      %dma_start3A_83 = arith.constant 0 : i32
      %dma_start3A_84 = arith.constant 0 : i32
      %dma_start3A_85 = tpu.memref_slice %arg2[%dma_start3A_83, %dma_start3A_84] : memref<10000x128xf32, #tpu.memory_space<hbm>> -> memref<10000x128xf32, #tpu.memory_space<hbm>>
      tpu.enqueue_indirect_dma source(%dma_start3A_85 : memref<10000x128xf32, #tpu.memory_space<hbm>>) target(%arg8 : memref<125x128xf32, #tpu.memory_space<vmem>>) offsets(%dma_start3A_82 : memref<125xi32, #tpu.memory_space<vmem>>) semaphore(%arg10 : memref<!tpu.dma_semaphore, #tpu.memory_space<semaphore_mem>>)
      %dma_wait3A_86 = arith.constant 3 : i32
      %dma_wait3A_87 = arith.constant 0 : i32
      %dma_wait3A_88 = tpu.memref_slice %arg6[%dma_wait3A_86, %dma_wait3A_87] : memref<8x125xi32, #tpu.memory_space<vmem>> -> memref<1x125xi32, #tpu.memory_space<vmem>>
      %dma_wait3A_89 = tpu.memref_squeeze %dma_wait3A_88 : memref<1x125xi32, #tpu.memory_space<vmem>> -> memref<125xi32, #tpu.memory_space<vmem>>
      %dma_wait3A_90 = arith.constant 0 : i32
      %dma_wait3A_91 = arith.constant 0 : i32
      %dma_wait3A_92 = tpu.memref_slice %arg2[%dma_wait3A_90, %dma_wait3A_91] : memref<10000x128xf32, #tpu.memory_space<hbm>> -> memref<10000x128xf32, #tpu.memory_space<hbm>>
      tpu.wait_indirect_dma semaphore(%arg11 : memref<!tpu.dma_semaphore, #tpu.memory_space<semaphore_mem>>) src(%dma_wait3A_92 : memref<10000x128xf32, #tpu.memory_space<hbm>>) dst(%arg9 : memref<125x128xf32, #tpu.memory_space<vmem>>)
      %run_scoped3A_93 = arith.constant 3 : i32
      "tpu.region"() ({
        %run_scoped3A_147 = tpu.sem_alloc : memref<!tpu.dma_semaphore, #tpu.memory_space<semaphore_mem>>
        %dma_start3A_148 = arith.constant 0 : i32
        %dma_start3A_149 = tpu.memref_slice %arg7[%run_scoped3A_93, %dma_start3A_148] : memref<8x125xi32, #tpu.memory_space<vmem>> -> memref<1x125xi32, #tpu.memory_space<vmem>>
        %dma_start3A_150 = tpu.memref_squeeze %dma_start3A_149 : memref<1x125xi32, #tpu.memory_space<vmem>> -> memref<125xi32, #tpu.memory_space<vmem>>
        %dma_start3A_151 = arith.constant 0 : i32
        %dma_start3A_152 = arith.constant 0 : i32
        %dma_start3A_153 = tpu.memref_slice %arg12[%dma_start3A_151, %dma_start3A_152] : memref<10112x128xf32, #tpu.memory_space<vmem_shared>> -> memref<10112x128xf32, #tpu.memory_space<vmem_shared>>
        tpu.enqueue_indirect_dma source(%arg9 : memref<125x128xf32, #tpu.memory_space<vmem>>) target(%dma_start3A_153 : memref<10112x128xf32, #tpu.memory_space<vmem_shared>>) offsets(%dma_start3A_150 : memref<125xi32, #tpu.memory_space<vmem>>) semaphore(%run_scoped3A_147 : memref<!tpu.dma_semaphore, #tpu.memory_space<semaphore_mem>>) {add = true}
        %dma_wait3A_154 = arith.constant 0 : i32
        %dma_wait3A_155 = tpu.memref_slice %arg7[%run_scoped3A_93, %dma_wait3A_154] : memref<8x125xi32, #tpu.memory_space<vmem>> -> memref<1x125xi32, #tpu.memory_space<vmem>>
        %dma_wait3A_156 = tpu.memref_squeeze %dma_wait3A_155 : memref<1x125xi32, #tpu.memory_space<vmem>> -> memref<125xi32, #tpu.memory_space<vmem>>
        %dma_wait3A_157 = arith.constant 0 : i32
        %dma_wait3A_158 = arith.constant 0 : i32
        %dma_wait3A_159 = tpu.memref_slice %arg12[%dma_wait3A_157, %dma_wait3A_158] : memref<10112x128xf32, #tpu.memory_space<vmem_shared>> -> memref<10112x128xf32, #tpu.memory_space<vmem_shared>>
        tpu.wait_indirect_dma semaphore(%run_scoped3A_147 : memref<!tpu.dma_semaphore, #tpu.memory_space<semaphore_mem>>) src(%arg9 : memref<125x128xf32, #tpu.memory_space<vmem>>) dst(%dma_wait3A_159 : memref<10112x128xf32, #tpu.memory_space<vmem_shared>>)
        tpu.yield
      }) : () -> ()
      %dma_start3A_94 = arith.constant 5 : i32
      %dma_start3A_95 = arith.constant 0 : i32
      %dma_start3A_96 = tpu.memref_slice %arg6[%dma_start3A_94, %dma_start3A_95] : memref<8x125xi32, #tpu.memory_space<vmem>> -> memref<1x125xi32, #tpu.memory_space<vmem>>
      %dma_start3A_97 = tpu.memref_squeeze %dma_start3A_96 : memref<1x125xi32, #tpu.memory_space<vmem>> -> memref<125xi32, #tpu.memory_space<vmem>>
      %dma_start3A_98 = arith.constant 0 : i32
      %dma_start3A_99 = arith.constant 0 : i32
      %dma_start3A_100 = tpu.memref_slice %arg2[%dma_start3A_98, %dma_start3A_99] : memref<10000x128xf32, #tpu.memory_space<hbm>> -> memref<10000x128xf32, #tpu.memory_space<hbm>>
      tpu.enqueue_indirect_dma source(%dma_start3A_100 : memref<10000x128xf32, #tpu.memory_space<hbm>>) target(%arg9 : memref<125x128xf32, #tpu.memory_space<vmem>>) offsets(%dma_start3A_97 : memref<125xi32, #tpu.memory_space<vmem>>) semaphore(%arg11 : memref<!tpu.dma_semaphore, #tpu.memory_space<semaphore_mem>>)
      %dma_wait3A_101 = arith.constant 4 : i32
      %dma_wait3A_102 = arith.constant 0 : i32
      %dma_wait3A_103 = tpu.memref_slice %arg6[%dma_wait3A_101, %dma_wait3A_102] : memref<8x125xi32, #tpu.memory_space<vmem>> -> memref<1x125xi32, #tpu.memory_space<vmem>>
      %dma_wait3A_104 = tpu.memref_squeeze %dma_wait3A_103 : memref<1x125xi32, #tpu.memory_space<vmem>> -> memref<125xi32, #tpu.memory_space<vmem>>
      %dma_wait3A_105 = arith.constant 0 : i32
      %dma_wait3A_106 = arith.constant 0 : i32
      %dma_wait3A_107 = tpu.memref_slice %arg2[%dma_wait3A_105, %dma_wait3A_106] : memref<10000x128xf32, #tpu.memory_space<hbm>> -> memref<10000x128xf32, #tpu.memory_space<hbm>>
      tpu.wait_indirect_dma semaphore(%arg10 : memref<!tpu.dma_semaphore, #tpu.memory_space<semaphore_mem>>) src(%dma_wait3A_107 : memref<10000x128xf32, #tpu.memory_space<hbm>>) dst(%arg8 : memref<125x128xf32, #tpu.memory_space<vmem>>)
      %run_scoped3A_108 = arith.constant 4 : i32
      "tpu.region"() ({
        %run_scoped3A_147 = tpu.sem_alloc : memref<!tpu.dma_semaphore, #tpu.memory_space<semaphore_mem>>
        %dma_start3A_148 = arith.constant 0 : i32
        %dma_start3A_149 = tpu.memref_slice %arg7[%run_scoped3A_108, %dma_start3A_148] : memref<8x125xi32, #tpu.memory_space<vmem>> -> memref<1x125xi32, #tpu.memory_space<vmem>>
        %dma_start3A_150 = tpu.memref_squeeze %dma_start3A_149 : memref<1x125xi32, #tpu.memory_space<vmem>> -> memref<125xi32, #tpu.memory_space<vmem>>
        %dma_start3A_151 = arith.constant 0 : i32
        %dma_start3A_152 = arith.constant 0 : i32
        %dma_start3A_153 = tpu.memref_slice %arg12[%dma_start3A_151, %dma_start3A_152] : memref<10112x128xf32, #tpu.memory_space<vmem_shared>> -> memref<10112x128xf32, #tpu.memory_space<vmem_shared>>
        tpu.enqueue_indirect_dma source(%arg8 : memref<125x128xf32, #tpu.memory_space<vmem>>) target(%dma_start3A_153 : memref<10112x128xf32, #tpu.memory_space<vmem_shared>>) offsets(%dma_start3A_150 : memref<125xi32, #tpu.memory_space<vmem>>) semaphore(%run_scoped3A_147 : memref<!tpu.dma_semaphore, #tpu.memory_space<semaphore_mem>>) {add = true}
        %dma_wait3A_154 = arith.constant 0 : i32
        %dma_wait3A_155 = tpu.memref_slice %arg7[%run_scoped3A_108, %dma_wait3A_154] : memref<8x125xi32, #tpu.memory_space<vmem>> -> memref<1x125xi32, #tpu.memory_space<vmem>>
        %dma_wait3A_156 = tpu.memref_squeeze %dma_wait3A_155 : memref<1x125xi32, #tpu.memory_space<vmem>> -> memref<125xi32, #tpu.memory_space<vmem>>
        %dma_wait3A_157 = arith.constant 0 : i32
        %dma_wait3A_158 = arith.constant 0 : i32
        %dma_wait3A_159 = tpu.memref_slice %arg12[%dma_wait3A_157, %dma_wait3A_158] : memref<10112x128xf32, #tpu.memory_space<vmem_shared>> -> memref<10112x128xf32, #tpu.memory_space<vmem_shared>>
        tpu.wait_indirect_dma semaphore(%run_scoped3A_147 : memref<!tpu.dma_semaphore, #tpu.memory_space<semaphore_mem>>) src(%arg8 : memref<125x128xf32, #tpu.memory_space<vmem>>) dst(%dma_wait3A_159 : memref<10112x128xf32, #tpu.memory_space<vmem_shared>>)
        tpu.yield
      }) : () -> ()
      %dma_start3A_109 = arith.constant 6 : i32
      %dma_start3A_110 = arith.constant 0 : i32
      %dma_start3A_111 = tpu.memref_slice %arg6[%dma_start3A_109, %dma_start3A_110] : memref<8x125xi32, #tpu.memory_space<vmem>> -> memref<1x125xi32, #tpu.memory_space<vmem>>
      %dma_start3A_112 = tpu.memref_squeeze %dma_start3A_111 : memref<1x125xi32, #tpu.memory_space<vmem>> -> memref<125xi32, #tpu.memory_space<vmem>>
      %dma_start3A_113 = arith.constant 0 : i32
      %dma_start3A_114 = arith.constant 0 : i32
      %dma_start3A_115 = tpu.memref_slice %arg2[%dma_start3A_113, %dma_start3A_114] : memref<10000x128xf32, #tpu.memory_space<hbm>> -> memref<10000x128xf32, #tpu.memory_space<hbm>>
      tpu.enqueue_indirect_dma source(%dma_start3A_115 : memref<10000x128xf32, #tpu.memory_space<hbm>>) target(%arg8 : memref<125x128xf32, #tpu.memory_space<vmem>>) offsets(%dma_start3A_112 : memref<125xi32, #tpu.memory_space<vmem>>) semaphore(%arg10 : memref<!tpu.dma_semaphore, #tpu.memory_space<semaphore_mem>>)
      %dma_wait3A_116 = arith.constant 5 : i32
      %dma_wait3A_117 = arith.constant 0 : i32
      %dma_wait3A_118 = tpu.memref_slice %arg6[%dma_wait3A_116, %dma_wait3A_117] : memref<8x125xi32, #tpu.memory_space<vmem>> -> memref<1x125xi32, #tpu.memory_space<vmem>>
      %dma_wait3A_119 = tpu.memref_squeeze %dma_wait3A_118 : memref<1x125xi32, #tpu.memory_space<vmem>> -> memref<125xi32, #tpu.memory_space<vmem>>
      %dma_wait3A_120 = arith.constant 0 : i32
      %dma_wait3A_121 = arith.constant 0 : i32
      %dma_wait3A_122 = tpu.memref_slice %arg2[%dma_wait3A_120, %dma_wait3A_121] : memref<10000x128xf32, #tpu.memory_space<hbm>> -> memref<10000x128xf32, #tpu.memory_space<hbm>>
      tpu.wait_indirect_dma semaphore(%arg11 : memref<!tpu.dma_semaphore, #tpu.memory_space<semaphore_mem>>) src(%dma_wait3A_122 : memref<10000x128xf32, #tpu.memory_space<hbm>>) dst(%arg9 : memref<125x128xf32, #tpu.memory_space<vmem>>)
      %run_scoped3A_123 = arith.constant 5 : i32
      "tpu.region"() ({
        %run_scoped3A_147 = tpu.sem_alloc : memref<!tpu.dma_semaphore, #tpu.memory_space<semaphore_mem>>
        %dma_start3A_148 = arith.constant 0 : i32
        %dma_start3A_149 = tpu.memref_slice %arg7[%run_scoped3A_123, %dma_start3A_148] : memref<8x125xi32, #tpu.memory_space<vmem>> -> memref<1x125xi32, #tpu.memory_space<vmem>>
        %dma_start3A_150 = tpu.memref_squeeze %dma_start3A_149 : memref<1x125xi32, #tpu.memory_space<vmem>> -> memref<125xi32, #tpu.memory_space<vmem>>
        %dma_start3A_151 = arith.constant 0 : i32
        %dma_start3A_152 = arith.constant 0 : i32
        %dma_start3A_153 = tpu.memref_slice %arg12[%dma_start3A_151, %dma_start3A_152] : memref<10112x128xf32, #tpu.memory_space<vmem_shared>> -> memref<10112x128xf32, #tpu.memory_space<vmem_shared>>
        tpu.enqueue_indirect_dma source(%arg9 : memref<125x128xf32, #tpu.memory_space<vmem>>) target(%dma_start3A_153 : memref<10112x128xf32, #tpu.memory_space<vmem_shared>>) offsets(%dma_start3A_150 : memref<125xi32, #tpu.memory_space<vmem>>) semaphore(%run_scoped3A_147 : memref<!tpu.dma_semaphore, #tpu.memory_space<semaphore_mem>>) {add = true}
        %dma_wait3A_154 = arith.constant 0 : i32
        %dma_wait3A_155 = tpu.memref_slice %arg7[%run_scoped3A_123, %dma_wait3A_154] : memref<8x125xi32, #tpu.memory_space<vmem>> -> memref<1x125xi32, #tpu.memory_space<vmem>>
        %dma_wait3A_156 = tpu.memref_squeeze %dma_wait3A_155 : memref<1x125xi32, #tpu.memory_space<vmem>> -> memref<125xi32, #tpu.memory_space<vmem>>
        %dma_wait3A_157 = arith.constant 0 : i32
        %dma_wait3A_158 = arith.constant 0 : i32
        %dma_wait3A_159 = tpu.memref_slice %arg12[%dma_wait3A_157, %dma_wait3A_158] : memref<10112x128xf32, #tpu.memory_space<vmem_shared>> -> memref<10112x128xf32, #tpu.memory_space<vmem_shared>>
        tpu.wait_indirect_dma semaphore(%run_scoped3A_147 : memref<!tpu.dma_semaphore, #tpu.memory_space<semaphore_mem>>) src(%arg9 : memref<125x128xf32, #tpu.memory_space<vmem>>) dst(%dma_wait3A_159 : memref<10112x128xf32, #tpu.memory_space<vmem_shared>>)
        tpu.yield
      }) : () -> ()
      %dma_start3A_124 = arith.constant 7 : i32
      %dma_start3A_125 = arith.constant 0 : i32
      %dma_start3A_126 = tpu.memref_slice %arg6[%dma_start3A_124, %dma_start3A_125] : memref<8x125xi32, #tpu.memory_space<vmem>> -> memref<1x125xi32, #tpu.memory_space<vmem>>
      %dma_start3A_127 = tpu.memref_squeeze %dma_start3A_126 : memref<1x125xi32, #tpu.memory_space<vmem>> -> memref<125xi32, #tpu.memory_space<vmem>>
      %dma_start3A_128 = arith.constant 0 : i32
      %dma_start3A_129 = arith.constant 0 : i32
      %dma_start3A_130 = tpu.memref_slice %arg2[%dma_start3A_128, %dma_start3A_129] : memref<10000x128xf32, #tpu.memory_space<hbm>> -> memref<10000x128xf32, #tpu.memory_space<hbm>>
      tpu.enqueue_indirect_dma source(%dma_start3A_130 : memref<10000x128xf32, #tpu.memory_space<hbm>>) target(%arg9 : memref<125x128xf32, #tpu.memory_space<vmem>>) offsets(%dma_start3A_127 : memref<125xi32, #tpu.memory_space<vmem>>) semaphore(%arg11 : memref<!tpu.dma_semaphore, #tpu.memory_space<semaphore_mem>>)
      %dma_wait3A_131 = arith.constant 6 : i32
      %dma_wait3A_132 = arith.constant 0 : i32
      %dma_wait3A_133 = tpu.memref_slice %arg6[%dma_wait3A_131, %dma_wait3A_132] : memref<8x125xi32, #tpu.memory_space<vmem>> -> memref<1x125xi32, #tpu.memory_space<vmem>>
      %dma_wait3A_134 = tpu.memref_squeeze %dma_wait3A_133 : memref<1x125xi32, #tpu.memory_space<vmem>> -> memref<125xi32, #tpu.memory_space<vmem>>
      %dma_wait3A_135 = arith.constant 0 : i32
      %dma_wait3A_136 = arith.constant 0 : i32
      %dma_wait3A_137 = tpu.memref_slice %arg2[%dma_wait3A_135, %dma_wait3A_136] : memref<10000x128xf32, #tpu.memory_space<hbm>> -> memref<10000x128xf32, #tpu.memory_space<hbm>>
      tpu.wait_indirect_dma semaphore(%arg10 : memref<!tpu.dma_semaphore, #tpu.memory_space<semaphore_mem>>) src(%dma_wait3A_137 : memref<10000x128xf32, #tpu.memory_space<hbm>>) dst(%arg8 : memref<125x128xf32, #tpu.memory_space<vmem>>)
      %run_scoped3A_138 = arith.constant 6 : i32
      "tpu.region"() ({
        %run_scoped3A_147 = tpu.sem_alloc : memref<!tpu.dma_semaphore, #tpu.memory_space<semaphore_mem>>
        %dma_start3A_148 = arith.constant 0 : i32
        %dma_start3A_149 = tpu.memref_slice %arg7[%run_scoped3A_138, %dma_start3A_148] : memref<8x125xi32, #tpu.memory_space<vmem>> -> memref<1x125xi32, #tpu.memory_space<vmem>>
        %dma_start3A_150 = tpu.memref_squeeze %dma_start3A_149 : memref<1x125xi32, #tpu.memory_space<vmem>> -> memref<125xi32, #tpu.memory_space<vmem>>
        %dma_start3A_151 = arith.constant 0 : i32
        %dma_start3A_152 = arith.constant 0 : i32
        %dma_start3A_153 = tpu.memref_slice %arg12[%dma_start3A_151, %dma_start3A_152] : memref<10112x128xf32, #tpu.memory_space<vmem_shared>> -> memref<10112x128xf32, #tpu.memory_space<vmem_shared>>
        tpu.enqueue_indirect_dma source(%arg8 : memref<125x128xf32, #tpu.memory_space<vmem>>) target(%dma_start3A_153 : memref<10112x128xf32, #tpu.memory_space<vmem_shared>>) offsets(%dma_start3A_150 : memref<125xi32, #tpu.memory_space<vmem>>) semaphore(%run_scoped3A_147 : memref<!tpu.dma_semaphore, #tpu.memory_space<semaphore_mem>>) {add = true}
        %dma_wait3A_154 = arith.constant 0 : i32
        %dma_wait3A_155 = tpu.memref_slice %arg7[%run_scoped3A_138, %dma_wait3A_154] : memref<8x125xi32, #tpu.memory_space<vmem>> -> memref<1x125xi32, #tpu.memory_space<vmem>>
        %dma_wait3A_156 = tpu.memref_squeeze %dma_wait3A_155 : memref<1x125xi32, #tpu.memory_space<vmem>> -> memref<125xi32, #tpu.memory_space<vmem>>
        %dma_wait3A_157 = arith.constant 0 : i32
        %dma_wait3A_158 = arith.constant 0 : i32
        %dma_wait3A_159 = tpu.memref_slice %arg12[%dma_wait3A_157, %dma_wait3A_158] : memref<10112x128xf32, #tpu.memory_space<vmem_shared>> -> memref<10112x128xf32, #tpu.memory_space<vmem_shared>>
        tpu.wait_indirect_dma semaphore(%run_scoped3A_147 : memref<!tpu.dma_semaphore, #tpu.memory_space<semaphore_mem>>) src(%arg8 : memref<125x128xf32, #tpu.memory_space<vmem>>) dst(%dma_wait3A_159 : memref<10112x128xf32, #tpu.memory_space<vmem_shared>>)
        tpu.yield
      }) : () -> ()
      %dma_wait3A_139 = arith.constant 7 : i32
      %dma_wait3A_140 = arith.constant 0 : i32
      %dma_wait3A_141 = tpu.memref_slice %arg6[%dma_wait3A_139, %dma_wait3A_140] : memref<8x125xi32, #tpu.memory_space<vmem>> -> memref<1x125xi32, #tpu.memory_space<vmem>>
      %dma_wait3A_142 = tpu.memref_squeeze %dma_wait3A_141 : memref<1x125xi32, #tpu.memory_space<vmem>> -> memref<125xi32, #tpu.memory_space<vmem>>
      %dma_wait3A_143 = arith.constant 0 : i32
      %dma_wait3A_144 = arith.constant 0 : i32
      %dma_wait3A_145 = tpu.memref_slice %arg2[%dma_wait3A_143, %dma_wait3A_144] : memref<10000x128xf32, #tpu.memory_space<hbm>> -> memref<10000x128xf32, #tpu.memory_space<hbm>>
      tpu.wait_indirect_dma semaphore(%arg11 : memref<!tpu.dma_semaphore, #tpu.memory_space<semaphore_mem>>) src(%dma_wait3A_145 : memref<10000x128xf32, #tpu.memory_space<hbm>>) dst(%arg9 : memref<125x128xf32, #tpu.memory_space<vmem>>)
      %run_scoped3A_146 = arith.constant 7 : i32
      "tpu.region"() ({
        %run_scoped3A_147 = tpu.sem_alloc : memref<!tpu.dma_semaphore, #tpu.memory_space<semaphore_mem>>
        %dma_start3A_148 = arith.constant 0 : i32
        %dma_start3A_149 = tpu.memref_slice %arg7[%run_scoped3A_146, %dma_start3A_148] : memref<8x125xi32, #tpu.memory_space<vmem>> -> memref<1x125xi32, #tpu.memory_space<vmem>>
        %dma_start3A_150 = tpu.memref_squeeze %dma_start3A_149 : memref<1x125xi32, #tpu.memory_space<vmem>> -> memref<125xi32, #tpu.memory_space<vmem>>
        %dma_start3A_151 = arith.constant 0 : i32
        %dma_start3A_152 = arith.constant 0 : i32
        %dma_start3A_153 = tpu.memref_slice %arg12[%dma_start3A_151, %dma_start3A_152] : memref<10112x128xf32, #tpu.memory_space<vmem_shared>> -> memref<10112x128xf32, #tpu.memory_space<vmem_shared>>
        tpu.enqueue_indirect_dma source(%arg9 : memref<125x128xf32, #tpu.memory_space<vmem>>) target(%dma_start3A_153 : memref<10112x128xf32, #tpu.memory_space<vmem_shared>>) offsets(%dma_start3A_150 : memref<125xi32, #tpu.memory_space<vmem>>) semaphore(%run_scoped3A_147 : memref<!tpu.dma_semaphore, #tpu.memory_space<semaphore_mem>>) {add = true}
        %dma_wait3A_154 = arith.constant 0 : i32
        %dma_wait3A_155 = tpu.memref_slice %arg7[%run_scoped3A_146, %dma_wait3A_154] : memref<8x125xi32, #tpu.memory_space<vmem>> -> memref<1x125xi32, #tpu.memory_space<vmem>>
        %dma_wait3A_156 = tpu.memref_squeeze %dma_wait3A_155 : memref<1x125xi32, #tpu.memory_space<vmem>> -> memref<125xi32, #tpu.memory_space<vmem>>
        %dma_wait3A_157 = arith.constant 0 : i32
        %dma_wait3A_158 = arith.constant 0 : i32
        %dma_wait3A_159 = tpu.memref_slice %arg12[%dma_wait3A_157, %dma_wait3A_158] : memref<10112x128xf32, #tpu.memory_space<vmem_shared>> -> memref<10112x128xf32, #tpu.memory_space<vmem_shared>>
        tpu.wait_indirect_dma semaphore(%run_scoped3A_147 : memref<!tpu.dma_semaphore, #tpu.memory_space<semaphore_mem>>) src(%arg9 : memref<125x128xf32, #tpu.memory_space<vmem>>) dst(%dma_wait3A_159 : memref<10112x128xf32, #tpu.memory_space<vmem_shared>>)
        tpu.yield
      }) : () -> ()
    }
    %scan3A_19 = arith.constant 10 : i32
    %barrier3A_20 = arith.constant 0 : index
    tpu.barrier barrier_id(%barrier3A_20)
    %mul3A_21 = arith.constant 632 : i32
    %mul3A_22 = arith.muli %arg1, %mul3A_21 : i32
    %mul3A_23 = arith.constant 632 : i32
    %mul3A_24 = arith.muli %arg1, %mul3A_23 : i32
    "tpu.region"() ({
      %run_scoped3A = tpu.sem_alloc : memref<!tpu.dma_semaphore, #tpu.memory_space<semaphore_mem>>
      %dma_start3A = arith.constant 0 : i32
      %dma_start3A_25 = tpu.memref_slice %arg5[%arg0, %mul3A_24, %dma_start3A] : memref<2x10112x128xf32, #tpu.memory_space<hbm>> -> memref<1x632x128xf32, #tpu.memory_space<hbm>>
      %dma_start3A_26 = tpu.memref_squeeze %dma_start3A_25 : memref<1x632x128xf32, #tpu.memory_space<hbm>> -> memref<632x128xf32, #tpu.memory_space<hbm>>
      %dma_start3A_27 = arith.constant 0 : i32
      %dma_start3A_28 = tpu.memref_slice %arg12[%mul3A_22, %dma_start3A_27] : memref<10112x128xf32, #tpu.memory_space<vmem_shared>> -> memref<632x128xf32, #tpu.memory_space<vmem_shared>>
      tpu.enqueue_dma source(%dma_start3A_28 : memref<632x128xf32, #tpu.memory_space<vmem_shared>>) target(%dma_start3A_26 : memref<632x128xf32, #tpu.memory_space<hbm>>) target_semaphore(%run_scoped3A : memref<!tpu.dma_semaphore, #tpu.memory_space<semaphore_mem>>)
      %dma_wait3A = arith.constant 0 : i32
      %dma_wait3A_29 = tpu.memref_slice %arg5[%arg0, %mul3A_24, %dma_wait3A] : memref<2x10112x128xf32, #tpu.memory_space<hbm>> -> memref<1x632x128xf32, #tpu.memory_space<hbm>>
      %dma_wait3A_30 = tpu.memref_squeeze %dma_wait3A_29 : memref<1x632x128xf32, #tpu.memory_space<hbm>> -> memref<632x128xf32, #tpu.memory_space<hbm>>
      %dma_wait3A_31 = arith.constant 0 : i32
      %dma_wait3A_32 = tpu.memref_slice %arg12[%mul3A_22, %dma_wait3A_31] : memref<10112x128xf32, #tpu.memory_space<vmem_shared>> -> memref<632x128xf32, #tpu.memory_space<vmem_shared>>
      tpu.wait_dma2 semaphore(%run_scoped3A : memref<!tpu.dma_semaphore, #tpu.memory_space<semaphore_mem>>) src(%dma_wait3A_32 : memref<632x128xf32, #tpu.memory_space<vmem_shared>>) dst(%dma_wait3A_30 : memref<632x128xf32, #tpu.memory_space<hbm>>)
      tpu.yield
    }) : () -> ()
    return
  }
}

#map = affine_map<(d0, d1) -> (0, 0)>
#map1 = affine_map<(d0, d1) -> (0, 0, 0)>
module attributes {stable_mosaic.version = 14 : i64} {
  func.func @_sc_pool(%arg0: i32, %arg1: i32, %arg2: memref<10000x128xf32, #tpu.memory_space<hbm>>, %arg3: memref<16x5x125xi32, #tpu.memory_space<hbm>>, %arg4: memref<16x5x125xi32, #tpu.memory_space<hbm>>, %arg5: memref<64x128xf32, #tpu.memory_space<hbm>>, %arg6: memref<2x64x128xf32, #tpu.memory_space<hbm>>, %arg7: memref<5x125xi32, #tpu.memory_space<vmem>>, %arg8: memref<5x125xi32, #tpu.memory_space<vmem>>, %arg9: memref<125x128xf32, #tpu.memory_space<vmem>>, %arg10: memref<!tpu.dma_semaphore, #tpu.memory_space<semaphore_mem>>, %arg11: memref<64x128xf32, #tpu.memory_space<vmem_shared>>) attributes {dimension_semantics = [#tpu.dimension_semantics<core_parallel>, #tpu.dimension_semantics<subcore_parallel>], iteration_bounds = array<i64: 2, 16>, scalar_prefetch = 0 : i64, scratch_operands = 5 : i64, tpu.core_type = #tpu.core_type<sc_vector_subcore>, window_params = [{transform_indices = #map}, {transform_indices = #map1}, {transform_indices = #map1}, {transform_indices = #map}, {transform_indices = #map1}]} {
    %mul3A = arith.constant 8 : i32
    %mul3A_0 = arith.muli %arg0, %mul3A : i32
    %add3A = arith.addi %mul3A_0, %arg1 : i32
    %eq3A = arith.constant 0 : i32
    %eq3A_1 = arith.cmpi eq, %arg1, %eq3A : i32
    %convert_element_type3A = arith.extui %eq3A_1 : i1 to i32
    %cond3A = arith.constant 0 : i32
    %cond3A_2 = arith.cmpi ne, %convert_element_type3A, %cond3A : i32
    scf.if %cond3A_2 {
      "tpu.region"() ({
        %run_scoped3A = tpu.sem_alloc : memref<!tpu.dma_semaphore, #tpu.memory_space<semaphore_mem>>
        tpu.enqueue_dma source(%arg5 : memref<64x128xf32, #tpu.memory_space<hbm>>) target(%arg11 : memref<64x128xf32, #tpu.memory_space<vmem_shared>>) target_semaphore(%run_scoped3A : memref<!tpu.dma_semaphore, #tpu.memory_space<semaphore_mem>>)
        tpu.wait_dma2 semaphore(%run_scoped3A : memref<!tpu.dma_semaphore, #tpu.memory_space<semaphore_mem>>) src(%arg5 : memref<64x128xf32, #tpu.memory_space<hbm>>) dst(%arg11 : memref<64x128xf32, #tpu.memory_space<vmem_shared>>)
        tpu.yield
      }) : () -> ()
    } else {
    }
    %barrier3A = arith.constant 0 : index
    tpu.barrier barrier_id(%barrier3A)
    %lt3A = arith.constant 8 : i32
    %lt3A_3 = arith.cmpi slt, %arg1, %lt3A : i32
    %convert_element_type3A_4 = arith.extui %lt3A_3 : i1 to i32
    %cond3A_5 = arith.constant 0 : i32
    %cond3A_6 = arith.cmpi ne, %convert_element_type3A_4, %cond3A_5 : i32
    scf.if %cond3A_6 {
      "tpu.region"() ({
        %run_scoped3A = tpu.sem_alloc : memref<!tpu.dma_semaphore, #tpu.memory_space<semaphore_mem>>
        %dma_start3A = arith.constant 0 : i32
        %dma_start3A_17 = arith.constant 0 : i32
        %dma_start3A_18 = tpu.memref_slice %arg3[%add3A, %dma_start3A, %dma_start3A_17] : memref<16x5x125xi32, #tpu.memory_space<hbm>> -> memref<1x5x125xi32, #tpu.memory_space<hbm>>
        %dma_start3A_19 = tpu.memref_squeeze %dma_start3A_18 : memref<1x5x125xi32, #tpu.memory_space<hbm>> -> memref<5x125xi32, #tpu.memory_space<hbm>>
        %dma_start3A_20 = arith.constant 0 : i32
        %dma_start3A_21 = arith.constant 0 : i32
        %dma_start3A_22 = tpu.memref_slice %arg3[%add3A, %dma_start3A_20, %dma_start3A_21] : memref<16x5x125xi32, #tpu.memory_space<hbm>> -> memref<1x5x125xi32, #tpu.memory_space<hbm>>
        %dma_start3A_23 = tpu.memref_squeeze %dma_start3A_22 : memref<1x5x125xi32, #tpu.memory_space<hbm>> -> memref<5x125xi32, #tpu.memory_space<hbm>>
        tpu.enqueue_dma source(%dma_start3A_23 : memref<5x125xi32, #tpu.memory_space<hbm>>) target(%arg7 : memref<5x125xi32, #tpu.memory_space<vmem>>) target_semaphore(%run_scoped3A : memref<!tpu.dma_semaphore, #tpu.memory_space<semaphore_mem>>)
        %dma_wait3A = arith.constant 0 : i32
        %dma_wait3A_24 = arith.constant 0 : i32
        %dma_wait3A_25 = tpu.memref_slice %arg3[%add3A, %dma_wait3A, %dma_wait3A_24] : memref<16x5x125xi32, #tpu.memory_space<hbm>> -> memref<1x5x125xi32, #tpu.memory_space<hbm>>
        %dma_wait3A_26 = tpu.memref_squeeze %dma_wait3A_25 : memref<1x5x125xi32, #tpu.memory_space<hbm>> -> memref<5x125xi32, #tpu.memory_space<hbm>>
        %dma_wait3A_27 = arith.constant 0 : i32
        %dma_wait3A_28 = arith.constant 0 : i32
        %dma_wait3A_29 = tpu.memref_slice %arg3[%add3A, %dma_wait3A_27, %dma_wait3A_28] : memref<16x5x125xi32, #tpu.memory_space<hbm>> -> memref<1x5x125xi32, #tpu.memory_space<hbm>>
        %dma_wait3A_30 = tpu.memref_squeeze %dma_wait3A_29 : memref<1x5x125xi32, #tpu.memory_space<hbm>> -> memref<5x125xi32, #tpu.memory_space<hbm>>
        tpu.wait_dma2 semaphore(%run_scoped3A : memref<!tpu.dma_semaphore, #tpu.memory_space<semaphore_mem>>) src(%dma_wait3A_30 : memref<5x125xi32, #tpu.memory_space<hbm>>) dst(%arg7 : memref<5x125xi32, #tpu.memory_space<vmem>>)
        tpu.yield
      }) : () -> ()
      "tpu.region"() ({
        %run_scoped3A = tpu.sem_alloc : memref<!tpu.dma_semaphore, #tpu.memory_space<semaphore_mem>>
        %dma_start3A = arith.constant 0 : i32
        %dma_start3A_17 = arith.constant 0 : i32
        %dma_start3A_18 = tpu.memref_slice %arg4[%add3A, %dma_start3A, %dma_start3A_17] : memref<16x5x125xi32, #tpu.memory_space<hbm>> -> memref<1x5x125xi32, #tpu.memory_space<hbm>>
        %dma_start3A_19 = tpu.memref_squeeze %dma_start3A_18 : memref<1x5x125xi32, #tpu.memory_space<hbm>> -> memref<5x125xi32, #tpu.memory_space<hbm>>
        %dma_start3A_20 = arith.constant 0 : i32
        %dma_start3A_21 = arith.constant 0 : i32
        %dma_start3A_22 = tpu.memref_slice %arg4[%add3A, %dma_start3A_20, %dma_start3A_21] : memref<16x5x125xi32, #tpu.memory_space<hbm>> -> memref<1x5x125xi32, #tpu.memory_space<hbm>>
        %dma_start3A_23 = tpu.memref_squeeze %dma_start3A_22 : memref<1x5x125xi32, #tpu.memory_space<hbm>> -> memref<5x125xi32, #tpu.memory_space<hbm>>
        tpu.enqueue_dma source(%dma_start3A_23 : memref<5x125xi32, #tpu.memory_space<hbm>>) target(%arg8 : memref<5x125xi32, #tpu.memory_space<vmem>>) target_semaphore(%run_scoped3A : memref<!tpu.dma_semaphore, #tpu.memory_space<semaphore_mem>>)
        %dma_wait3A = arith.constant 0 : i32
        %dma_wait3A_24 = arith.constant 0 : i32
        %dma_wait3A_25 = tpu.memref_slice %arg4[%add3A, %dma_wait3A, %dma_wait3A_24] : memref<16x5x125xi32, #tpu.memory_space<hbm>> -> memref<1x5x125xi32, #tpu.memory_space<hbm>>
        %dma_wait3A_26 = tpu.memref_squeeze %dma_wait3A_25 : memref<1x5x125xi32, #tpu.memory_space<hbm>> -> memref<5x125xi32, #tpu.memory_space<hbm>>
        %dma_wait3A_27 = arith.constant 0 : i32
        %dma_wait3A_28 = arith.constant 0 : i32
        %dma_wait3A_29 = tpu.memref_slice %arg4[%add3A, %dma_wait3A_27, %dma_wait3A_28] : memref<16x5x125xi32, #tpu.memory_space<hbm>> -> memref<1x5x125xi32, #tpu.memory_space<hbm>>
        %dma_wait3A_30 = tpu.memref_squeeze %dma_wait3A_29 : memref<1x5x125xi32, #tpu.memory_space<hbm>> -> memref<5x125xi32, #tpu.memory_space<hbm>>
        tpu.wait_dma2 semaphore(%run_scoped3A : memref<!tpu.dma_semaphore, #tpu.memory_space<semaphore_mem>>) src(%dma_wait3A_30 : memref<5x125xi32, #tpu.memory_space<hbm>>) dst(%arg8 : memref<5x125xi32, #tpu.memory_space<vmem>>)
        tpu.yield
      }) : () -> ()
      %scan3A = arith.constant 0 : i32
      %scan3A_13 = arith.constant 5 : i32
      %scan3A_14 = arith.addi %scan3A, %scan3A_13 : i32
      %scan3A_15 = arith.constant 1 : i32
      scf.for %scan3A_17 = %scan3A to %scan3A_14 step %scan3A_15  : i32 {
        %dma_start3A = arith.constant 0 : i32
        %dma_start3A_18 = tpu.memref_slice %arg8[%scan3A_17, %dma_start3A] : memref<5x125xi32, #tpu.memory_space<vmem>> -> memref<1x125xi32, #tpu.memory_space<vmem>>
        %dma_start3A_19 = tpu.memref_squeeze %dma_start3A_18 : memref<1x125xi32, #tpu.memory_space<vmem>> -> memref<125xi32, #tpu.memory_space<vmem>>
        %dma_start3A_20 = arith.constant 0 : i32
        %dma_start3A_21 = arith.constant 0 : i32
        %dma_start3A_22 = tpu.memref_slice %arg2[%dma_start3A_20, %dma_start3A_21] : memref<10000x128xf32, #tpu.memory_space<hbm>> -> memref<10000x128xf32, #tpu.memory_space<hbm>>
        tpu.enqueue_indirect_dma source(%dma_start3A_22 : memref<10000x128xf32, #tpu.memory_space<hbm>>) target(%arg9 : memref<125x128xf32, #tpu.memory_space<vmem>>) offsets(%dma_start3A_19 : memref<125xi32, #tpu.memory_space<vmem>>) semaphore(%arg10 : memref<!tpu.dma_semaphore, #tpu.memory_space<semaphore_mem>>)
        %dma_wait3A = arith.constant 0 : i32
        %dma_wait3A_23 = tpu.memref_slice %arg8[%scan3A_17, %dma_wait3A] : memref<5x125xi32, #tpu.memory_space<vmem>> -> memref<1x125xi32, #tpu.memory_space<vmem>>
        %dma_wait3A_24 = tpu.memref_squeeze %dma_wait3A_23 : memref<1x125xi32, #tpu.memory_space<vmem>> -> memref<125xi32, #tpu.memory_space<vmem>>
        %dma_wait3A_25 = arith.constant 0 : i32
        %dma_wait3A_26 = arith.constant 0 : i32
        %dma_wait3A_27 = tpu.memref_slice %arg2[%dma_wait3A_25, %dma_wait3A_26] : memref<10000x128xf32, #tpu.memory_space<hbm>> -> memref<10000x128xf32, #tpu.memory_space<hbm>>
        tpu.wait_indirect_dma semaphore(%arg10 : memref<!tpu.dma_semaphore, #tpu.memory_space<semaphore_mem>>) src(%dma_wait3A_27 : memref<10000x128xf32, #tpu.memory_space<hbm>>) dst(%arg9 : memref<125x128xf32, #tpu.memory_space<vmem>>)
        "tpu.region"() ({
          %run_scoped3A = tpu.sem_alloc : memref<!tpu.dma_semaphore, #tpu.memory_space<semaphore_mem>>
          %dma_start3A_28 = arith.constant 0 : i32
          %dma_start3A_29 = tpu.memref_slice %arg7[%scan3A_17, %dma_start3A_28] : memref<5x125xi32, #tpu.memory_space<vmem>> -> memref<1x125xi32, #tpu.memory_space<vmem>>
          %dma_start3A_30 = tpu.memref_squeeze %dma_start3A_29 : memref<1x125xi32, #tpu.memory_space<vmem>> -> memref<125xi32, #tpu.memory_space<vmem>>
          %dma_start3A_31 = arith.constant 0 : i32
          %dma_start3A_32 = arith.constant 0 : i32
          %dma_start3A_33 = tpu.memref_slice %arg11[%dma_start3A_31, %dma_start3A_32] : memref<64x128xf32, #tpu.memory_space<vmem_shared>> -> memref<64x128xf32, #tpu.memory_space<vmem_shared>>
          tpu.enqueue_indirect_dma source(%arg9 : memref<125x128xf32, #tpu.memory_space<vmem>>) target(%dma_start3A_33 : memref<64x128xf32, #tpu.memory_space<vmem_shared>>) offsets(%dma_start3A_30 : memref<125xi32, #tpu.memory_space<vmem>>) semaphore(%run_scoped3A : memref<!tpu.dma_semaphore, #tpu.memory_space<semaphore_mem>>) {add = true}
          %dma_wait3A_34 = arith.constant 0 : i32
          %dma_wait3A_35 = tpu.memref_slice %arg7[%scan3A_17, %dma_wait3A_34] : memref<5x125xi32, #tpu.memory_space<vmem>> -> memref<1x125xi32, #tpu.memory_space<vmem>>
          %dma_wait3A_36 = tpu.memref_squeeze %dma_wait3A_35 : memref<1x125xi32, #tpu.memory_space<vmem>> -> memref<125xi32, #tpu.memory_space<vmem>>
          %dma_wait3A_37 = arith.constant 0 : i32
          %dma_wait3A_38 = arith.constant 0 : i32
          %dma_wait3A_39 = tpu.memref_slice %arg11[%dma_wait3A_37, %dma_wait3A_38] : memref<64x128xf32, #tpu.memory_space<vmem_shared>> -> memref<64x128xf32, #tpu.memory_space<vmem_shared>>
          tpu.wait_indirect_dma semaphore(%run_scoped3A : memref<!tpu.dma_semaphore, #tpu.memory_space<semaphore_mem>>) src(%arg9 : memref<125x128xf32, #tpu.memory_space<vmem>>) dst(%dma_wait3A_39 : memref<64x128xf32, #tpu.memory_space<vmem_shared>>)
          tpu.yield
        }) : () -> ()
      }
      %scan3A_16 = arith.constant 5 : i32
    } else {
    }
    %barrier3A_7 = arith.constant 0 : index
    tpu.barrier barrier_id(%barrier3A_7)
    %eq3A_8 = arith.constant 0 : i32
    %eq3A_9 = arith.cmpi eq, %arg1, %eq3A_8 : i32
    %convert_element_type3A_10 = arith.extui %eq3A_9 : i1 to i32
    %cond3A_11 = arith.constant 0 : i32
    %cond3A_12 = arith.cmpi ne, %convert_element_type3A_10, %cond3A_11 : i32
    scf.if %cond3A_12 {
      "tpu.region"() ({
        %run_scoped3A = tpu.sem_alloc : memref<!tpu.dma_semaphore, #tpu.memory_space<semaphore_mem>>
        %dma_start3A = arith.constant 0 : i32
        %dma_start3A_13 = arith.constant 0 : i32
        %dma_start3A_14 = tpu.memref_slice %arg6[%arg0, %dma_start3A, %dma_start3A_13] : memref<2x64x128xf32, #tpu.memory_space<hbm>> -> memref<1x64x128xf32, #tpu.memory_space<hbm>>
        %dma_start3A_15 = tpu.memref_squeeze %dma_start3A_14 : memref<1x64x128xf32, #tpu.memory_space<hbm>> -> memref<64x128xf32, #tpu.memory_space<hbm>>
        tpu.enqueue_dma source(%arg11 : memref<64x128xf32, #tpu.memory_space<vmem_shared>>) target(%dma_start3A_15 : memref<64x128xf32, #tpu.memory_space<hbm>>) target_semaphore(%run_scoped3A : memref<!tpu.dma_semaphore, #tpu.memory_space<semaphore_mem>>)
        %dma_wait3A = arith.constant 0 : i32
        %dma_wait3A_16 = arith.constant 0 : i32
        %dma_wait3A_17 = tpu.memref_slice %arg6[%arg0, %dma_wait3A, %dma_wait3A_16] : memref<2x64x128xf32, #tpu.memory_space<hbm>> -> memref<1x64x128xf32, #tpu.memory_space<hbm>>
        %dma_wait3A_18 = tpu.memref_squeeze %dma_wait3A_17 : memref<1x64x128xf32, #tpu.memory_space<hbm>> -> memref<64x128xf32, #tpu.memory_space<hbm>>
        tpu.wait_dma2 semaphore(%run_scoped3A : memref<!tpu.dma_semaphore, #tpu.memory_space<semaphore_mem>>) src(%arg11 : memref<64x128xf32, #tpu.memory_space<vmem_shared>>) dst(%dma_wait3A_18 : memref<64x128xf32, #tpu.memory_space<hbm>>)
        tpu.yield
      }) : () -> ()
    } else {
    }
    return
  }
}

module attributes {stable_mosaic.version = 14 : i64} {
  func.func @_mm_scale_body(%arg0: i32, %arg1: memref<2000x128xf32, #tpu.memory_space<vmem>>, %arg2: memref<128x128xf32, #tpu.memory_space<vmem>>, %arg3: memref<2x2000x16xf32, #tpu.memory_space<vmem>>, %arg4: memref<2000x128xf32, #tpu.memory_space<vmem>>) attributes {dimension_semantics = [#tpu.dimension_semantics<arbitrary>], iteration_bounds = array<i64: 5>, scalar_prefetch = 0 : i64, scratch_operands = 0 : i64, tpu.core_type = #tpu.core_type<tc>, window_params = [{transform_indices = @transform_0, window_bounds = array<i64: 2000, 128>}, {pipeline_mode = #tpu.pipeline_mode<synchronous>, transform_indices = @transform_1, window_bounds = array<i64: 128, 128>}, {transform_indices = @transform_2, window_bounds = array<i64: 2, 2000, 16>}, {transform_indices = @transform_3, window_bounds = array<i64: 2000, 128>}]} {
    %get3A = arith.constant 0 : index
    %get3A_0 = arith.constant 0 : index
    %get3A_1 = arith.constant 0 : index
    %get3A_2 = vector.load %arg3[%get3A, %get3A_0, %get3A_1] : memref<2x2000x16xf32, #tpu.memory_space<vmem>>, vector<1x2000x1xf32>
    %get3A_3 = vector.shape_cast %get3A_2 : vector<1x2000x1xf32> to vector<2000xf32>
    %get3A_4 = arith.constant 1 : index
    %get3A_5 = arith.constant 0 : index
    %get3A_6 = arith.constant 0 : index
    %get3A_7 = vector.load %arg3[%get3A_4, %get3A_5, %get3A_6] : memref<2x2000x16xf32, #tpu.memory_space<vmem>>, vector<1x2000x1xf32>
    %get3A_8 = vector.shape_cast %get3A_7 : vector<1x2000x1xf32> to vector<2000xf32>
    %add3A = arith.addf %get3A_3, %get3A_8 : vector<2000xf32>
    %add3A_9 = arith.constant 1.000000e+00 : f32
    %add3A_10 = vector.broadcast %add3A_9 : f32 to vector<2000xf32>
    %add3A_11 = arith.addf %add3A, %add3A_10 : vector<2000xf32>
    %rsqrt3A = math.rsqrt %add3A_11 : vector<2000xf32>
    %get3A_12 = arith.constant 0 : index
    %get3A_13 = arith.constant 0 : index
    %get3A_14 = vector.load %arg1[%get3A_12, %get3A_13] : memref<2000x128xf32, #tpu.memory_space<vmem>>, vector<2000x128xf32>
    %get3A_15 = arith.constant 0 : index
    %get3A_16 = arith.constant 0 : index
    %get3A_17 = vector.load %arg2[%get3A_15, %get3A_16] : memref<128x128xf32, #tpu.memory_space<vmem>>, vector<128x128xf32>
    %dot_general3A = arith.constant dense<0.000000e+00> : vector<2000x128xf32>
    %dot_general3A_18 = tpu.matmul %get3A_14, %get3A_17, %dot_general3A {dimension_numbers = #tpu.dot_dimension_numbers<[1], [0], [0], [1], [0, 0, 1, 1], [], []>, transpose_lhs_hint = false} : vector<2000x128xf32>, vector<128x128xf32>, vector<2000x128xf32> -> vector<2000x128xf32>
    %broadcast_in_dim3A = vector.shape_cast %rsqrt3A : vector<2000xf32> to vector<2000x1xf32>
    %mul3A = vector.broadcast %broadcast_in_dim3A : vector<2000x1xf32> to vector<2000x128xf32>
    %mul3A_19 = arith.mulf %dot_general3A_18, %mul3A : vector<2000x128xf32>
    %swap3A = arith.constant 0 : index
    %swap3A_20 = arith.constant 0 : index
    %swap3A_21 = vector.load %arg4[%swap3A, %swap3A_20] : memref<2000x128xf32, #tpu.memory_space<vmem>>, vector<2000x128xf32>
    tpu.vector_store %arg4[%swap3A, %swap3A_20], %mul3A_19 {strides = array<i32>} : memref<2000x128xf32, #tpu.memory_space<vmem>>, vector<2000x128xf32>,
    return
  }
  func.func @transform_0(%arg0: i32) -> (i32, i32) {
    %c0_i32 = arith.constant 0 : i32
    %c0_i32_0 = arith.constant 0 : i32
    return %arg0, %c0_i32 : i32, i32
  }
  func.func @transform_1(%arg0: i32) -> (i32, i32) {
    %c0_i32 = arith.constant 0 : i32
    %c0_i32_0 = arith.constant 0 : i32
    %c0_i32_1 = arith.constant 0 : i32
    return %c0_i32, %c0_i32_0 : i32, i32
  }
  func.func @transform_2(%arg0: i32) -> (i32, i32, i32) {
    %c0_i32 = arith.constant 0 : i32
    %c0_i32_0 = arith.constant 0 : i32
    %c0_i32_1 = arith.constant 0 : i32
    return %c0_i32, %arg0, %c0_i32_0 : i32, i32, i32
  }
  func.func @transform_3(%arg0: i32) -> (i32, i32) {
    %c0_i32 = arith.constant 0 : i32
    %c0_i32_0 = arith.constant 0 : i32
    return %arg0, %c0_i32 : i32, i32
  }
}

module attributes {stable_mosaic.version = 14 : i64} {
  func.func @_fuse_body(%arg0: i32, %arg1: memref<2x2000x128xf32, #tpu.memory_space<vmem>>, %arg2: memref<2000x128xf32, #tpu.memory_space<vmem>>, %arg3: memref<2x2000x16xf32, #tpu.memory_space<vmem>>, %arg4: memref<1x128xf32, #tpu.memory_space<vmem>>, %arg5: memref<128x128xf32, #tpu.memory_space<vmem>>, %arg6: memref<2000x128xf32, #tpu.memory_space<vmem>>) attributes {dimension_semantics = [#tpu.dimension_semantics<arbitrary>], iteration_bounds = array<i64: 5>, scalar_prefetch = 0 : i64, scratch_operands = 0 : i64, tpu.core_type = #tpu.core_type<tc>, window_params = [{transform_indices = @transform_0, window_bounds = array<i64: 2, 2000, 128>}, {transform_indices = @transform_1, window_bounds = array<i64: 2000, 128>}, {transform_indices = @transform_2, window_bounds = array<i64: 2, 2000, 16>}, {pipeline_mode = #tpu.pipeline_mode<synchronous>, transform_indices = @transform_3, window_bounds = array<i64: 1, 128>}, {pipeline_mode = #tpu.pipeline_mode<synchronous>, transform_indices = @transform_4, window_bounds = array<i64: 128, 128>}, {transform_indices = @transform_5, window_bounds = array<i64: 2000, 128>}]} {
    %get3A = arith.constant 0 : index
    %get3A_0 = arith.constant 0 : index
    %get3A_1 = arith.constant 0 : index
    %get3A_2 = vector.load %arg3[%get3A, %get3A_0, %get3A_1] : memref<2x2000x16xf32, #tpu.memory_space<vmem>>, vector<1x2000x1xf32>
    %get3A_3 = vector.shape_cast %get3A_2 : vector<1x2000x1xf32> to vector<2000xf32>
    %get3A_4 = arith.constant 1 : index
    %get3A_5 = arith.constant 0 : index
    %get3A_6 = arith.constant 0 : index
    %get3A_7 = vector.load %arg3[%get3A_4, %get3A_5, %get3A_6] : memref<2x2000x16xf32, #tpu.memory_space<vmem>>, vector<1x2000x1xf32>
    %get3A_8 = vector.shape_cast %get3A_7 : vector<1x2000x1xf32> to vector<2000xf32>
    %add3A = arith.addf %get3A_3, %get3A_8 : vector<2000xf32>
    %add3A_9 = arith.constant 1.000000e+00 : f32
    %add3A_10 = vector.broadcast %add3A_9 : f32 to vector<2000xf32>
    %add3A_11 = arith.addf %add3A, %add3A_10 : vector<2000xf32>
    %rsqrt3A = math.rsqrt %add3A_11 : vector<2000xf32>
    %get3A_12 = arith.constant 0 : index
    %get3A_13 = arith.constant 0 : index
    %get3A_14 = arith.constant 0 : index
    %get3A_15 = vector.load %arg1[%get3A_12, %get3A_13, %get3A_14] : memref<2x2000x128xf32, #tpu.memory_space<vmem>>, vector<1x2000x128xf32>
    %get3A_16 = vector.shape_cast %get3A_15 : vector<1x2000x128xf32> to vector<2000x128xf32>
    %get3A_17 = arith.constant 1 : index
    %get3A_18 = arith.constant 0 : index
    %get3A_19 = arith.constant 0 : index
    %get3A_20 = vector.load %arg1[%get3A_17, %get3A_18, %get3A_19] : memref<2x2000x128xf32, #tpu.memory_space<vmem>>, vector<1x2000x128xf32>
    %get3A_21 = vector.shape_cast %get3A_20 : vector<1x2000x128xf32> to vector<2000x128xf32>
    %add3A_22 = arith.addf %get3A_16, %get3A_21 : vector<2000x128xf32>
    %get3A_23 = arith.constant 0 : index
    %get3A_24 = arith.constant 0 : index
    %get3A_25 = vector.load %arg2[%get3A_23, %get3A_24] : memref<2000x128xf32, #tpu.memory_space<vmem>>, vector<2000x128xf32>
    %add3A_26 = arith.addf %add3A_22, %get3A_25 : vector<2000x128xf32>
    %broadcast_in_dim3A = vector.shape_cast %rsqrt3A : vector<2000xf32> to vector<2000x1xf32>
    %mul3A = vector.broadcast %broadcast_in_dim3A : vector<2000x1xf32> to vector<2000x128xf32>
    %mul3A_27 = arith.mulf %add3A_26, %mul3A : vector<2000x128xf32>
    %get3A_28 = arith.constant 0 : index
    %get3A_29 = arith.constant 0 : index
    %get3A_30 = vector.load %arg4[%get3A_28, %get3A_29] : memref<1x128xf32, #tpu.memory_space<vmem>>, vector<1x128xf32>
    %add3A_31 = vector.broadcast %get3A_30 : vector<1x128xf32> to vector<2000x128xf32>
    %add3A_32 = arith.addf %mul3A_27, %add3A_31 : vector<2000x128xf32>
    %max3A = arith.constant 0.000000e+00 : f32
    %max3A_33 = vector.broadcast %max3A : f32 to vector<2000x128xf32>
    %max3A_34 = arith.maximumf %add3A_32, %max3A_33 : vector<2000x128xf32>
    %get3A_35 = arith.constant 0 : index
    %get3A_36 = arith.constant 0 : index
    %get3A_37 = vector.load %arg5[%get3A_35, %get3A_36] : memref<128x128xf32, #tpu.memory_space<vmem>>, vector<128x128xf32>
    %dot_general3A = arith.constant dense<0.000000e+00> : vector<2000x128xf32>
    %dot_general3A_38 = tpu.matmul %max3A_34, %get3A_37, %dot_general3A {dimension_numbers = #tpu.dot_dimension_numbers<[1], [0], [0], [1], [0, 0, 1, 1], [], []>, transpose_lhs_hint = false} : vector<2000x128xf32>, vector<128x128xf32>, vector<2000x128xf32> -> vector<2000x128xf32>
    %broadcast_in_dim3A_39 = vector.shape_cast %rsqrt3A : vector<2000xf32> to vector<2000x1xf32>
    %mul3A_40 = vector.broadcast %broadcast_in_dim3A_39 : vector<2000x1xf32> to vector<2000x128xf32>
    %mul3A_41 = arith.mulf %dot_general3A_38, %mul3A_40 : vector<2000x128xf32>
    %swap3A = arith.constant 0 : index
    %swap3A_42 = arith.constant 0 : index
    %swap3A_43 = vector.load %arg6[%swap3A, %swap3A_42] : memref<2000x128xf32, #tpu.memory_space<vmem>>, vector<2000x128xf32>
    tpu.vector_store %arg6[%swap3A, %swap3A_42], %mul3A_41 {strides = array<i32>} : memref<2000x128xf32, #tpu.memory_space<vmem>>, vector<2000x128xf32>,
    return
  }
  func.func @transform_0(%arg0: i32) -> (i32, i32, i32) {
    %c0_i32 = arith.constant 0 : i32
    %c0_i32_0 = arith.constant 0 : i32
    %c0_i32_1 = arith.constant 0 : i32
    return %c0_i32, %arg0, %c0_i32_0 : i32, i32, i32
  }
  func.func @transform_1(%arg0: i32) -> (i32, i32) {
    %c0_i32 = arith.constant 0 : i32
    %c0_i32_0 = arith.constant 0 : i32
    return %arg0, %c0_i32 : i32, i32
  }
  func.func @transform_2(%arg0: i32) -> (i32, i32, i32) {
    %c0_i32 = arith.constant 0 : i32
    %c0_i32_0 = arith.constant 0 : i32
    %c0_i32_1 = arith.constant 0 : i32
    return %c0_i32, %arg0, %c0_i32_0 : i32, i32, i32
  }
  func.func @transform_3(%arg0: i32) -> (i32, i32) {
    %c0_i32 = arith.constant 0 : i32
    %c0_i32_0 = arith.constant 0 : i32
    %c0_i32_1 = arith.constant 0 : i32
    return %c0_i32, %c0_i32_0 : i32, i32
  }
  func.func @transform_4(%arg0: i32) -> (i32, i32) {
    %c0_i32 = arith.constant 0 : i32
    %c0_i32_0 = arith.constant 0 : i32
    %c0_i32_1 = arith.constant 0 : i32
    return %c0_i32, %c0_i32_0 : i32, i32
  }
  func.func @transform_5(%arg0: i32) -> (i32, i32) {
    %c0_i32 = arith.constant 0 : i32
    %c0_i32_0 = arith.constant 0 : i32
    return %arg0, %c0_i32 : i32, i32
  }
}

module attributes {stable_mosaic.version = 14 : i64} {
  func.func @_epi_body(%arg0: i32, %arg1: memref<2x2000x128xf32, #tpu.memory_space<vmem>>, %arg2: memref<2000x128xf32, #tpu.memory_space<vmem>>, %arg3: memref<2x2000x16xf32, #tpu.memory_space<vmem>>, %arg4: memref<1x128xf32, #tpu.memory_space<vmem>>, %arg5: memref<2000x128xf32, #tpu.memory_space<vmem>>) attributes {dimension_semantics = [#tpu.dimension_semantics<arbitrary>], iteration_bounds = array<i64: 5>, scalar_prefetch = 0 : i64, scratch_operands = 0 : i64, tpu.core_type = #tpu.core_type<tc>, window_params = [{transform_indices = @transform_0, window_bounds = array<i64: 2, 2000, 128>}, {transform_indices = @transform_1, window_bounds = array<i64: 2000, 128>}, {transform_indices = @transform_2, window_bounds = array<i64: 2, 2000, 16>}, {pipeline_mode = #tpu.pipeline_mode<synchronous>, transform_indices = @transform_3, window_bounds = array<i64: 1, 128>}, {transform_indices = @transform_4, window_bounds = array<i64: 2000, 128>}]} {
    %get3A = arith.constant 0 : index
    %get3A_0 = arith.constant 0 : index
    %get3A_1 = arith.constant 0 : index
    %get3A_2 = vector.load %arg3[%get3A, %get3A_0, %get3A_1] : memref<2x2000x16xf32, #tpu.memory_space<vmem>>, vector<1x2000x1xf32>
    %get3A_3 = vector.shape_cast %get3A_2 : vector<1x2000x1xf32> to vector<2000xf32>
    %get3A_4 = arith.constant 1 : index
    %get3A_5 = arith.constant 0 : index
    %get3A_6 = arith.constant 0 : index
    %get3A_7 = vector.load %arg3[%get3A_4, %get3A_5, %get3A_6] : memref<2x2000x16xf32, #tpu.memory_space<vmem>>, vector<1x2000x1xf32>
    %get3A_8 = vector.shape_cast %get3A_7 : vector<1x2000x1xf32> to vector<2000xf32>
    %add3A = arith.addf %get3A_3, %get3A_8 : vector<2000xf32>
    %add3A_9 = arith.constant 1.000000e+00 : f32
    %add3A_10 = vector.broadcast %add3A_9 : f32 to vector<2000xf32>
    %add3A_11 = arith.addf %add3A, %add3A_10 : vector<2000xf32>
    %rsqrt3A = math.rsqrt %add3A_11 : vector<2000xf32>
    %get3A_12 = arith.constant 0 : index
    %get3A_13 = arith.constant 0 : index
    %get3A_14 = arith.constant 0 : index
    %get3A_15 = vector.load %arg1[%get3A_12, %get3A_13, %get3A_14] : memref<2x2000x128xf32, #tpu.memory_space<vmem>>, vector<1x2000x128xf32>
    %get3A_16 = vector.shape_cast %get3A_15 : vector<1x2000x128xf32> to vector<2000x128xf32>
    %get3A_17 = arith.constant 1 : index
    %get3A_18 = arith.constant 0 : index
    %get3A_19 = arith.constant 0 : index
    %get3A_20 = vector.load %arg1[%get3A_17, %get3A_18, %get3A_19] : memref<2x2000x128xf32, #tpu.memory_space<vmem>>, vector<1x2000x128xf32>
    %get3A_21 = vector.shape_cast %get3A_20 : vector<1x2000x128xf32> to vector<2000x128xf32>
    %add3A_22 = arith.addf %get3A_16, %get3A_21 : vector<2000x128xf32>
    %get3A_23 = arith.constant 0 : index
    %get3A_24 = arith.constant 0 : index
    %get3A_25 = vector.load %arg2[%get3A_23, %get3A_24] : memref<2000x128xf32, #tpu.memory_space<vmem>>, vector<2000x128xf32>
    %add3A_26 = arith.addf %add3A_22, %get3A_25 : vector<2000x128xf32>
    %broadcast_in_dim3A = vector.shape_cast %rsqrt3A : vector<2000xf32> to vector<2000x1xf32>
    %mul3A = vector.broadcast %broadcast_in_dim3A : vector<2000x1xf32> to vector<2000x128xf32>
    %mul3A_27 = arith.mulf %add3A_26, %mul3A : vector<2000x128xf32>
    %get3A_28 = arith.constant 0 : index
    %get3A_29 = arith.constant 0 : index
    %get3A_30 = vector.load %arg4[%get3A_28, %get3A_29] : memref<1x128xf32, #tpu.memory_space<vmem>>, vector<1x128xf32>
    %add3A_31 = vector.broadcast %get3A_30 : vector<1x128xf32> to vector<2000x128xf32>
    %add3A_32 = arith.addf %mul3A_27, %add3A_31 : vector<2000x128xf32>
    %max3A = arith.constant 0.000000e+00 : f32
    %max3A_33 = vector.broadcast %max3A : f32 to vector<2000x128xf32>
    %max3A_34 = arith.maximumf %add3A_32, %max3A_33 : vector<2000x128xf32>
    %swap3A = arith.constant 0 : index
    %swap3A_35 = arith.constant 0 : index
    %swap3A_36 = vector.load %arg5[%swap3A, %swap3A_35] : memref<2000x128xf32, #tpu.memory_space<vmem>>, vector<2000x128xf32>
    tpu.vector_store %arg5[%swap3A, %swap3A_35], %max3A_34 {strides = array<i32>} : memref<2000x128xf32, #tpu.memory_space<vmem>>, vector<2000x128xf32>,
    return
  }
  func.func @transform_0(%arg0: i32) -> (i32, i32, i32) {
    %c0_i32 = arith.constant 0 : i32
    %c0_i32_0 = arith.constant 0 : i32
    %c0_i32_1 = arith.constant 0 : i32
    return %c0_i32, %arg0, %c0_i32_0 : i32, i32, i32
  }
  func.func @transform_1(%arg0: i32) -> (i32, i32) {
    %c0_i32 = arith.constant 0 : i32
    %c0_i32_0 = arith.constant 0 : i32
    return %arg0, %c0_i32 : i32, i32
  }
  func.func @transform_2(%arg0: i32) -> (i32, i32, i32) {
    %c0_i32 = arith.constant 0 : i32
    %c0_i32_0 = arith.constant 0 : i32
    %c0_i32_1 = arith.constant 0 : i32
    return %c0_i32, %arg0, %c0_i32_0 : i32, i32, i32
  }
  func.func @transform_3(%arg0: i32) -> (i32, i32) {
    %c0_i32 = arith.constant 0 : i32
    %c0_i32_0 = arith.constant 0 : i32
    %c0_i32_1 = arith.constant 0 : i32
    return %c0_i32, %c0_i32_0 : i32, i32
  }
  func.func @transform_4(%arg0: i32) -> (i32, i32) {
    %c0_i32 = arith.constant 0 : i32
    %c0_i32_0 = arith.constant 0 : i32
    return %arg0, %c0_i32 : i32, i32
  }
}

module attributes {stable_mosaic.version = 14 : i64} {
  func.func @_head_body(%arg0: memref<2x64x128xf32, #tpu.memory_space<vmem>>, %arg1: memref<80x125xi32, #tpu.memory_space<vmem>>, %arg2: memref<128x64xf32, #tpu.memory_space<vmem>>, %arg3: memref<1x64xf32, #tpu.memory_space<vmem>>, %arg4: memref<64x128xf32, #tpu.memory_space<vmem>>, %arg5: memref<1x128xf32, #tpu.memory_space<vmem>>, %arg6: memref<128x1xf32, #tpu.memory_space<vmem>>, %arg7: memref<1x1xf32, #tpu.memory_space<vmem>>, %arg8: memref<64x128xf32, #tpu.memory_space<vmem>>, %arg9: memref<64x1xf32, #tpu.memory_space<vmem>>) attributes {dimension_semantics = [], scalar_prefetch = 0 : i64, scratch_operands = 0 : i64, tpu.core_type = #tpu.core_type<tc>} {
    %get3A = arith.constant 0 : index
    %get3A_0 = arith.constant 0 : index
    %get3A_1 = vector.load %arg1[%get3A, %get3A_0] : memref<80x125xi32, #tpu.memory_space<vmem>>, vector<80x125xi32>
    %iota3A = tpu.iota {dimensions = array<i32: 0>} : vector<64x1x1xi32>
    %broadcast_in_dim3A = vector.shape_cast %get3A_1 : vector<80x125xi32> to vector<1x80x125xi32>
    %eq3A = vector.broadcast %broadcast_in_dim3A : vector<1x80x125xi32> to vector<64x80x125xi32>
    %eq3A_2 = vector.broadcast %iota3A : vector<64x1x1xi32> to vector<64x80x125xi32>
    %eq3A_3 = arith.cmpi eq, %eq3A, %eq3A_2 : vector<64x80x125xi32>
    %convert_element_type3A = arith.extui %eq3A_3 : vector<64x80x125xi1> to vector<64x80x125xi32>
    %convert_element_type3A_4 = arith.sitofp %convert_element_type3A : vector<64x80x125xi32> to vector<64x80x125xf32>
    %reduce_sum3A = arith.constant dense<0.000000e+00> : vector<64xf32>
    %reduce_sum3A_5 = vector.multi_reduction <add>, %convert_element_type3A_4, %reduce_sum3A [1, 2] : vector<64x80x125xf32> to vector<64xf32>
    %get3A_6 = arith.constant 0 : index
    %get3A_7 = arith.constant 0 : index
    %get3A_8 = arith.constant 0 : index
    %get3A_9 = vector.load %arg0[%get3A_6, %get3A_7, %get3A_8] : memref<2x64x128xf32, #tpu.memory_space<vmem>>, vector<1x64x128xf32>
    %get3A_10 = vector.shape_cast %get3A_9 : vector<1x64x128xf32> to vector<64x128xf32>
    %get3A_11 = arith.constant 1 : index
    %get3A_12 = arith.constant 0 : index
    %get3A_13 = arith.constant 0 : index
    %get3A_14 = vector.load %arg0[%get3A_11, %get3A_12, %get3A_13] : memref<2x64x128xf32, #tpu.memory_space<vmem>>, vector<1x64x128xf32>
    %get3A_15 = vector.shape_cast %get3A_14 : vector<1x64x128xf32> to vector<64x128xf32>
    %add3A = arith.addf %get3A_10, %get3A_15 : vector<64x128xf32>
    %max3A = arith.constant 1.000000e+00 : f32
    %max3A_16 = vector.broadcast %max3A : f32 to vector<64xf32>
    %max3A_17 = arith.maximumf %reduce_sum3A_5, %max3A_16 : vector<64xf32>
    %broadcast_in_dim3A_18 = vector.shape_cast %max3A_17 : vector<64xf32> to vector<64x1xf32>
    %div3A = vector.broadcast %broadcast_in_dim3A_18 : vector<64x1xf32> to vector<64x128xf32>
    %div3A_19 = arith.divf %add3A, %div3A : vector<64x128xf32>
    %get3A_20 = arith.constant 0 : index
    %get3A_21 = arith.constant 0 : index
    %get3A_22 = vector.load %arg2[%get3A_20, %get3A_21] : memref<128x64xf32, #tpu.memory_space<vmem>>, vector<128x64xf32>
    %dot_general3A = arith.constant dense<0.000000e+00> : vector<64x64xf32>
    %dot_general3A_23 = tpu.matmul %div3A_19, %get3A_22, %dot_general3A {dimension_numbers = #tpu.dot_dimension_numbers<[1], [0], [0], [1], [0, 0, 1, 1], [], []>, transpose_lhs_hint = false} : vector<64x128xf32>, vector<128x64xf32>, vector<64x64xf32> -> vector<64x64xf32>
    %get3A_24 = arith.constant 0 : index
    %get3A_25 = arith.constant 0 : index
    %get3A_26 = vector.load %arg3[%get3A_24, %get3A_25] : memref<1x64xf32, #tpu.memory_space<vmem>>, vector<1x64xf32>
    %add3A_27 = vector.broadcast %get3A_26 : vector<1x64xf32> to vector<64x64xf32>
    %add3A_28 = arith.addf %dot_general3A_23, %add3A_27 : vector<64x64xf32>
    %max3A_29 = arith.constant 0.000000e+00 : f32
    %max3A_30 = vector.broadcast %max3A_29 : f32 to vector<64x64xf32>
    %max3A_31 = arith.maximumf %add3A_28, %max3A_30 : vector<64x64xf32>
    %get3A_32 = arith.constant 0 : index
    %get3A_33 = arith.constant 0 : index
    %get3A_34 = vector.load %arg4[%get3A_32, %get3A_33] : memref<64x128xf32, #tpu.memory_space<vmem>>, vector<64x128xf32>
    %dot_general3A_35 = arith.constant dense<0.000000e+00> : vector<64x128xf32>
    %dot_general3A_36 = tpu.matmul %max3A_31, %get3A_34, %dot_general3A_35 {dimension_numbers = #tpu.dot_dimension_numbers<[1], [0], [0], [1], [0, 0, 1, 1], [], []>, transpose_lhs_hint = false} : vector<64x64xf32>, vector<64x128xf32>, vector<64x128xf32> -> vector<64x128xf32>
    %get3A_37 = arith.constant 0 : index
    %get3A_38 = arith.constant 0 : index
    %get3A_39 = vector.load %arg5[%get3A_37, %get3A_38] : memref<1x128xf32, #tpu.memory_space<vmem>>, vector<1x128xf32>
    %add3A_40 = vector.broadcast %get3A_39 : vector<1x128xf32> to vector<64x128xf32>
    %add3A_41 = arith.addf %dot_general3A_36, %add3A_40 : vector<64x128xf32>
    %max3A_42 = arith.constant 0.000000e+00 : f32
    %max3A_43 = vector.broadcast %max3A_42 : f32 to vector<64x128xf32>
    %max3A_44 = arith.maximumf %add3A_41, %max3A_43 : vector<64x128xf32>
    %swap3A = arith.constant 0 : index
    %swap3A_45 = arith.constant 0 : index
    %swap3A_46 = vector.load %arg8[%swap3A, %swap3A_45] : memref<64x128xf32, #tpu.memory_space<vmem>>, vector<64x128xf32>
    tpu.vector_store %arg8[%swap3A, %swap3A_45], %max3A_44 {strides = array<i32>} : memref<64x128xf32, #tpu.memory_space<vmem>>, vector<64x128xf32>,
    %get3A_47 = arith.constant 0 : index
    %get3A_48 = arith.constant 0 : index
    %get3A_49 = vector.load %arg6[%get3A_47, %get3A_48] : memref<128x1xf32, #tpu.memory_space<vmem>>, vector<128x1xf32>
    %dot_general3A_50 = arith.constant dense<0.000000e+00> : vector<64x1xf32>
    %dot_general3A_51 = tpu.matmul %max3A_44, %get3A_49, %dot_general3A_50 {dimension_numbers = #tpu.dot_dimension_numbers<[1], [0], [0], [1], [0, 0, 1, 1], [], []>, transpose_lhs_hint = false} : vector<64x128xf32>, vector<128x1xf32>, vector<64x1xf32> -> vector<64x1xf32>
    %get3A_52 = arith.constant 0 : index
    %get3A_53 = arith.constant 0 : index
    %get3A_54 = vector.load %arg7[%get3A_52, %get3A_53] : memref<1x1xf32, #tpu.memory_space<vmem>>, vector<1x1xf32>
    %add3A_55 = vector.broadcast %get3A_54 : vector<1x1xf32> to vector<64x1xf32>
    %add3A_56 = arith.addf %dot_general3A_51, %add3A_55 : vector<64x1xf32>
    %swap3A_57 = arith.constant 0 : index
    %swap3A_58 = arith.constant 0 : index
    %swap3A_59 = vector.load %arg9[%swap3A_57, %swap3A_58] : memref<64x1xf32, #tpu.memory_space<vmem>>, vector<64x1xf32>
    tpu.vector_store %arg9[%swap3A_57, %swap3A_58], %add3A_56 {strides = array<i32>} : memref<64x1xf32, #tpu.memory_space<vmem>>, vector<64x1xf32>,
    return
  }
}

</mosaic_0001>

<sc_bundles>
// kernel: kernel.10.cloned.1.call-start
scs
__scs_entry_jumppad:
0x0: {  	(pc) =	sbr.rel $0x88, $3  }
0x1: {  	(tag) =	ssettag $0x0;
	lr =	simm.s32 $0x1  }
0x2: {  	[smem:$0x3F94] =	sst lr;
	_ =	strace $0xD0000000  }
0x3: {  	_ = 	snop  }
0x4: {  	_ = 	snop  }
0x5: {  	_ = 	snop  }
0x6: {  	_ = 	snop  }
0x7: {  	_ = 	snop  }
__scs_overlays_trampoline_lowered:
0x8: {  	[smem:$0x3FA3] =	sst s0  }
0x9: {  	[smem:$0x3FA4] =	sst s1  }
0xa: {  	[smem:$0x3FA5] =	sst s2  }
0xb: {  	[smem:$0x3FA6] =	sst s3  }
0xc: {  	[smem:$0x3FA7] =	sst s4  }
0xd: {  	[smem:$0x3FA8] =	sst s5  }
0xe: {  	[smem:$0x3FA9] =	sst s6  }
0xf: {  	[smem:$0x3FAA] =	sst s7  }
0x10: {  	[smem:$0x3FAB] =	sst s8  }
0x11: {  	[smem:$0x3FAC] =	sst s9;
	s0 =	simm.s32 @!p0 $0x0  }
0x12: {  	s1 =	sld [smem:$0x3F92];
	s0 =	simm.s32 @p0 $0x1  }
0x13: {  	[smem:$0x3FAD] =	sst s0;
	s0 =	simm.s32 @!p1 $0x0  }
0x14: {  	s2 =	sld [smem:$0x3F91];
	s0 =	simm.s32 @p1 $0x1  }
0x15: {  	[smem:$0x3FAE] =	sst s0;
	s0 =	simm.s32 @!p2 $0x0  }
0x16: {  	s3 =	sld [smem:$0x3FDB];
	s0 =	simm.s32 @p2 $0x1  }
0x17: {  	s4 =	simm.s32 $0x1BF5;
	[smem:$0x3FB0] =	sst s0  }
0x18: {  	s0 =	sld [smem:$0x3F93];
	_ =	swait.ge [sflag:s4], $0x0  }
0x19: {  	s7 =	sld [smem:$0x3F94]  }
0x1a: {  	s8 =	sadd.s32 $0xFFFFE003, lr  }
0x1b: {  	s9 =	sadd.s32 $0xFFFFFEF7, lr;
	s5 =	simm.s32 $0xFFFFFFFF;
	p2 =	slt.u32 s8, $0xFFFFF086  }
0x1c: {  	p1 =	slt.u32 s9, $0xF7A;
	s5 =	simm.s32 @!p2 $0x0  }
0x1d: {  	s5 =	simm.s32 @p1 $0x1;
	p0 =	seq.s32 s7, s2  }
0x1e: {  	s7 =	smul.u32 @!p0 $0xF7A, s2;
	p2 =	seq.s32 @!p0 s5, $0x0  }
0x1f: {  	s9 =	smul.u32 $0xF7A, s1;
	s8 =	simm.s32 @!p0 $0x1BF5;
	p2 =	por !p2, p0  }
0x20: {  	[sflag:s8] =	ssyncset.s32 @!p0 $0xFFFFF086;
	s6 =	sadd.s32 @!p0 s3, s7;
	s7 =	simm.s32 @!p0 $0x108  }
0x21: {  	s3 =	sadd.s32 s3, s9;
	s6 =	sadd.s32 @!p0 $0x88, s6;
	s7 =	simm.s32 @p2 $0x1082  }
0x22: {  	[simem:s7], [sflag:s8] =	dma.local @!p0 [hbm:s6], $0xF7A  }
0x23: {  	s9 =	sor.u32 $0xD0000000, s2;
	s6 =	simm.s32 $0x108;
	_ =	swait.ge @!p0 [sflag:s8], $0x0  }
0x24: {  	s3 =	sadd.s32 $0x88, s3;
	s6 =	simm.s32 @!p1 $0x1082;
	[sflag:s4] =	ssyncset.s32 $0xFFFFF086  }
0x25: {  	[simem:s6], [sflag:s4] =	dma.local [hbm:s3], $0xF7A  }
0x26: {  	[smem:$0x3F94] =	sst s1;
	(tag) =	ssettag s2;
	_ =	strace s9  }
0x27: {  	s1 =	sld [smem:$0x3FA4]  }
0x28: {  	s2 =	sld [smem:$0x3FA5]  }
0x29: {  	s4 =	sld [smem:$0x3FA7]  }
0x2a: {  	p0 =	seq.s32 s5, $0x0;
	s5 =	sld [smem:$0x3FA8]  }
0x2b: {  	s6 =	sld [smem:$0x3FA9]  }
0x2c: {  	s7 =	sld [smem:$0x3FAA]  }
0x2d: {  	s3 =	simm.s32 $0x108;
	s8 =	sld [smem:$0x3FAB]  }
0x2e: {  	s3 =	simm.s32 @!p0 $0x1082;
	s9 =	sld [smem:$0x3FAC]  }
0x2f: {  	lr =	sadd.s32 s0, s3;
	s0 =	sld [smem:$0x3FA3]  }
0x30: {  	s3 =	sld [smem:$0x3FA6]  }
0x31: {  	[smem:$0x3FAF] =	sst s10  }
0x32: {  	s10 =	sld [smem:$0x3FAD];
	_ =	sdelay $0x3  }
0x33: {  	p0 =	seq.s32 s10, $0x1;
	s10 =	sld [smem:$0x3FAF];
	_ =	sdelay $0x3  }
0x34: {  	[smem:$0x3FAF] =	sst s10  }
0x35: {  	s10 =	sld [smem:$0x3FAE];
	_ =	sdelay $0x3  }
0x36: {  	p1 =	seq.s32 s10, $0x1;
	s10 =	sld [smem:$0x3FAF];
	_ =	sdelay $0x3  }
0x37: {  	[smem:$0x3FAF] =	sst s10  }
0x38: {  	s10 =	sld [smem:$0x3FB0]  }
0x39: {  	_ = 	snop;
	(pc) =	sbr.ind lr, $3  }
0x3a: {  	_ = 	snop  }
0x3b: {  	_ = 	snop  }
0x3c: {  	p2 =	seq.s32 s10, $0x1;
	s10 =	sld [smem:$0x3FAF]  }
0x3d: {  	_ =	shalt  }
0x3e: {  	_ =	shalt  }
0x3f: {  	_ =	shalt  }
0x40: {  	_ =	shalt  }
0x41: {  	_ =	shalt  }
0x42: {  	_ =	shalt  }
0x43: {  	_ =	shalt  }
0x44: {  	_ =	shalt  }
0x45: {  	_ =	shalt  }
0x46: {  	_ =	shalt  }
0x47: {  	_ =	shalt  }
0x48: {  	_ =	shalt  }
0x49: {  	_ =	shalt  }
0x4a: {  	_ =	shalt  }
0x4b: {  	_ =	shalt  }
0x4c: {  	_ =	shalt  }
0x4d: {  	_ =	shalt  }
0x4e: {  	_ =	shalt  }
0x4f: {  	_ =	shalt  }
0x50: {  	_ =	shalt  }
0x51: {  	_ =	shalt  }
0x52: {  	_ =	shalt  }
0x53: {  	_ =	shalt  }
0x54: {  	_ =	shalt  }
0x55: {  	_ =	shalt  }
0x56: {  	_ =	shalt  }
0x57: {  	_ =	shalt  }
0x58: {  	_ =	shalt  }
0x59: {  	_ =	shalt  }
0x5a: {  	_ =	shalt  }
0x5b: {  	_ =	shalt  }
0x5c: {  	_ =	shalt  }
0x5d: {  	_ =	shalt  }
0x5e: {  	_ =	shalt  }
0x5f: {  	_ =	shalt  }
0x60: {  	_ =	shalt  }
0x61: {  	_ =	shalt  }
0x62: {  	_ =	shalt  }
0x63: {  	_ =	shalt  }
0x64: {  	_ =	shalt  }
0x65: {  	_ =	shalt  }
0x66: {  	_ =	shalt  }
0x67: {  	_ =	shalt  }
0x68: {  	_ =	shalt  }
0x69: {  	_ =	shalt  }
0x6a: {  	_ =	shalt  }
0x6b: {  	_ =	shalt  }
0x6c: {  	_ =	shalt  }
0x6d: {  	_ =	shalt  }
0x6e: {  	_ =	shalt  }
0x6f: {  	_ =	shalt  }
0x70: {  	_ =	shalt  }
0x71: {  	_ =	shalt  }
0x72: {  	_ =	shalt  }
0x73: {  	_ =	shalt  }
0x74: {  	_ =	shalt  }
0x75: {  	_ =	shalt  }
0x76: {  	_ =	shalt  }
0x77: {  	_ =	shalt  }
0x78: {  	_ =	shalt  }
0x79: {  	_ =	shalt  }
0x7a: {  	_ =	shalt  }
0x7b: {  	_ =	shalt  }
0x7c: {  	_ =	shalt  }
0x7d: {  	_ =	shalt  }
0x7e: {  	_ =	shalt  }
0x7f: {  	_ =	shalt  }
0x80: {  	_ =	shalt  }
0x81: {  	_ =	shalt  }
0x82: {  	_ =	shalt  }
0x83: {  	_ =	shalt  }
0x84: {  	_ =	shalt  }
0x85: {  	_ =	shalt  }
0x86: {  	_ =	shalt  }
0x87: {  	_ =	shalt  }
.Lfunc_end0:
.L_simem_size_0:
called_computation_lowered:
.L_overlay_start_0:
0x88: {  	s2 =	sld [smem:$0x3FD9]  }
0x89: {  	s3 =	sld [smem:$0x3FFE];
	_ =	sdelay $0x1  }
0x8a: {  	s1 =	srdreg.scid  }
0x8b: {  	s0 =	sand.u32 $0x1, s1  }
0x8c: {  	s16 =	sshll.u32 s0, $0xA;
	s2 =	sadd.s32 s3, s2  }
0x8d: {  	s2 =	sadd.s32 s2, s16  }
0x8e: {  	[smem:$0x3FBB] =	sst s2  }
0x8f: {  	_ = 	snop  }
0x90: {  	(tm) =	ssettm $0x1  }
0x91: {  	s17 =	sld [smem:$0x3FFB];
	_ =	sdelay $0x3  }
0x92: {  	_ =	strace s17  }
0x93: {  	s2 =	sld [smem:$0x3FFC];
	_ =	sdelay $0x3  }
0x94: {  	_ =	strace s2  }
0x95: {  	s2 =	sld [smem:$0x3FFD];
	_ =	sdelay $0x3  }
0x96: {  	_ =	strace s2  }
0x97: {  	_ =	strace $0x8FFFFFFF  }
0x98: {  	s18 =	sld [smem:$0x3FDB];
	_ =	sdelay $0x1  }
0x99: {  	s19 =	simm.s32 $_scs_section_size  }
0x9a: {  	s4 =	simm.s32 $_size__tile_overlayer_lowered;
	s5 =	simm.s32 $_tile_overlayer_lowered  }
0x9b: {  	s22 =	simm.s32 $0x1BFF;
	s21 =	sshll.u32 s5, $0x1;
	s2 =	sadd.s32 s19, s18  }
0x9c: {  	s6 =	simm.s32 $0x0;
	s20 =	sshll.u32 s4, $0x1;
	s4 =	sadd.s32 s21, s2  }
0x9d: {  	[timem:s6], [sflag:s22] =	dma.local [hbm:s4], s20  }
0x9e: {  	_ =	swait.ge [sflag:s22], s20  }
0x9f: {  	s3 =	ssub.s32 $0x0, s20;
	[sflag:s22] =	ssyncset.done $0x0  }
0xa0: {  	[sflag:s22] =	ssyncadd.s32 s3;
	_ =	sdelay $0x1  }
0xa1: {  	s23 =	simm.s32 $0x1B8B  }
0xa2: {  	_ =	swait.ge [sflag:s23], $0x1  }
0xa3: {  	[sflag:s23] =	ssyncset.done $0x0  }
0xa4: {  	s25 =	simm.s32 $0x1B8E;
	s24 =	sld [smem:$0x3FFE];
	[sflag:s23] =	ssyncadd.s32 $0xFFFFFFFF  }
0xa5: {  	s26 =	simm.s32 $execute0_lowered;
	[smem:$0x3FD2] =	sst s25  }
0xa6: {  	s4 =	sshll.u32 s26, $0x1;
	_ =	strace $0x80000046;
	[dreg:$0x1] =	wrdreg $0xFFFFFFFF  }
0xa7: {  	s28 =	simm.s32 $_size_execute0_lowered;
	s2 =	sadd.s32 s2, s4;
	[dreg:$0x0] =	wrdreg $0x0  }
0xa8: {  	s4 =	sshll.u32 s28, $0x1;
	[dreg:$0x2] =	wrdreg s2  }
0xa9: {  	[dreg:$0x3] =	wrdreg s4  }
0xaa: {  	[dreg:$0x4] =	wrdreg $0xC0  }
0xab: {  	_ =	task [dreg:s6], $0x5FFFF  }
0xac: {  	[dreg:$0x1] =	wrdreg $0xFFFFFFFF  }
0xad: {  	[dreg:$0x0] =	wrdreg $0x60  }
0xae: {  	[dreg:$0x2] =	wrdreg s24  }
0xaf: {  	[dreg:$0x3] =	wrdreg $0x44000  }
0xb0: {  	[dreg:$0x4] =	wrdreg $0x9  }
0xb1: {  	_ =	task.clear_ibuf [dreg:s6], $0x5FFFF;
	_ =	strace $0x90000046  }
0xb2: {  	s29 =	simm.s32 $0x9;
	_ =	strace $0x80000048  }
0xb3: {  	_ =	swait.ge [sflag:s29], $0x1  }
0xb4: {  	[sflag:s29] =	ssyncadd.s32 $0xFFFFFFFF  }
0xb5: {  	_ =	strace $0x90000048  }
0xb6: {  	_ =	sfence  }
0xb7: {  	s30 =	sld [smem:$0x0];
	_ =	sdelay $0x2  }
0xb8: {  	s31 =	sshll.u32 s1, $0xD;
	s1 =	sshrl.u32 s1, $0x2  }
0xb9: {  	s3 =	sand.u32 $0x4000, s31;
	s1 =	sadd.s32 s1, s30  }
0xba: {  	s0 =	sor.u32 s3, s0;
	s1 =	sshll.u32 s1, $0x11  }
0xbb: {  	s0 =	sor.u32 s1, s0  }
0xbc: {  	s0 =	sadd.s32 $0x8F2B, s0  }
0xbd: {  	[sflag:s0] =	ssyncadd.remote.s32 $0x1  }
0xbe: {  	_ =	sfence.sel $0xFFFF  }
0xbf: {  	[dreg:$0x0] =	wrdreg $0xFFFFFFFF;
	(pc) =	sbr.abs _section_cstart, $3  }
0xc0: {  	[dreg:$0x1] =	wrdreg $0xFFFFFFFF  }
0xc1: {  	_ =	task.clear_ibuf [dreg:s6], $0x2FFFF;
	_ =	strace $0x9FFFFFFF  }
0xc2: {  	(tm) =	ssettm $0x7FFFFFFF  }
0xc3: {  	_ =	shalt  }
tec
execute0_lowered:
.L_overlay_start_1:
0x0: {  	(tag) =	ssettag $0x1  }
0x1: {  	s4 =	rddreg [dreg:$0x0]  }
0x2: {  	s0 =	srdreg.scid;
	s2 =	rddreg [dreg:$0x1]  }
0x3: {  	s1 =	rddreg [dreg:$0x2];
	s3 =	simm.s32 $0x0;
	s13 =	simm.s32 $0x400  }
0x4: {  	s14 =	simm.s32 $0x2;
	s15 =	simm.s32 $0x7D;
	s16 =	simm.s32 $0x80  }
0x5: {  	s17 =	simm.s32 $0x100;
	s18 =	simm.s32 $0x180;
	s5 =	sand.u32 $0x1, s0  }
0x6: {  	s19 =	simm.s32 $0x200;
	s0 =	stileid.u32;
	s6 =	smul.u32 $0x28000, s5  }
0x7: {  	s20 =	simm.s32 $0x280;
	s21 =	simm.s32 $0x300;
	s7 =	smul.u32 $0x2800, s0  }
0x8: {  	s22 =	simm.s32 $0x380;
	s23 =	simm.s32 $0x1;
	s8 =	smul.u32 $0x13C000, s5  }
0x9: {  	s24 =	simm.s32 $0x0;
	[smem:$0x7FF] =	sst s3;
	s26 =	smul.u32 $0x13C00, s0  }
0xa: {  	s9 =	smul.u32 $0x4F000, s0;
	_ =	strace $0x80000047;
	s5 =	ssub.s32 $0x2, s5  }
0xb: {  	s30 =	sshrl.u32 s5, $0x1;
	s6 =	sadd.s32 s7, s6;
	s28 =	sadd.s32 s26, s8  }
0xc: {  	s29 =	sshrl.u32 s9, $0x2;
	s31 =	ssub.s32 s5, s30;
	s6 =	sshrl.u32 s6, $0x3  }
0xd: {  	s7 =	smax.u32 s31, $0x1;
	s12 =	sadd.s32 s6, s4;
	s6 =	sshrl.u32 s28, $0x3  }
0xe: {  	s6 =	sadd.s32 s6, s4;
	s4 =	sadd.s32 s29, s2;
	s12 =	sadd.s32 $0x3800, s12  }
0xf: {  	v0 =	vimm.f32 $0.0e+00;
	vm0 =	vcmask $0x300;
	s5 =	sadd.s32 $0x13880, s4;
	s6 =	sadd.s32 $0xD800, s6;
	s8 =	sadd.s32 $0x3E80, s4  }
0x10: {  	v1 =	vsel vm0, $0x3F800000, v0;
	s9 =	sadd.s32 $0x7D00, s4;
	s10 =	sadd.s32 $0xBB80, s4;
	s11 =	sadd.s32 $0xFA00, s4  }
.LBB2_1:
0x11: {  	s25 =	simm.s32 $0x0;
	s26 =	simm.s32 $0x200  }
.LBB2_2:
0x12: {  	p0 =	sne.s32 s26, $0xF800;
	[tilespmem:s25+$0x470] =	vst v0  }
0x13: {  	[tilespmem:s25+$0x400] =	vst v0  }
0x14: {  	[tilespmem:s25+$0x410] =	vst v0  }
.Ltmp0:
0x15: {  	[tilespmem:s25+$0x420] =	vst v0;
	(pc) =	sbr.rel @p0 .LBB2_2-.Ltmp0, $4  }
0x16: {  	[tilespmem:s25+$0x430] =	vst v0  }
0x17: {  	[tilespmem:s25+$0x440] =	vst v0  }
0x18: {  	[tilespmem:s25+$0x450] =	vst v0  }
0x19: {  	[tilespmem:s25+$0x460] =	vst v0;
	s25 =	sshra.s32 s26, $0x2;
	s26 =	sadd.s32 $0x200, s26  }
0x1a: {  	[tilespmem:s25+$0x470] =	vst v0  }
0x1b: {  	[tilespmem:s25+$0x400] =	vst v0  }
0x1c: {  	[tilespmem:s25+$0x410] =	vst v0  }
0x1d: {  	[tilespmem:s25+$0x420] =	vst v0  }
0x1e: {  	[tilespmem:s25+$0x430] =	vst v0  }
0x1f: {  	[tilespmem:s25+$0x440] =	vst v0  }
0x20: {  	[tilespmem:s25+$0x450] =	vst v0  }
0x21: {  	[tilespmem:s25+$0x460] =	vst v0  }
0x22: {  	[spmem:s4] =	stream.linear.scatter [tilespmem:s13], [sflag:$0x2], $0x3E80, $0x38;
	[tilespmem:$0x18000] =	vst v63  }
0x23: {  	_ =	swait.ge [sflag:s14], $0x3E80  }
0x24: {  	[sflag:s14] =	ssyncset.done $0x0  }
0x25: {  	[sflag:s14] =	ssyncadd.s32 $0xFFFFC180  }
0x26: {  	[spmem:s8] =	stream.linear.scatter [tilespmem:s13], [sflag:$0x2], $0x3E80, $0x38;
	[tilespmem:$0x18000] =	vst v63  }
0x27: {  	_ =	swait.ge [sflag:s14], $0x3E80  }
0x28: {  	[sflag:s14] =	ssyncset.done $0x0  }
0x29: {  	[sflag:s14] =	ssyncadd.s32 $0xFFFFC180  }
0x2a: {  	[spmem:s9] =	stream.linear.scatter [tilespmem:s13], [sflag:$0x2], $0x3E80, $0x38;
	[tilespmem:$0x18000] =	vst v63  }
0x2b: {  	_ =	swait.ge [sflag:s14], $0x3E80  }
0x2c: {  	[sflag:s14] =	ssyncset.done $0x0  }
0x2d: {  	[sflag:s14] =	ssyncadd.s32 $0xFFFFC180  }
0x2e: {  	[spmem:s10] =	stream.linear.scatter [tilespmem:s13], [sflag:$0x2], $0x3E80, $0x38;
	[tilespmem:$0x18000] =	vst v63  }
0x2f: {  	_ =	swait.ge [sflag:s14], $0x3E80  }
0x30: {  	[sflag:s14] =	ssyncset.done $0x0  }
0x31: {  	[sflag:s14] =	ssyncadd.s32 $0xFFFFC180  }
0x32: {  	[spmem:s11] =	stream.linear.scatter [tilespmem:s13], [sflag:$0x2], $0x3E80, $0x38;
	[tilespmem:$0x18000] =	vst v63  }
0x33: {  	_ =	swait.ge [sflag:s14], $0x3E80  }
0x34: {  	[sflag:s14] =	ssyncset.done $0x0  }
0x35: {  	[sflag:s14] =	ssyncadd.s32 $0xFFFFC180  }
0x36: {  	[spmem:s5] =	stream.linear.scatter [tilespmem:s13], [sflag:$0x2], $0x380, $0x38;
	[tilespmem:$0x18000] =	vst v63  }
0x37: {  	_ =	swait.ge [sflag:s14], $0x380  }
0x38: {  	[sflag:s14] =	ssyncset.done $0x0  }
0x39: {  	s25 =	simm.s32 $0x200;
	s26 =	simm.s32 $0x0;
	[sflag:s14] =	ssyncadd.s32 $0xFFFFFC80  }
.LBB2_4:
0x3a: {  	p0 =	sne.s32 s25, $0xF800;
	[tilespmem:s26+$0x400] =	vst v1;
	s26 =	smov.u32 s25;
	s25 =	sadd.s32 $0x200, s25  }
.Ltmp1:
0x3b: {  	(pc) =	sbr.rel @p0 .LBB2_4-.Ltmp1, $2  }
0x3c: {  	_ =	sdelay $0x2  }
0x3d: {  	s26 =	sshra.s32 s26, $0x2  }
0x3e: {  	[tilespmem:s26+$0x400] =	vst v1  }
0x3f: {  	s25 =	sadd.s32 $0x0, s12;
	[bflag:$0x0] =	sbarrier.arrive $0xFFFF  }
0x40: {  	[tilespmem:s3], [sflag:$0x2] =	stream.linear.gather [hbm4b:s25+s3], $0x400, $0x38;
	[tilespmem:$0x18000] =	vst v63  }
0x41: {  	_ =	swait.ge [sflag:s14], $0x400  }
0x42: {  	[sflag:s14] =	ssyncset.done $0x0  }
0x43: {  	[sflag:s14] =	ssyncadd.s32 $0xFFFFFC00  }
0x44: {  	[spmem:s2] =	stream.indirect.scatter.add.f32 [tilespmem:s13], [sflag:$0x1], $0x80, s3, s15, $0xb8;
	[tilespmem:$0x18000] =	vst v63  }
0x45: {  	_ = 	snop  }
0x46: {  	[spmem:s2] =	stream.indirect.scatter.add.f32 [tilespmem:s13], [sflag:$0x1], $0x80, s16, s15, $0xb8;
	[tilespmem:$0x18000] =	vst v63  }
0x47: {  	_ = 	snop  }
0x48: {  	[spmem:s2] =	stream.indirect.scatter.add.f32 [tilespmem:s13], [sflag:$0x1], $0x80, s17, s15, $0xb8;
	[tilespmem:$0x18000] =	vst v63  }
0x49: {  	_ = 	snop  }
0x4a: {  	[spmem:s2] =	stream.indirect.scatter.add.f32 [tilespmem:s13], [sflag:$0x1], $0x80, s18, s15, $0xb8;
	[tilespmem:$0x18000] =	vst v63  }
0x4b: {  	_ = 	snop  }
0x4c: {  	[spmem:s2] =	stream.indirect.scatter.add.f32 [tilespmem:s13], [sflag:$0x1], $0x80, s19, s15, $0xb8;
	[tilespmem:$0x18000] =	vst v63  }
0x4d: {  	_ = 	snop  }
0x4e: {  	[spmem:s2] =	stream.indirect.scatter.add.f32 [tilespmem:s13], [sflag:$0x1], $0x80, s20, s15, $0xb8;
	[tilespmem:$0x18000] =	vst v63  }
0x4f: {  	_ = 	snop  }
0x50: {  	[spmem:s2] =	stream.indirect.scatter.add.f32 [tilespmem:s13], [sflag:$0x1], $0x80, s21, s15, $0xb8;
	[tilespmem:$0x18000] =	vst v63  }
0x51: {  	_ = 	snop  }
0x52: {  	[spmem:s2] =	stream.indirect.scatter.add.f32 [tilespmem:s13], [sflag:$0x1], $0x80, s22, s15, $0xb8;
	[tilespmem:$0x18000] =	vst v63  }
0x53: {  	_ =	swait.ge [sflag:s23], $0x3E80  }
0x54: {  	[sflag:s23] =	ssyncset.done $0x0  }
0x55: {  	[sflag:s23] =	ssyncadd.s32 $0xFFFFC180  }
0x56: {  	_ =	swait.ge [sflag:s23], $0x3E80  }
0x57: {  	[sflag:s23] =	ssyncset.done $0x0  }
0x58: {  	[sflag:s23] =	ssyncadd.s32 $0xFFFFC180  }
0x59: {  	_ =	swait.ge [sflag:s23], $0x3E80  }
0x5a: {  	[sflag:s23] =	ssyncset.done $0x0  }
0x5b: {  	[sflag:s23] =	ssyncadd.s32 $0xFFFFC180  }
0x5c: {  	_ =	swait.ge [sflag:s23], $0x3E80  }
0x5d: {  	[sflag:s23] =	ssyncset.done $0x0  }
0x5e: {  	[sflag:s23] =	ssyncadd.s32 $0xFFFFC180  }
0x5f: {  	_ =	swait.ge [sflag:s23], $0x3E80  }
0x60: {  	[sflag:s23] =	ssyncset.done $0x0  }
0x61: {  	[sflag:s23] =	ssyncadd.s32 $0xFFFFC180  }
0x62: {  	_ =	swait.ge [sflag:s23], $0x3E80  }
0x63: {  	[sflag:s23] =	ssyncset.done $0x0  }
0x64: {  	[sflag:s23] =	ssyncadd.s32 $0xFFFFC180  }
0x65: {  	_ =	swait.ge [sflag:s23], $0x3E80  }
0x66: {  	[sflag:s23] =	ssyncset.done $0x0  }
0x67: {  	[sflag:s23] =	ssyncadd.s32 $0xFFFFC180  }
0x68: {  	_ =	swait.ge [sflag:s23], $0x3E80  }
0x69: {  	s28 =	simm.s32 $0x100;
	s25 =	simm.s32 $0x80;
	[sflag:s23] =	ssyncset.done $0x0  }
.LBB2_6:
0x6a: {  	s29 =	sadd.s32 s25, s12  }
0x6b: {  	[sflag:s23] =	ssyncadd.s32 $0xFFFFC180;
	s25 =	smov.u32 s28;
	s26 =	sadd.s32 $0x80, s28  }
0x6c: {  	[tilespmem:s3], [sflag:$0x2] =	stream.linear.gather [hbm4b:s29+s3], $0x400, $0x38;
	[tilespmem:$0x18000] =	vst v63  }
0x6d: {  	p0 =	sne.s32 s28, $0x480;
	_ =	swait.ge [sflag:s14], $0x400  }
0x6e: {  	[sflag:s14] =	ssyncset.done $0x0  }
0x6f: {  	[sflag:s14] =	ssyncadd.s32 $0xFFFFFC00  }
0x70: {  	[spmem:s2] =	stream.indirect.scatter.add.f32 [tilespmem:s13], [sflag:$0x1], $0x80, s3, s15, $0xb8;
	[tilespmem:$0x18000] =	vst v63  }
0x71: {  	_ = 	snop  }
0x72: {  	[spmem:s2] =	stream.indirect.scatter.add.f32 [tilespmem:s13], [sflag:$0x1], $0x80, s16, s15, $0xb8;
	[tilespmem:$0x18000] =	vst v63  }
0x73: {  	_ = 	snop  }
0x74: {  	[spmem:s2] =	stream.indirect.scatter.add.f32 [tilespmem:s13], [sflag:$0x1], $0x80, s17, s15, $0xb8;
	[tilespmem:$0x18000] =	vst v63  }
0x75: {  	_ = 	snop  }
0x76: {  	[spmem:s2] =	stream.indirect.scatter.add.f32 [tilespmem:s13], [sflag:$0x1], $0x80, s18, s15, $0xb8;
	[tilespmem:$0x18000] =	vst v63  }
0x77: {  	_ = 	snop  }
0x78: {  	[spmem:s2] =	stream.indirect.scatter.add.f32 [tilespmem:s13], [sflag:$0x1], $0x80, s19, s15, $0xb8;
	[tilespmem:$0x18000] =	vst v63  }
0x79: {  	_ = 	snop  }
0x7a: {  	[spmem:s2] =	stream.indirect.scatter.add.f32 [tilespmem:s13], [sflag:$0x1], $0x80, s20, s15, $0xb8;
	[tilespmem:$0x18000] =	vst v63  }
0x7b: {  	_ = 	snop  }
0x7c: {  	[spmem:s2] =	stream.indirect.scatter.add.f32 [tilespmem:s13], [sflag:$0x1], $0x80, s21, s15, $0xb8;
	[tilespmem:$0x18000] =	vst v63  }
0x7d: {  	_ = 	snop  }
0x7e: {  	[spmem:s2] =	stream.indirect.scatter.add.f32 [tilespmem:s13], [sflag:$0x1], $0x80, s22, s15, $0xb8;
	[tilespmem:$0x18000] =	vst v63  }
0x7f: {  	_ =	swait.ge [sflag:s23], $0x3E80  }
0x80: {  	[sflag:s23] =	ssyncset.done $0x0  }
0x81: {  	[sflag:s23] =	ssyncadd.s32 $0xFFFFC180  }
0x82: {  	_ =	swait.ge [sflag:s23], $0x3E80  }
0x83: {  	[sflag:s23] =	ssyncset.done $0x0  }
0x84: {  	[sflag:s23] =	ssyncadd.s32 $0xFFFFC180  }
0x85: {  	_ =	swait.ge [sflag:s23], $0x3E80  }
0x86: {  	[sflag:s23] =	ssyncset.done $0x0  }
0x87: {  	[sflag:s23] =	ssyncadd.s32 $0xFFFFC180  }
0x88: {  	_ =	swait.ge [sflag:s23], $0x3E80  }
0x89: {  	[sflag:s23] =	ssyncset.done $0x0  }
0x8a: {  	[sflag:s23] =	ssyncadd.s32 $0xFFFFC180  }
0x8b: {  	_ =	swait.ge [sflag:s23], $0x3E80  }
0x8c: {  	[sflag:s23] =	ssyncset.done $0x0  }
0x8d: {  	[sflag:s23] =	ssyncadd.s32 $0xFFFFC180  }
0x8e: {  	_ =	swait.ge [sflag:s23], $0x3E80  }
0x8f: {  	[sflag:s23] =	ssyncset.done $0x0  }
0x90: {  	[sflag:s23] =	ssyncadd.s32 $0xFFFFC180  }
.Ltmp2:
0x91: {  	_ =	swait.ge [sflag:s23], $0x3E80;
	(pc) =	sbr.rel @p0 .LBB2_6-.Ltmp2, $4  }
0x92: {  	[sflag:s23] =	ssyncset.done $0x0  }
0x93: {  	[sflag:s23] =	ssyncadd.s32 $0xFFFFC180  }
0x94: {  	_ =	swait.ge [sflag:s23], $0x3E80  }
0x95: {  	s28 =	smov.u32 s26;
	[sflag:s23] =	ssyncset.done $0x0  }
0x96: {  	s25 =	sadd.s32 s25, s12;
	[sflag:s23] =	ssyncadd.s32 $0xFFFFC180  }
0x97: {  	[tilespmem:s3], [sflag:$0x2] =	stream.linear.gather [hbm4b:s25+s3], $0x400, $0x38;
	[tilespmem:$0x18000] =	vst v63  }
0x98: {  	_ =	swait.ge [sflag:s14], $0x400  }
0x99: {  	[sflag:s14] =	ssyncset.done $0x0  }
0x9a: {  	[sflag:s14] =	ssyncadd.s32 $0xFFFFFC00  }
0x9b: {  	[spmem:s2] =	stream.indirect.scatter.add.f32 [tilespmem:s13], [sflag:$0x1], $0x80, s3, s15, $0xb8;
	[tilespmem:$0x18000] =	vst v63  }
0x9c: {  	_ = 	snop  }
0x9d: {  	[spmem:s2] =	stream.indirect.scatter.add.f32 [tilespmem:s13], [sflag:$0x1], $0x80, s16, s15, $0xb8;
	[tilespmem:$0x18000] =	vst v63  }
0x9e: {  	_ = 	snop  }
0x9f: {  	[spmem:s2] =	stream.indirect.scatter.add.f32 [tilespmem:s13], [sflag:$0x1], $0x80, s17, s15, $0xb8;
	[tilespmem:$0x18000] =	vst v63  }
0xa0: {  	_ = 	snop  }
0xa1: {  	[spmem:s2] =	stream.indirect.scatter.add.f32 [tilespmem:s13], [sflag:$0x1], $0x80, s18, s15, $0xb8;
	[tilespmem:$0x18000] =	vst v63  }
0xa2: {  	_ = 	snop  }
0xa3: {  	[spmem:s2] =	stream.indirect.scatter.add.f32 [tilespmem:s13], [sflag:$0x1], $0x80, s19, s15, $0xb8;
	[tilespmem:$0x18000] =	vst v63  }
0xa4: {  	_ = 	snop  }
0xa5: {  	[spmem:s2] =	stream.indirect.scatter.add.f32 [tilespmem:s13], [sflag:$0x1], $0x80, s20, s15, $0xb8;
	[tilespmem:$0x18000] =	vst v63  }
0xa6: {  	_ = 	snop  }
0xa7: {  	[spmem:s2] =	stream.indirect.scatter.add.f32 [tilespmem:s13], [sflag:$0x1], $0x80, s21, s15, $0xb8;
	[tilespmem:$0x18000] =	vst v63  }
0xa8: {  	_ = 	snop  }
0xa9: {  	[spmem:s2] =	stream.indirect.scatter.add.f32 [tilespmem:s13], [sflag:$0x1], $0x80, s22, s15, $0xb8;
	[tilespmem:$0x18000] =	vst v63  }
0xaa: {  	_ =	swait.ge [sflag:s23], $0x3E80  }
0xab: {  	[sflag:s23] =	ssyncset.done $0x0  }
0xac: {  	[sflag:s23] =	ssyncadd.s32 $0xFFFFC180  }
0xad: {  	_ =	swait.ge [sflag:s23], $0x3E80  }
0xae: {  	[sflag:s23] =	ssyncset.done $0x0  }
0xaf: {  	[sflag:s23] =	ssyncadd.s32 $0xFFFFC180  }
0xb0: {  	_ =	swait.ge [sflag:s23], $0x3E80  }
0xb1: {  	[sflag:s23] =	ssyncset.done $0x0  }
0xb2: {  	[sflag:s23] =	ssyncadd.s32 $0xFFFFC180  }
0xb3: {  	_ =	swait.ge [sflag:s23], $0x3E80  }
0xb4: {  	[sflag:s23] =	ssyncset.done $0x0  }
0xb5: {  	[sflag:s23] =	ssyncadd.s32 $0xFFFFC180  }
0xb6: {  	_ =	swait.ge [sflag:s23], $0x3E80  }
0xb7: {  	[sflag:s23] =	ssyncset.done $0x0  }
0xb8: {  	[sflag:s23] =	ssyncadd.s32 $0xFFFFC180  }
0xb9: {  	_ =	swait.ge [sflag:s23], $0x3E80  }
0xba: {  	[sflag:s23] =	ssyncset.done $0x0  }
0xbb: {  	[sflag:s23] =	ssyncadd.s32 $0xFFFFC180  }
0xbc: {  	_ =	swait.ge [sflag:s23], $0x3E80  }
0xbd: {  	[sflag:s23] =	ssyncset.done $0x0  }
0xbe: {  	[sflag:s23] =	ssyncadd.s32 $0xFFFFC180  }
0xbf: {  	_ =	swait.ge [sflag:s23], $0x3E80  }
0xc0: {  	s31 =	sshll.u32 s0, $0x6;
	s24 =	sadd.s32 $0x1, s24;
	[sflag:s23] =	ssyncset.done $0x0  }
0xc1: {  	s26 =	sshrl.u32 s4, $0x3;
	p0 =	sne.s32 s24, s7;
	[sflag:s23] =	ssyncadd.s32 $0xFFFFC180  }
.Ltmp3:
0xc2: {  	s25 =	sor.u32 $0x1C02, s31;
	[bflag:$0x0] =	sbarrier.arrive $0xFFFF;
	(pc) =	sbr.rel @p0 .LBB2_1-.Ltmp3, $4  }
0xc3: {  	[hbm:s6], [sflag:s25] =	dma.local [spmem:s26], $0x2780  }
0xc4: {  	_ =	swait.ge [sflag:s14], $0x2780  }
0xc5: {  	[sflag:s14] =	ssyncset.done $0x0  }
0xc6: {  	[sflag:s14] =	ssyncadd.s32 $0xFFFFD880  }
0xc7: {  	_ =	sfence.sel $0x180000  }
0xc8: {  	[bflag:$0x0] =	sbarrier.arrive $0xFFFF  }
0xc9: {  	p0 =	sne.s32 s0, $0x0;
	_ =	strace $0x90000047  }
0xca: {  	s0 =	sadd.s32 @!p0 $0x100000, s1;
	[bflag:$0x2] =	sbarrier.arrive $0xFFFF  }
0xcb: {  	[sflag:s0] =	ssyncadd.tile.s32 @!p0 $0x1;
	_ =	shalt  }
.Lfunc_end2:
_tile_overlayer_lowered:
.L_overlay_start_2:
0xcc: {  	(tag) =	ssettag $0x2  }
0xcd: {  	s0 =	rddreg [dreg:$0x0];
	s2 =	stileid.u32  }
0xce: {  	s1 =	rddreg [dreg:$0x1];
	p0 =	sne.s32 s2, $0x0  }
0xcf: {  	s3 =	rddreg [dreg:$0x2];
	[bflag:$0x3] =	sbarrier.arrive $0xFFFF;
	s2 =	simm.s32 @!p0 $0x1C02  }
0xd0: {  	[timem:s3], [sflag:s2] =	dma.local @!p0 [hbm:s0], s1  }
0xd1: {  	s0 =	simm.s32 @!p0 $0x2  }
0xd2: {  	_ =	swait.ge @!p0 [sflag:s0], s1  }
0xd3: {  	s1 =	ssub.s32 @!p0 $0x0, s1;
	[sflag:s0] =	ssyncset.done @!p0 $0x0  }
0xd4: {  	[sflag:s0] =	ssyncadd.s32 @!p0 s1  }
0xd5: {  	[bflag:$0x3] =	sbarrier.arrive $0xFFFF  }
0xd6: {  	_ =	shalt  }

// kernel: kernel.13.cloned.1.call-start
scs
__scs_entry_jumppad:
0x0: {  	(pc) =	sbr.rel $0x88, $3  }
0x1: {  	(tag) =	ssettag $0x0;
	lr =	simm.s32 $0x1  }
0x2: {  	[smem:$0x3F94] =	sst lr;
	_ =	strace $0xD0000000  }
0x3: {  	_ = 	snop  }
0x4: {  	_ = 	snop  }
0x5: {  	_ = 	snop  }
0x6: {  	_ = 	snop  }
0x7: {  	_ = 	snop  }
__scs_overlays_trampoline_lowered:
0x8: {  	[smem:$0x3FA3] =	sst s0  }
0x9: {  	[smem:$0x3FA4] =	sst s1  }
0xa: {  	[smem:$0x3FA5] =	sst s2  }
0xb: {  	[smem:$0x3FA6] =	sst s3  }
0xc: {  	[smem:$0x3FA7] =	sst s4  }
0xd: {  	[smem:$0x3FA8] =	sst s5  }
0xe: {  	[smem:$0x3FA9] =	sst s6  }
0xf: {  	[smem:$0x3FAA] =	sst s7  }
0x10: {  	[smem:$0x3FAB] =	sst s8  }
0x11: {  	[smem:$0x3FAC] =	sst s9;
	s0 =	simm.s32 @!p0 $0x0  }
0x12: {  	s1 =	sld [smem:$0x3F92];
	s0 =	simm.s32 @p0 $0x1  }
0x13: {  	[smem:$0x3FAD] =	sst s0;
	s0 =	simm.s32 @!p1 $0x0  }
0x14: {  	s2 =	sld [smem:$0x3F91];
	s0 =	simm.s32 @p1 $0x1  }
0x15: {  	[smem:$0x3FAE] =	sst s0;
	s0 =	simm.s32 @!p2 $0x0  }
0x16: {  	s3 =	sld [smem:$0x3FDB];
	s0 =	simm.s32 @p2 $0x1  }
0x17: {  	s4 =	simm.s32 $0x1BF5;
	[smem:$0x3FB0] =	sst s0  }
0x18: {  	s0 =	sld [smem:$0x3F93];
	_ =	swait.ge [sflag:s4], $0x0  }
0x19: {  	s7 =	sld [smem:$0x3F94]  }
0x1a: {  	s8 =	sadd.s32 $0xFFFFE003, lr  }
0x1b: {  	s9 =	sadd.s32 $0xFFFFFEF7, lr;
	s5 =	simm.s32 $0xFFFFFFFF;
	p2 =	slt.u32 s8, $0xFFFFF086  }
0x1c: {  	p1 =	slt.u32 s9, $0xF7A;
	s5 =	simm.s32 @!p2 $0x0  }
0x1d: {  	s5 =	simm.s32 @p1 $0x1;
	p0 =	seq.s32 s7, s2  }
0x1e: {  	s7 =	smul.u32 @!p0 $0xF7A, s2;
	p2 =	seq.s32 @!p0 s5, $0x0  }
0x1f: {  	s9 =	smul.u32 $0xF7A, s1;
	s8 =	simm.s32 @!p0 $0x1BF5;
	p2 =	por !p2, p0  }
0x20: {  	[sflag:s8] =	ssyncset.s32 @!p0 $0xFFFFF086;
	s6 =	sadd.s32 @!p0 s3, s7;
	s7 =	simm.s32 @!p0 $0x108  }
0x21: {  	s3 =	sadd.s32 s3, s9;
	s6 =	sadd.s32 @!p0 $0x88, s6;
	s7 =	simm.s32 @p2 $0x1082  }
0x22: {  	[simem:s7], [sflag:s8] =	dma.local @!p0 [hbm:s6], $0xF7A  }
0x23: {  	s9 =	sor.u32 $0xD0000000, s2;
	s6 =	simm.s32 $0x108;
	_ =	swait.ge @!p0 [sflag:s8], $0x0  }
0x24: {  	s3 =	sadd.s32 $0x88, s3;
	s6 =	simm.s32 @!p1 $0x1082;
	[sflag:s4] =	ssyncset.s32 $0xFFFFF086  }
0x25: {  	[simem:s6], [sflag:s4] =	dma.local [hbm:s3], $0xF7A  }
0x26: {  	[smem:$0x3F94] =	sst s1;
	(tag) =	ssettag s2;
	_ =	strace s9  }
0x27: {  	s1 =	sld [smem:$0x3FA4]  }
0x28: {  	s2 =	sld [smem:$0x3FA5]  }
0x29: {  	s4 =	sld [smem:$0x3FA7]  }
0x2a: {  	p0 =	seq.s32 s5, $0x0;
	s5 =	sld [smem:$0x3FA8]  }
0x2b: {  	s6 =	sld [smem:$0x3FA9]  }
0x2c: {  	s7 =	sld [smem:$0x3FAA]  }
0x2d: {  	s3 =	simm.s32 $0x108;
	s8 =	sld [smem:$0x3FAB]  }
0x2e: {  	s3 =	simm.s32 @!p0 $0x1082;
	s9 =	sld [smem:$0x3FAC]  }
0x2f: {  	lr =	sadd.s32 s0, s3;
	s0 =	sld [smem:$0x3FA3]  }
0x30: {  	s3 =	sld [smem:$0x3FA6]  }
0x31: {  	[smem:$0x3FAF] =	sst s10  }
0x32: {  	s10 =	sld [smem:$0x3FAD];
	_ =	sdelay $0x3  }
0x33: {  	p0 =	seq.s32 s10, $0x1;
	s10 =	sld [smem:$0x3FAF];
	_ =	sdelay $0x3  }
0x34: {  	[smem:$0x3FAF] =	sst s10  }
0x35: {  	s10 =	sld [smem:$0x3FAE];
	_ =	sdelay $0x3  }
0x36: {  	p1 =	seq.s32 s10, $0x1;
	s10 =	sld [smem:$0x3FAF];
	_ =	sdelay $0x3  }
0x37: {  	[smem:$0x3FAF] =	sst s10  }
0x38: {  	s10 =	sld [smem:$0x3FB0]  }
0x39: {  	_ = 	snop;
	(pc) =	sbr.ind lr, $3  }
0x3a: {  	_ = 	snop  }
0x3b: {  	_ = 	snop  }
0x3c: {  	p2 =	seq.s32 s10, $0x1;
	s10 =	sld [smem:$0x3FAF]  }
0x3d: {  	_ =	shalt  }
0x3e: {  	_ =	shalt  }
0x3f: {  	_ =	shalt  }
0x40: {  	_ =	shalt  }
0x41: {  	_ =	shalt  }
0x42: {  	_ =	shalt  }
0x43: {  	_ =	shalt  }
0x44: {  	_ =	shalt  }
0x45: {  	_ =	shalt  }
0x46: {  	_ =	shalt  }
0x47: {  	_ =	shalt  }
0x48: {  	_ =	shalt  }
0x49: {  	_ =	shalt  }
0x4a: {  	_ =	shalt  }
0x4b: {  	_ =	shalt  }
0x4c: {  	_ =	shalt  }
0x4d: {  	_ =	shalt  }
0x4e: {  	_ =	shalt  }
0x4f: {  	_ =	shalt  }
0x50: {  	_ =	shalt  }
0x51: {  	_ =	shalt  }
0x52: {  	_ =	shalt  }
0x53: {  	_ =	shalt  }
0x54: {  	_ =	shalt  }
0x55: {  	_ =	shalt  }
0x56: {  	_ =	shalt  }
0x57: {  	_ =	shalt  }
0x58: {  	_ =	shalt  }
0x59: {  	_ =	shalt  }
0x5a: {  	_ =	shalt  }
0x5b: {  	_ =	shalt  }
0x5c: {  	_ =	shalt  }
0x5d: {  	_ =	shalt  }
0x5e: {  	_ =	shalt  }
0x5f: {  	_ =	shalt  }
0x60: {  	_ =	shalt  }
0x61: {  	_ =	shalt  }
0x62: {  	_ =	shalt  }
0x63: {  	_ =	shalt  }
0x64: {  	_ =	shalt  }
0x65: {  	_ =	shalt  }
0x66: {  	_ =	shalt  }
0x67: {  	_ =	shalt  }
0x68: {  	_ =	shalt  }
0x69: {  	_ =	shalt  }
0x6a: {  	_ =	shalt  }
0x6b: {  	_ =	shalt  }
0x6c: {  	_ =	shalt  }
0x6d: {  	_ =	shalt  }
0x6e: {  	_ =	shalt  }
0x6f: {  	_ =	shalt  }
0x70: {  	_ =	shalt  }
0x71: {  	_ =	shalt  }
0x72: {  	_ =	shalt  }
0x73: {  	_ =	shalt  }
0x74: {  	_ =	shalt  }
0x75: {  	_ =	shalt  }
0x76: {  	_ =	shalt  }
0x77: {  	_ =	shalt  }
0x78: {  	_ =	shalt  }
0x79: {  	_ =	shalt  }
0x7a: {  	_ =	shalt  }
0x7b: {  	_ =	shalt  }
0x7c: {  	_ =	shalt  }
0x7d: {  	_ =	shalt  }
0x7e: {  	_ =	shalt  }
0x7f: {  	_ =	shalt  }
0x80: {  	_ =	shalt  }
0x81: {  	_ =	shalt  }
0x82: {  	_ =	shalt  }
0x83: {  	_ =	shalt  }
0x84: {  	_ =	shalt  }
0x85: {  	_ =	shalt  }
0x86: {  	_ =	shalt  }
0x87: {  	_ =	shalt  }
.Lfunc_end0:
.L_simem_size_0:
called_computation.1_lowered:
.L_overlay_start_0:
0x88: {  	s2 =	sld [smem:$0x3FD9]  }
0x89: {  	s3 =	sld [smem:$0x3FFE];
	_ =	sdelay $0x1  }
0x8a: {  	s1 =	srdreg.scid  }
0x8b: {  	s0 =	sand.u32 $0x1, s1  }
0x8c: {  	s16 =	sshll.u32 s0, $0xA;
	s2 =	sadd.s32 s3, s2  }
0x8d: {  	s2 =	sadd.s32 s2, s16  }
0x8e: {  	[smem:$0x3FBB] =	sst s2  }
0x8f: {  	_ = 	snop  }
0x90: {  	(tm) =	ssettm $0x1  }
0x91: {  	s17 =	sld [smem:$0x3FFB];
	_ =	sdelay $0x3  }
0x92: {  	_ =	strace s17  }
0x93: {  	s2 =	sld [smem:$0x3FFC];
	_ =	sdelay $0x3  }
0x94: {  	_ =	strace s2  }
0x95: {  	s2 =	sld [smem:$0x3FFD];
	_ =	sdelay $0x3  }
0x96: {  	_ =	strace s2  }
0x97: {  	_ =	strace $0x8FFFFFFF  }
0x98: {  	s18 =	sld [smem:$0x3FDB];
	_ =	sdelay $0x1  }
0x99: {  	s19 =	simm.s32 $_scs_section_size  }
0x9a: {  	s4 =	simm.s32 $_size__tile_overlayer_lowered;
	s5 =	simm.s32 $_tile_overlayer_lowered  }
0x9b: {  	s22 =	simm.s32 $0x1BFF;
	s21 =	sshll.u32 s5, $0x1;
	s2 =	sadd.s32 s19, s18  }
0x9c: {  	s6 =	simm.s32 $0x0;
	s20 =	sshll.u32 s4, $0x1;
	s4 =	sadd.s32 s21, s2  }
0x9d: {  	[timem:s6], [sflag:s22] =	dma.local [hbm:s4], s20  }
0x9e: {  	_ =	swait.ge [sflag:s22], s20  }
0x9f: {  	s3 =	ssub.s32 $0x0, s20;
	[sflag:s22] =	ssyncset.done $0x0  }
0xa0: {  	[sflag:s22] =	ssyncadd.s32 s3;
	_ =	sdelay $0x1  }
0xa1: {  	s23 =	simm.s32 $0x1B8B  }
0xa2: {  	_ =	swait.ge [sflag:s23], $0x1  }
0xa3: {  	[sflag:s23] =	ssyncset.done $0x0  }
0xa4: {  	s25 =	simm.s32 $0x1B8E;
	s24 =	sld [smem:$0x3FFE];
	[sflag:s23] =	ssyncadd.s32 $0xFFFFFFFF  }
0xa5: {  	s26 =	simm.s32 $execute0_lowered;
	[smem:$0x3FD2] =	sst s25  }
0xa6: {  	s4 =	sshll.u32 s26, $0x1;
	_ =	strace $0x80000049;
	[dreg:$0x1] =	wrdreg $0xFFFFFFFF  }
0xa7: {  	s28 =	simm.s32 $_size_execute0_lowered;
	s2 =	sadd.s32 s2, s4;
	[dreg:$0x0] =	wrdreg $0x0  }
0xa8: {  	s4 =	sshll.u32 s28, $0x1;
	[dreg:$0x2] =	wrdreg s2  }
0xa9: {  	[dreg:$0x3] =	wrdreg s4  }
0xaa: {  	[dreg:$0x4] =	wrdreg $0xC0  }
0xab: {  	_ =	task [dreg:s6], $0x5FFFF  }
0xac: {  	[dreg:$0x1] =	wrdreg $0xFFFFFFFF  }
0xad: {  	[dreg:$0x0] =	wrdreg $0x60  }
0xae: {  	[dreg:$0x2] =	wrdreg s24  }
0xaf: {  	[dreg:$0x3] =	wrdreg $0x88000  }
0xb0: {  	[dreg:$0x4] =	wrdreg $0x9  }
0xb1: {  	_ =	task.clear_ibuf [dreg:s6], $0x5FFFF;
	_ =	strace $0x90000049  }
0xb2: {  	s29 =	simm.s32 $0x9;
	_ =	strace $0x8000004B  }
0xb3: {  	_ =	swait.ge [sflag:s29], $0x1  }
0xb4: {  	[sflag:s29] =	ssyncadd.s32 $0xFFFFFFFF  }
0xb5: {  	_ =	strace $0x9000004B  }
0xb6: {  	_ =	sfence  }
0xb7: {  	s30 =	sld [smem:$0x0];
	_ =	sdelay $0x2  }
0xb8: {  	s31 =	sshll.u32 s1, $0xD;
	s1 =	sshrl.u32 s1, $0x2  }
0xb9: {  	s3 =	sand.u32 $0x4000, s31;
	s1 =	sadd.s32 s1, s30  }
0xba: {  	s0 =	sor.u32 s3, s0;
	s1 =	sshll.u32 s1, $0x11  }
0xbb: {  	s0 =	sor.u32 s1, s0  }
0xbc: {  	s0 =	sadd.s32 $0x8F2B, s0  }
0xbd: {  	[sflag:s0] =	ssyncadd.remote.s32 $0x1  }
0xbe: {  	_ =	sfence.sel $0xFFFF  }
0xbf: {  	[dreg:$0x0] =	wrdreg $0xFFFFFFFF;
	(pc) =	sbr.abs _section_cstart, $3  }
0xc0: {  	[dreg:$0x1] =	wrdreg $0xFFFFFFFF  }
0xc1: {  	_ =	task.clear_ibuf [dreg:s6], $0x2FFFF;
	_ =	strace $0x9FFFFFFF  }
0xc2: {  	(tm) =	ssettm $0x7FFFFFFF  }
0xc3: {  	_ =	shalt  }
tec
execute0_lowered:
.L_overlay_start_1:
0x0: {  	(tag) =	ssettag $0x1  }
0x1: {  	s0 =	srdreg.scid;
	s1 =	rddreg [dreg:$0x0]  }
0x2: {  	s8 =	stileid.u32;
	s2 =	rddreg [dreg:$0x1]  }
0x3: {  	s3 =	simm.s32 $0x0;
	s15 =	simm.s32 $0x800;
	s16 =	simm.s32 $0x3  }
0x4: {  	s17 =	simm.s32 $0x400;
	s18 =	simm.s32 $0x7D;
	s5 =	smul.u32 $0x2800, s8  }
0x5: {  	s28 =	simm.s32 $0x200;
	s29 =	simm.s32 $0x580;
	s19 =	smul.u32 $0x13C00, s8  }
0x6: {  	s30 =	simm.s32 $0x280;
	s0 =	sand.u32 $0x1, s0;
	s8 =	smul.u32 $0x4F000, s8  }
0x7: {  	s31 =	simm.s32 $0x600;
	[smem:$0x7FF] =	sst s3;
	s4 =	smul.u32 $0x28000, s0  }
0x8: {  	s6 =	smul.u32 $0x13C000, s0;
	_ =	strace $0x8000004A;
	s0 =	ssub.s32 $0x2, s0  }
0x9: {  	s20 =	sshrl.u32 s8, $0x2;
	s9 =	sshrl.u32 s0, $0x1;
	s8 =	simm.s32 $0x780  }
0xa: {  	s4 =	sadd.s32 s5, s4;
	s5 =	sadd.s32 s19, s6;
	s12 =	sadd.s32 s20, s2  }
0xb: {  	s0 =	ssub.s32 s0, s9;
	s19 =	simm.s32 $0x80;
	s20 =	simm.s32 $0x4800  }
0xc: {  	s6 =	simm.s32 $0x380;
	s22 =	sadd.s32 $0x13880, s12;
	[dreg:$0x3] =	wrdreg s12  }
0xd: {  	s9 =	simm.s32 $0x0;
	s0 =	smax.u32 s0, $0x1;
	[dreg:$0x4] =	wrdreg s22  }
0xe: {  	s7 =	sshrl.u32 s4, $0x3;
	s23 =	sadd.s32 $0x3E80, s12;
	[dreg:$0x6] =	wrdreg s0  }
0xf: {  	s4 =	sadd.s32 $0x66800, s1;
	s24 =	sadd.s32 $0x7D00, s12;
	[dreg:$0x7] =	wrdreg s23  }
0x10: {  	s21 =	sshrl.u32 s5, $0x3;
	s25 =	sadd.s32 $0xBB80, s12;
	[dreg:$0x8] =	wrdreg s24  }
0x11: {  	s26 =	sadd.s32 $0xFA00, s12;
	s7 =	sadd.s32 s7, s1;
	[dreg:$0x9] =	wrdreg s25  }
0x12: {  	s1 =	sadd.s32 s21, s1;
	[dreg:$0xa] =	wrdreg s26;
	s21 =	simm.s32 $0x1  }
0x13: {  	s22 =	simm.s32 $0x100;
	s23 =	simm.s32 $0x2;
	s24 =	simm.s32 $0x480  }
0x14: {  	s25 =	simm.s32 $0x180;
	s26 =	simm.s32 $0x500;
	s0 =	simm.s32 $0x680  }
0x15: {  	s1 =	sadd.s32 $0x8DA00, s1;
	s13 =	sadd.s32 $0x3800, s7;
	s14 =	sadd.s32 $0x5C800, s7  }
0x16: {  	v0 =	vimm.f32 $0.0e+00;
	s7 =	simm.s32 $0x700;
	[dreg:$0x5] =	wrdreg s1;
	s1 =	simm.s32 $0x300  }
.LBB2_1:
0x17: {  	s10 =	simm.s32 $0x0;
	s11 =	simm.s32 $0x200  }
.LBB2_2:
0x18: {  	p0 =	sne.s32 s11, $0xF800;
	[tilespmem:s10+$0x870] =	vst v0  }
0x19: {  	[tilespmem:s10+$0x800] =	vst v0  }
0x1a: {  	[tilespmem:s10+$0x810] =	vst v0  }
.Ltmp0:
0x1b: {  	[tilespmem:s10+$0x820] =	vst v0;
	(pc) =	sbr.rel @p0 .LBB2_2-.Ltmp0, $4  }
0x1c: {  	[tilespmem:s10+$0x830] =	vst v0  }
0x1d: {  	[tilespmem:s10+$0x840] =	vst v0  }
0x1e: {  	[tilespmem:s10+$0x850] =	vst v0  }
0x1f: {  	[tilespmem:s10+$0x860] =	vst v0;
	s10 =	sshra.s32 s11, $0x2;
	s11 =	sadd.s32 $0x200, s11  }
0x20: {  	[tilespmem:s10+$0x870] =	vst v0  }
0x21: {  	[tilespmem:s10+$0x800] =	vst v0  }
0x22: {  	[tilespmem:s10+$0x810] =	vst v0  }
0x23: {  	[tilespmem:s10+$0x820] =	vst v0  }
0x24: {  	[tilespmem:s10+$0x830] =	vst v0  }
0x25: {  	[tilespmem:s10+$0x840] =	vst v0  }
0x26: {  	[tilespmem:s10+$0x850] =	vst v0  }
0x27: {  	[dreg:$0xb] =	wrdreg s9;
	[tilespmem:s10+$0x860] =	vst v0  }
0x28: {  	[spmem:s12] =	stream.linear.scatter [tilespmem:s15], [sflag:$0x3], $0x3E80, $0x38;
	[tilespmem:$0x1C400] =	vst v63  }
0x29: {  	_ =	swait.ge [sflag:s16], $0x3E80  }
0x2a: {  	[sflag:s16] =	ssyncset.done $0x0  }
0x2b: {  	s5 =	rddreg [dreg:$0x7];
	[sflag:s16] =	ssyncadd.s32 $0xFFFFC180  }
0x2c: {  	[spmem:s5] =	stream.linear.scatter [tilespmem:s15], [sflag:$0x3], $0x3E80, $0x38;
	[tilespmem:$0x1C400] =	vst v63  }
0x2d: {  	_ =	swait.ge [sflag:s16], $0x3E80  }
0x2e: {  	[sflag:s16] =	ssyncset.done $0x0  }
0x2f: {  	s11 =	rddreg [dreg:$0x8];
	[sflag:s16] =	ssyncadd.s32 $0xFFFFC180  }
0x30: {  	[spmem:s11] =	stream.linear.scatter [tilespmem:s15], [sflag:$0x3], $0x3E80, $0x38;
	[tilespmem:$0x1C400] =	vst v63  }
0x31: {  	_ =	swait.ge [sflag:s16], $0x3E80  }
0x32: {  	[sflag:s16] =	ssyncset.done $0x0  }
0x33: {  	s12 =	rddreg [dreg:$0x9];
	[sflag:s16] =	ssyncadd.s32 $0xFFFFC180  }
0x34: {  	[spmem:s12] =	stream.linear.scatter [tilespmem:s15], [sflag:$0x3], $0x3E80, $0x38;
	[tilespmem:$0x1C400] =	vst v63  }
0x35: {  	_ =	swait.ge [sflag:s16], $0x3E80  }
0x36: {  	[sflag:s16] =	ssyncset.done $0x0  }
0x37: {  	s9 =	rddreg [dreg:$0xa];
	[sflag:s16] =	ssyncadd.s32 $0xFFFFC180  }
0x38: {  	[spmem:s9] =	stream.linear.scatter [tilespmem:s15], [sflag:$0x3], $0x3E80, $0x38;
	[tilespmem:$0x1C400] =	vst v63  }
0x39: {  	_ =	swait.ge [sflag:s16], $0x3E80  }
0x3a: {  	[sflag:s16] =	ssyncset.done $0x0  }
0x3b: {  	s10 =	rddreg [dreg:$0x4];
	[sflag:s16] =	ssyncadd.s32 $0xFFFFC180  }
0x3c: {  	[spmem:s10] =	stream.linear.scatter [tilespmem:s15], [sflag:$0x3], $0x380, $0x38;
	[tilespmem:$0x1C400] =	vst v63  }
0x3d: {  	_ =	swait.ge [sflag:s16], $0x380  }
0x3e: {  	[sflag:s16] =	ssyncset.done $0x0  }
0x3f: {  	[sflag:s16] =	ssyncadd.s32 $0xFFFFFC80  }
0x40: {  	s11 =	sadd.s32 $0x0, s14;
	[bflag:$0x0] =	sbarrier.arrive $0xFFFF  }
0x41: {  	[tilespmem:s3], [sflag:$0x3] =	stream.linear.gather [hbm4b:s11+s3], $0x400, $0x38;
	[tilespmem:$0x1C400] =	vst v63  }
0x42: {  	_ =	swait.ge [sflag:s16], $0x400  }
0x43: {  	[sflag:s16] =	ssyncset.done $0x0  }
0x44: {  	s12 =	sadd.s32 $0x0, s13;
	[sflag:s16] =	ssyncadd.s32 $0xFFFFFC00  }
0x45: {  	[tilespmem:s17], [sflag:$0x3] =	stream.linear.gather [hbm4b:s12+s3], $0x400, $0x38;
	[tilespmem:$0x1C400] =	vst v63  }
0x46: {  	_ =	swait.ge [sflag:s16], $0x400  }
0x47: {  	[sflag:s16] =	ssyncset.done $0x0  }
0x48: {  	[sflag:s16] =	ssyncadd.s32 $0xFFFFFC00  }
0x49: {  	[tilespmem:s15], [sflag:$0x1] =	stream.indirect.gather [hbm4b:s4+s18], $0x80, s3, s18, $0xb8;
	[tilespmem:$0x1C400] =	vst v63  }
0x4a: {  	_ = 	snop  }
0x4b: {  	[tilespmem:s20], [sflag:$0x2] =	stream.indirect.gather [hbm4b:s4+s18], $0x80, s19, s18, $0xb8;
	[tilespmem:$0x1C400] =	vst v63  }
0x4c: {  	_ =	swait.ge [sflag:s21], $0x3E80  }
0x4d: {  	[sflag:s21] =	ssyncset.done $0x0  }
0x4e: {  	[sflag:s21] =	ssyncadd.s32 $0xFFFFC180  }
0x4f: {  	[spmem:s2] =	stream.indirect.scatter.add.f32 [tilespmem:s15], [sflag:$0x3], $0x80, s17, s18, $0xb8;
	[tilespmem:$0x1C400] =	vst v63  }
0x50: {  	_ =	swait.ge [sflag:s16], $0x3E80  }
0x51: {  	[sflag:s16] =	ssyncset.done $0x0  }
0x52: {  	[sflag:s16] =	ssyncadd.s32 $0xFFFFC180  }
0x53: {  	[tilespmem:s15], [sflag:$0x1] =	stream.indirect.gather [hbm4b:s4+s18], $0x80, s22, s18, $0xb8;
	[tilespmem:$0x1C400] =	vst v63  }
0x54: {  	_ =	swait.ge [sflag:s23], $0x3E80  }
0x55: {  	[sflag:s23] =	ssyncset.done $0x0  }
0x56: {  	[sflag:s23] =	ssyncadd.s32 $0xFFFFC180  }
0x57: {  	[spmem:s2] =	stream.indirect.scatter.add.f32 [tilespmem:s20], [sflag:$0x3], $0x80, s24, s18, $0xb8;
	[tilespmem:$0x1C400] =	vst v63  }
0x58: {  	_ =	swait.ge [sflag:s16], $0x3E80  }
0x59: {  	[sflag:s16] =	ssyncset.done $0x0  }
0x5a: {  	[sflag:s16] =	ssyncadd.s32 $0xFFFFC180  }
0x5b: {  	[tilespmem:s20], [sflag:$0x2] =	stream.indirect.gather [hbm4b:s4+s18], $0x80, s25, s18, $0xb8;
	[tilespmem:$0x1C400] =	vst v63  }
0x5c: {  	_ =	swait.ge [sflag:s21], $0x3E80  }
0x5d: {  	[sflag:s21] =	ssyncset.done $0x0  }
0x5e: {  	[sflag:s21] =	ssyncadd.s32 $0xFFFFC180  }
0x5f: {  	[spmem:s2] =	stream.indirect.scatter.add.f32 [tilespmem:s15], [sflag:$0x3], $0x80, s26, s18, $0xb8;
	[tilespmem:$0x1C400] =	vst v63  }
0x60: {  	_ =	swait.ge [sflag:s16], $0x3E80  }
0x61: {  	[sflag:s16] =	ssyncset.done $0x0  }
0x62: {  	[sflag:s16] =	ssyncadd.s32 $0xFFFFC180  }
0x63: {  	[tilespmem:s15], [sflag:$0x1] =	stream.indirect.gather [hbm4b:s4+s18], $0x80, s28, s18, $0xb8;
	[tilespmem:$0x1C400] =	vst v63  }
0x64: {  	_ =	swait.ge [sflag:s23], $0x3E80  }
0x65: {  	[sflag:s23] =	ssyncset.done $0x0  }
0x66: {  	[sflag:s23] =	ssyncadd.s32 $0xFFFFC180  }
0x67: {  	[spmem:s2] =	stream.indirect.scatter.add.f32 [tilespmem:s20], [sflag:$0x3], $0x80, s29, s18, $0xb8;
	[tilespmem:$0x1C400] =	vst v63  }
0x68: {  	_ =	swait.ge [sflag:s16], $0x3E80  }
0x69: {  	[sflag:s16] =	ssyncset.done $0x0  }
0x6a: {  	[sflag:s16] =	ssyncadd.s32 $0xFFFFC180  }
0x6b: {  	[tilespmem:s20], [sflag:$0x2] =	stream.indirect.gather [hbm4b:s4+s18], $0x80, s30, s18, $0xb8;
	[tilespmem:$0x1C400] =	vst v63  }
0x6c: {  	_ =	swait.ge [sflag:s21], $0x3E80  }
0x6d: {  	[sflag:s21] =	ssyncset.done $0x0  }
0x6e: {  	[sflag:s21] =	ssyncadd.s32 $0xFFFFC180  }
0x6f: {  	[spmem:s2] =	stream.indirect.scatter.add.f32 [tilespmem:s15], [sflag:$0x3], $0x80, s31, s18, $0xb8;
	[tilespmem:$0x1C400] =	vst v63  }
0x70: {  	_ =	swait.ge [sflag:s16], $0x3E80  }
0x71: {  	[sflag:s16] =	ssyncset.done $0x0  }
0x72: {  	[sflag:s16] =	ssyncadd.s32 $0xFFFFC180  }
0x73: {  	[tilespmem:s15], [sflag:$0x1] =	stream.indirect.gather [hbm4b:s4+s18], $0x80, s1, s18, $0xb8;
	[tilespmem:$0x1C400] =	vst v63  }
0x74: {  	_ =	swait.ge [sflag:s23], $0x3E80  }
0x75: {  	[sflag:s23] =	ssyncset.done $0x0  }
0x76: {  	[sflag:s23] =	ssyncadd.s32 $0xFFFFC180  }
0x77: {  	[spmem:s2] =	stream.indirect.scatter.add.f32 [tilespmem:s20], [sflag:$0x3], $0x80, s0, s18, $0xb8;
	[tilespmem:$0x1C400] =	vst v63  }
0x78: {  	_ =	swait.ge [sflag:s16], $0x3E80  }
0x79: {  	[sflag:s16] =	ssyncset.done $0x0  }
0x7a: {  	[sflag:s16] =	ssyncadd.s32 $0xFFFFC180  }
0x7b: {  	[tilespmem:s20], [sflag:$0x2] =	stream.indirect.gather [hbm4b:s4+s18], $0x80, s6, s18, $0xb8;
	[tilespmem:$0x1C400] =	vst v63  }
0x7c: {  	_ =	swait.ge [sflag:s21], $0x3E80  }
0x7d: {  	[sflag:s21] =	ssyncset.done $0x0  }
0x7e: {  	[sflag:s21] =	ssyncadd.s32 $0xFFFFC180  }
0x7f: {  	[spmem:s2] =	stream.indirect.scatter.add.f32 [tilespmem:s15], [sflag:$0x3], $0x80, s7, s18, $0xb8;
	[tilespmem:$0x1C400] =	vst v63  }
0x80: {  	_ =	swait.ge [sflag:s16], $0x3E80  }
0x81: {  	[sflag:s16] =	ssyncset.done $0x0  }
0x82: {  	[sflag:s16] =	ssyncadd.s32 $0xFFFFC180  }
0x83: {  	_ =	swait.ge [sflag:s23], $0x3E80  }
0x84: {  	[sflag:s23] =	ssyncset.done $0x0  }
0x85: {  	[sflag:s23] =	ssyncadd.s32 $0xFFFFC180  }
0x86: {  	[spmem:s2] =	stream.indirect.scatter.add.f32 [tilespmem:s20], [sflag:$0x3], $0x80, s8, s18, $0xb8;
	[tilespmem:$0x1C400] =	vst v63  }
0x87: {  	_ =	swait.ge [sflag:s16], $0x3E80  }
0x88: {  	s10 =	simm.s32 $0x80;
	s11 =	simm.s32 $0x100;
	[sflag:s16] =	ssyncset.done $0x0  }
.LBB2_4:
0x89: {  	s5 =	sadd.s32 s10, s14  }
0x8a: {  	[sflag:s16] =	ssyncadd.s32 $0xFFFFC180;
	s9 =	smov.u32 s11;
	s12 =	sadd.s32 $0x80, s11  }
0x8b: {  	[tilespmem:s3], [sflag:$0x3] =	stream.linear.gather [hbm4b:s5+s3], $0x400, $0x38;
	[tilespmem:$0x1C400] =	vst v63  }
0x8c: {  	p0 =	sne.s32 s11, $0x480;
	_ =	swait.ge [sflag:s16], $0x400  }
0x8d: {  	[sflag:s16] =	ssyncset.done $0x0  }
0x8e: {  	s5 =	sadd.s32 s10, s13;
	s10 =	smov.u32 s9;
	[sflag:s16] =	ssyncadd.s32 $0xFFFFFC00  }
0x8f: {  	[tilespmem:s17], [sflag:$0x3] =	stream.linear.gather [hbm4b:s5+s3], $0x400, $0x38;
	[tilespmem:$0x1C400] =	vst v63  }
0x90: {  	_ =	swait.ge [sflag:s16], $0x400  }
0x91: {  	[sflag:s16] =	ssyncset.done $0x0  }
0x92: {  	[sflag:s16] =	ssyncadd.s32 $0xFFFFFC00  }
0x93: {  	[tilespmem:s15], [sflag:$0x1] =	stream.indirect.gather [hbm4b:s4+s18], $0x80, s3, s18, $0xb8;
	[tilespmem:$0x1C400] =	vst v63  }
0x94: {  	_ = 	snop  }
0x95: {  	[tilespmem:s20], [sflag:$0x2] =	stream.indirect.gather [hbm4b:s4+s18], $0x80, s19, s18, $0xb8;
	[tilespmem:$0x1C400] =	vst v63  }
0x96: {  	_ =	swait.ge [sflag:s21], $0x3E80  }
0x97: {  	[sflag:s21] =	ssyncset.done $0x0  }
0x98: {  	[sflag:s21] =	ssyncadd.s32 $0xFFFFC180  }
0x99: {  	[spmem:s2] =	stream.indirect.scatter.add.f32 [tilespmem:s15], [sflag:$0x3], $0x80, s17, s18, $0xb8;
	[tilespmem:$0x1C400] =	vst v63  }
0x9a: {  	_ =	swait.ge [sflag:s16], $0x3E80  }
0x9b: {  	[sflag:s16] =	ssyncset.done $0x0  }
0x9c: {  	[sflag:s16] =	ssyncadd.s32 $0xFFFFC180  }
0x9d: {  	[tilespmem:s15], [sflag:$0x1] =	stream.indirect.gather [hbm4b:s4+s18], $0x80, s22, s18, $0xb8;
	[tilespmem:$0x1C400] =	vst v63  }
0x9e: {  	_ =	swait.ge [sflag:s23], $0x3E80  }
0x9f: {  	[sflag:s23] =	ssyncset.done $0x0  }
0xa0: {  	[sflag:s23] =	ssyncadd.s32 $0xFFFFC180  }
0xa1: {  	[spmem:s2] =	stream.indirect.scatter.add.f32 [tilespmem:s20], [sflag:$0x3], $0x80, s24, s18, $0xb8;
	[tilespmem:$0x1C400] =	vst v63  }
0xa2: {  	_ =	swait.ge [sflag:s16], $0x3E80  }
0xa3: {  	[sflag:s16] =	ssyncset.done $0x0  }
0xa4: {  	[sflag:s16] =	ssyncadd.s32 $0xFFFFC180  }
0xa5: {  	[tilespmem:s20], [sflag:$0x2] =	stream.indirect.gather [hbm4b:s4+s18], $0x80, s25, s18, $0xb8;
	[tilespmem:$0x1C400] =	vst v63  }
0xa6: {  	_ =	swait.ge [sflag:s21], $0x3E80  }
0xa7: {  	[sflag:s21] =	ssyncset.done $0x0  }
0xa8: {  	[sflag:s21] =	ssyncadd.s32 $0xFFFFC180  }
0xa9: {  	[spmem:s2] =	stream.indirect.scatter.add.f32 [tilespmem:s15], [sflag:$0x3], $0x80, s26, s18, $0xb8;
	[tilespmem:$0x1C400] =	vst v63  }
0xaa: {  	_ =	swait.ge [sflag:s16], $0x3E80  }
0xab: {  	[sflag:s16] =	ssyncset.done $0x0  }
0xac: {  	[sflag:s16] =	ssyncadd.s32 $0xFFFFC180  }
0xad: {  	[tilespmem:s15], [sflag:$0x1] =	stream.indirect.gather [hbm4b:s4+s18], $0x80, s28, s18, $0xb8;
	[tilespmem:$0x1C400] =	vst v63  }
0xae: {  	_ =	swait.ge [sflag:s23], $0x3E80  }
0xaf: {  	[sflag:s23] =	ssyncset.done $0x0  }
0xb0: {  	[sflag:s23] =	ssyncadd.s32 $0xFFFFC180  }
0xb1: {  	[spmem:s2] =	stream.indirect.scatter.add.f32 [tilespmem:s20], [sflag:$0x3], $0x80, s29, s18, $0xb8;
	[tilespmem:$0x1C400] =	vst v63  }
0xb2: {  	_ =	swait.ge [sflag:s16], $0x3E80  }
0xb3: {  	[sflag:s16] =	ssyncset.done $0x0  }
0xb4: {  	[sflag:s16] =	ssyncadd.s32 $0xFFFFC180  }
0xb5: {  	[tilespmem:s20], [sflag:$0x2] =	stream.indirect.gather [hbm4b:s4+s18], $0x80, s30, s18, $0xb8;
	[tilespmem:$0x1C400] =	vst v63  }
0xb6: {  	_ =	swait.ge [sflag:s21], $0x3E80  }
0xb7: {  	[sflag:s21] =	ssyncset.done $0x0  }
0xb8: {  	[sflag:s21] =	ssyncadd.s32 $0xFFFFC180  }
0xb9: {  	[spmem:s2] =	stream.indirect.scatter.add.f32 [tilespmem:s15], [sflag:$0x3], $0x80, s31, s18, $0xb8;
	[tilespmem:$0x1C400] =	vst v63  }
0xba: {  	_ =	swait.ge [sflag:s16], $0x3E80  }
0xbb: {  	[sflag:s16] =	ssyncset.done $0x0  }
0xbc: {  	[sflag:s16] =	ssyncadd.s32 $0xFFFFC180  }
0xbd: {  	[tilespmem:s15], [sflag:$0x1] =	stream.indirect.gather [hbm4b:s4+s18], $0x80, s1, s18, $0xb8;
	[tilespmem:$0x1C400] =	vst v63  }
0xbe: {  	_ =	swait.ge [sflag:s23], $0x3E80  }
0xbf: {  	[sflag:s23] =	ssyncset.done $0x0  }
0xc0: {  	[sflag:s23] =	ssyncadd.s32 $0xFFFFC180  }
0xc1: {  	[spmem:s2] =	stream.indirect.scatter.add.f32 [tilespmem:s20], [sflag:$0x3], $0x80, s0, s18, $0xb8;
	[tilespmem:$0x1C400] =	vst v63  }
0xc2: {  	_ =	swait.ge [sflag:s16], $0x3E80  }
0xc3: {  	[sflag:s16] =	ssyncset.done $0x0  }
0xc4: {  	[sflag:s16] =	ssyncadd.s32 $0xFFFFC180  }
0xc5: {  	[tilespmem:s20], [sflag:$0x2] =	stream.indirect.gather [hbm4b:s4+s18], $0x80, s6, s18, $0xb8;
	[tilespmem:$0x1C400] =	vst v63  }
0xc6: {  	_ =	swait.ge [sflag:s21], $0x3E80  }
0xc7: {  	[sflag:s21] =	ssyncset.done $0x0  }
0xc8: {  	[sflag:s21] =	ssyncadd.s32 $0xFFFFC180  }
0xc9: {  	[spmem:s2] =	stream.indirect.scatter.add.f32 [tilespmem:s15], [sflag:$0x3], $0x80, s7, s18, $0xb8;
	[tilespmem:$0x1C400] =	vst v63  }
0xca: {  	_ =	swait.ge [sflag:s16], $0x3E80  }
0xcb: {  	[sflag:s16] =	ssyncset.done $0x0  }
0xcc: {  	[sflag:s16] =	ssyncadd.s32 $0xFFFFC180  }
0xcd: {  	_ =	swait.ge [sflag:s23], $0x3E80  }
.Ltmp1:
0xce: {  	[sflag:s23] =	ssyncset.done $0x0;
	(pc) =	sbr.rel @p0 .LBB2_4-.Ltmp1, $4  }
0xcf: {  	[sflag:s23] =	ssyncadd.s32 $0xFFFFC180  }
0xd0: {  	[spmem:s2] =	stream.indirect.scatter.add.f32 [tilespmem:s20], [sflag:$0x3], $0x80, s8, s18, $0xb8;
	[tilespmem:$0x1C400] =	vst v63  }
0xd1: {  	_ =	swait.ge [sflag:s16], $0x3E80  }
0xd2: {  	s11 =	smov.u32 s12;
	[sflag:s16] =	ssyncset.done $0x0  }
0xd3: {  	s5 =	sadd.s32 s10, s14;
	[sflag:s16] =	ssyncadd.s32 $0xFFFFC180  }
0xd4: {  	[tilespmem:s3], [sflag:$0x3] =	stream.linear.gather [hbm4b:s5+s3], $0x400, $0x38;
	[tilespmem:$0x1C400] =	vst v63  }
0xd5: {  	_ =	swait.ge [sflag:s16], $0x400  }
0xd6: {  	[sflag:s16] =	ssyncset.done $0x0  }
0xd7: {  	s9 =	sadd.s32 s10, s13;
	[sflag:s16] =	ssyncadd.s32 $0xFFFFFC00  }
0xd8: {  	[tilespmem:s17], [sflag:$0x3] =	stream.linear.gather [hbm4b:s9+s3], $0x400, $0x38;
	[tilespmem:$0x1C400] =	vst v63  }
0xd9: {  	_ =	swait.ge [sflag:s16], $0x400  }
0xda: {  	[sflag:s16] =	ssyncset.done $0x0  }
0xdb: {  	[sflag:s16] =	ssyncadd.s32 $0xFFFFFC00  }
0xdc: {  	[tilespmem:s15], [sflag:$0x1] =	stream.indirect.gather [hbm4b:s4+s18], $0x80, s3, s18, $0xb8;
	[tilespmem:$0x1C400] =	vst v63  }
0xdd: {  	_ = 	snop  }
0xde: {  	[tilespmem:s20], [sflag:$0x2] =	stream.indirect.gather [hbm4b:s4+s18], $0x80, s19, s18, $0xb8;
	[tilespmem:$0x1C400] =	vst v63  }
0xdf: {  	_ =	swait.ge [sflag:s21], $0x3E80  }
0xe0: {  	[sflag:s21] =	ssyncset.done $0x0  }
0xe1: {  	[sflag:s21] =	ssyncadd.s32 $0xFFFFC180  }
0xe2: {  	[spmem:s2] =	stream.indirect.scatter.add.f32 [tilespmem:s15], [sflag:$0x3], $0x80, s17, s18, $0xb8;
	[tilespmem:$0x1C400] =	vst v63  }
0xe3: {  	_ =	swait.ge [sflag:s16], $0x3E80  }
0xe4: {  	[sflag:s16] =	ssyncset.done $0x0  }
0xe5: {  	[sflag:s16] =	ssyncadd.s32 $0xFFFFC180  }
0xe6: {  	[tilespmem:s15], [sflag:$0x1] =	stream.indirect.gather [hbm4b:s4+s18], $0x80, s22, s18, $0xb8;
	[tilespmem:$0x1C400] =	vst v63  }
0xe7: {  	_ =	swait.ge [sflag:s23], $0x3E80  }
0xe8: {  	[sflag:s23] =	ssyncset.done $0x0  }
0xe9: {  	[sflag:s23] =	ssyncadd.s32 $0xFFFFC180  }
0xea: {  	[spmem:s2] =	stream.indirect.scatter.add.f32 [tilespmem:s20], [sflag:$0x3], $0x80, s24, s18, $0xb8;
	[tilespmem:$0x1C400] =	vst v63  }
0xeb: {  	_ =	swait.ge [sflag:s16], $0x3E80  }
0xec: {  	[sflag:s16] =	ssyncset.done $0x0  }
0xed: {  	[sflag:s16] =	ssyncadd.s32 $0xFFFFC180  }
0xee: {  	[tilespmem:s20], [sflag:$0x2] =	stream.indirect.gather [hbm4b:s4+s18], $0x80, s25, s18, $0xb8;
	[tilespmem:$0x1C400] =	vst v63  }
0xef: {  	_ =	swait.ge [sflag:s21], $0x3E80  }
0xf0: {  	[sflag:s21] =	ssyncset.done $0x0  }
0xf1: {  	[sflag:s21] =	ssyncadd.s32 $0xFFFFC180  }
0xf2: {  	[spmem:s2] =	stream.indirect.scatter.add.f32 [tilespmem:s15], [sflag:$0x3], $0x80, s26, s18, $0xb8;
	[tilespmem:$0x1C400] =	vst v63  }
0xf3: {  	_ =	swait.ge [sflag:s16], $0x3E80  }
0xf4: {  	[sflag:s16] =	ssyncset.done $0x0  }
0xf5: {  	[sflag:s16] =	ssyncadd.s32 $0xFFFFC180  }
0xf6: {  	[tilespmem:s15], [sflag:$0x1] =	stream.indirect.gather [hbm4b:s4+s18], $0x80, s28, s18, $0xb8;
	[tilespmem:$0x1C400] =	vst v63  }
0xf7: {  	_ =	swait.ge [sflag:s23], $0x3E80  }
0xf8: {  	[sflag:s23] =	ssyncset.done $0x0  }
0xf9: {  	[sflag:s23] =	ssyncadd.s32 $0xFFFFC180  }
0xfa: {  	[spmem:s2] =	stream.indirect.scatter.add.f32 [tilespmem:s20], [sflag:$0x3], $0x80, s29, s18, $0xb8;
	[tilespmem:$0x1C400] =	vst v63  }
0xfb: {  	_ =	swait.ge [sflag:s16], $0x3E80  }
0xfc: {  	[sflag:s16] =	ssyncset.done $0x0  }
0xfd: {  	[sflag:s16] =	ssyncadd.s32 $0xFFFFC180  }
0xfe: {  	[tilespmem:s20], [sflag:$0x2] =	stream.indirect.gather [hbm4b:s4+s18], $0x80, s30, s18, $0xb8;
	[tilespmem:$0x1C400] =	vst v63  }
0xff: {  	_ =	swait.ge [sflag:s21], $0x3E80  }
0x100: {  	[sflag:s21] =	ssyncset.done $0x0  }
0x101: {  	[sflag:s21] =	ssyncadd.s32 $0xFFFFC180  }
0x102: {  	[spmem:s2] =	stream.indirect.scatter.add.f32 [tilespmem:s15], [sflag:$0x3], $0x80, s31, s18, $0xb8;
	[tilespmem:$0x1C400] =	vst v63  }
0x103: {  	_ =	swait.ge [sflag:s16], $0x3E80  }
0x104: {  	[sflag:s16] =	ssyncset.done $0x0  }
0x105: {  	[sflag:s16] =	ssyncadd.s32 $0xFFFFC180  }
0x106: {  	[tilespmem:s15], [sflag:$0x1] =	stream.indirect.gather [hbm4b:s4+s18], $0x80, s1, s18, $0xb8;
	[tilespmem:$0x1C400] =	vst v63  }
0x107: {  	_ =	swait.ge [sflag:s23], $0x3E80  }
0x108: {  	[sflag:s23] =	ssyncset.done $0x0  }
0x109: {  	[sflag:s23] =	ssyncadd.s32 $0xFFFFC180  }
0x10a: {  	[spmem:s2] =	stream.indirect.scatter.add.f32 [tilespmem:s20], [sflag:$0x3], $0x80, s0, s18, $0xb8;
	[tilespmem:$0x1C400] =	vst v63  }
0x10b: {  	_ =	swait.ge [sflag:s16], $0x3E80  }
0x10c: {  	[sflag:s16] =	ssyncset.done $0x0  }
0x10d: {  	[sflag:s16] =	ssyncadd.s32 $0xFFFFC180  }
0x10e: {  	[tilespmem:s20], [sflag:$0x2] =	stream.indirect.gather [hbm4b:s4+s18], $0x80, s6, s18, $0xb8;
	[tilespmem:$0x1C400] =	vst v63  }
0x10f: {  	_ =	swait.ge [sflag:s21], $0x3E80  }
0x110: {  	[sflag:s21] =	ssyncset.done $0x0  }
0x111: {  	[sflag:s21] =	ssyncadd.s32 $0xFFFFC180  }
0x112: {  	[spmem:s2] =	stream.indirect.scatter.add.f32 [tilespmem:s15], [sflag:$0x3], $0x80, s7, s18, $0xb8;
	[tilespmem:$0x1C400] =	vst v63  }
0x113: {  	_ =	swait.ge [sflag:s16], $0x3E80  }
0x114: {  	[sflag:s16] =	ssyncset.done $0x0  }
0x115: {  	[sflag:s16] =	ssyncadd.s32 $0xFFFFC180  }
0x116: {  	_ =	swait.ge [sflag:s23], $0x3E80  }
0x117: {  	[sflag:s23] =	ssyncset.done $0x0  }
0x118: {  	[sflag:s23] =	ssyncadd.s32 $0xFFFFC180  }
0x119: {  	[spmem:s2] =	stream.indirect.scatter.add.f32 [tilespmem:s20], [sflag:$0x3], $0x80, s8, s18, $0xb8;
	[tilespmem:$0x1C400] =	vst v63  }
0x11a: {  	_ =	swait.ge [sflag:s16], $0x3E80  }
0x11b: {  	[sflag:s16] =	ssyncset.done $0x0  }
0x11c: {  	[sflag:s16] =	ssyncadd.s32 $0xFFFFC180  }
0x11d: {  	s10 =	stileid.u32;
	[bflag:$0x0] =	sbarrier.arrive $0xFFFF  }
0x11e: {  	s5 =	sshll.u32 s10, $0x6;
	s12 =	rddreg [dreg:$0x3]  }
0x11f: {  	s5 =	sor.u32 $0x1C03, s5;
	s11 =	rddreg [dreg:$0x5];
	s9 =	sshrl.u32 s12, $0x3  }
0x120: {  	[hbm:s11], [sflag:s5] =	dma.local [spmem:s9], $0x2780  }
0x121: {  	_ =	swait.ge [sflag:s16], $0x2780  }
0x122: {  	s10 =	rddreg [dreg:$0xb]  }
0x123: {  	s11 =	rddreg [dreg:$0x6];
	s9 =	sadd.s32 $0x1, s10  }
0x124: {  	p0 =	sne.s32 s9, s11  }
.Ltmp2:
0x125: {  	_ = 	snop;
	(pc) =	sbr.rel @p0 .LBB2_1-.Ltmp2, $3  }
0x126: {  	_ =	sdelay $0x1  }
0x127: {  	[sflag:s16] =	ssyncset.done $0x0  }
0x128: {  	[sflag:s16] =	ssyncadd.s32 $0xFFFFD880  }
0x129: {  	_ =	sfence.sel $0x180000  }
0x12a: {  	[bflag:$0x0] =	sbarrier.arrive $0xFFFF  }
0x12b: {  	_ =	strace $0x9000004A  }
0x12c: {  	s0 =	stileid.u32;
	[bflag:$0x2] =	sbarrier.arrive $0xFFFF  }
0x12d: {  	p0 =	sne.s32 s0, $0x0;
	s0 =	rddreg [dreg:$0x2]  }
0x12e: {  	s0 =	sadd.s32 @!p0 $0x100000, s0  }
0x12f: {  	[sflag:s0] =	ssyncadd.tile.s32 @!p0 $0x1;
	_ =	shalt  }
.Lfunc_end2:
_tile_overlayer_lowered:
.L_overlay_start_2:
0x130: {  	(tag) =	ssettag $0x2  }
0x131: {  	s0 =	rddreg [dreg:$0x0];
	s2 =	stileid.u32  }
0x132: {  	s1 =	rddreg [dreg:$0x1];
	p0 =	sne.s32 s2, $0x0  }
0x133: {  	s3 =	rddreg [dreg:$0x2];
	[bflag:$0x3] =	sbarrier.arrive $0xFFFF;
	s2 =	simm.s32 @!p0 $0x1C03  }
0x134: {  	[timem:s3], [sflag:s2] =	dma.local @!p0 [hbm:s0], s1  }
0x135: {  	s0 =	simm.s32 @!p0 $0x3  }
0x136: {  	_ =	swait.ge @!p0 [sflag:s0], s1  }
0x137: {  	s1 =	ssub.s32 @!p0 $0x0, s1;
	[sflag:s0] =	ssyncset.done @!p0 $0x0  }
0x138: {  	[sflag:s0] =	ssyncadd.s32 @!p0 s1  }
0x139: {  	[bflag:$0x3] =	sbarrier.arrive $0xFFFF  }
0x13a: {  	_ =	shalt  }

// kernel: kernel.16.cloned.1.call-start
scs
__scs_entry_jumppad:
0x0: {  	(pc) =	sbr.rel $0x88, $3  }
0x1: {  	(tag) =	ssettag $0x0;
	lr =	simm.s32 $0x1  }
0x2: {  	[smem:$0x3F94] =	sst lr;
	_ =	strace $0xD0000000  }
0x3: {  	_ = 	snop  }
0x4: {  	_ = 	snop  }
0x5: {  	_ = 	snop  }
0x6: {  	_ = 	snop  }
0x7: {  	_ = 	snop  }
__scs_overlays_trampoline_lowered:
0x8: {  	[smem:$0x3FA3] =	sst s0  }
0x9: {  	[smem:$0x3FA4] =	sst s1  }
0xa: {  	[smem:$0x3FA5] =	sst s2  }
0xb: {  	[smem:$0x3FA6] =	sst s3  }
0xc: {  	[smem:$0x3FA7] =	sst s4  }
0xd: {  	[smem:$0x3FA8] =	sst s5  }
0xe: {  	[smem:$0x3FA9] =	sst s6  }
0xf: {  	[smem:$0x3FAA] =	sst s7  }
0x10: {  	[smem:$0x3FAB] =	sst s8  }
0x11: {  	[smem:$0x3FAC] =	sst s9;
	s0 =	simm.s32 @!p0 $0x0  }
0x12: {  	s1 =	sld [smem:$0x3F92];
	s0 =	simm.s32 @p0 $0x1  }
0x13: {  	[smem:$0x3FAD] =	sst s0;
	s0 =	simm.s32 @!p1 $0x0  }
0x14: {  	s2 =	sld [smem:$0x3F91];
	s0 =	simm.s32 @p1 $0x1  }
0x15: {  	[smem:$0x3FAE] =	sst s0;
	s0 =	simm.s32 @!p2 $0x0  }
0x16: {  	s3 =	sld [smem:$0x3FDB];
	s0 =	simm.s32 @p2 $0x1  }
0x17: {  	s4 =	simm.s32 $0x1BF5;
	[smem:$0x3FB0] =	sst s0  }
0x18: {  	s0 =	sld [smem:$0x3F93];
	_ =	swait.ge [sflag:s4], $0x0  }
0x19: {  	s7 =	sld [smem:$0x3F94]  }
0x1a: {  	s8 =	sadd.s32 $0xFFFFE003, lr  }
0x1b: {  	s9 =	sadd.s32 $0xFFFFFEF7, lr;
	s5 =	simm.s32 $0xFFFFFFFF;
	p2 =	slt.u32 s8, $0xFFFFF086  }
0x1c: {  	p1 =	slt.u32 s9, $0xF7A;
	s5 =	simm.s32 @!p2 $0x0  }
0x1d: {  	s5 =	simm.s32 @p1 $0x1;
	p0 =	seq.s32 s7, s2  }
0x1e: {  	s7 =	smul.u32 @!p0 $0xF7A, s2;
	p2 =	seq.s32 @!p0 s5, $0x0  }
0x1f: {  	s9 =	smul.u32 $0xF7A, s1;
	s8 =	simm.s32 @!p0 $0x1BF5;
	p2 =	por !p2, p0  }
0x20: {  	[sflag:s8] =	ssyncset.s32 @!p0 $0xFFFFF086;
	s6 =	sadd.s32 @!p0 s3, s7;
	s7 =	simm.s32 @!p0 $0x108  }
0x21: {  	s3 =	sadd.s32 s3, s9;
	s6 =	sadd.s32 @!p0 $0x88, s6;
	s7 =	simm.s32 @p2 $0x1082  }
0x22: {  	[simem:s7], [sflag:s8] =	dma.local @!p0 [hbm:s6], $0xF7A  }
0x23: {  	s9 =	sor.u32 $0xD0000000, s2;
	s6 =	simm.s32 $0x108;
	_ =	swait.ge @!p0 [sflag:s8], $0x0  }
0x24: {  	s3 =	sadd.s32 $0x88, s3;
	s6 =	simm.s32 @!p1 $0x1082;
	[sflag:s4] =	ssyncset.s32 $0xFFFFF086  }
0x25: {  	[simem:s6], [sflag:s4] =	dma.local [hbm:s3], $0xF7A  }
0x26: {  	[smem:$0x3F94] =	sst s1;
	(tag) =	ssettag s2;
	_ =	strace s9  }
0x27: {  	s1 =	sld [smem:$0x3FA4]  }
0x28: {  	s2 =	sld [smem:$0x3FA5]  }
0x29: {  	s4 =	sld [smem:$0x3FA7]  }
0x2a: {  	p0 =	seq.s32 s5, $0x0;
	s5 =	sld [smem:$0x3FA8]  }
0x2b: {  	s6 =	sld [smem:$0x3FA9]  }
0x2c: {  	s7 =	sld [smem:$0x3FAA]  }
0x2d: {  	s3 =	simm.s32 $0x108;
	s8 =	sld [smem:$0x3FAB]  }
0x2e: {  	s3 =	simm.s32 @!p0 $0x1082;
	s9 =	sld [smem:$0x3FAC]  }
0x2f: {  	lr =	sadd.s32 s0, s3;
	s0 =	sld [smem:$0x3FA3]  }
0x30: {  	s3 =	sld [smem:$0x3FA6]  }
0x31: {  	[smem:$0x3FAF] =	sst s10  }
0x32: {  	s10 =	sld [smem:$0x3FAD];
	_ =	sdelay $0x3  }
0x33: {  	p0 =	seq.s32 s10, $0x1;
	s10 =	sld [smem:$0x3FAF];
	_ =	sdelay $0x3  }
0x34: {  	[smem:$0x3FAF] =	sst s10  }
0x35: {  	s10 =	sld [smem:$0x3FAE];
	_ =	sdelay $0x3  }
0x36: {  	p1 =	seq.s32 s10, $0x1;
	s10 =	sld [smem:$0x3FAF];
	_ =	sdelay $0x3  }
0x37: {  	[smem:$0x3FAF] =	sst s10  }
0x38: {  	s10 =	sld [smem:$0x3FB0]  }
0x39: {  	_ = 	snop;
	(pc) =	sbr.ind lr, $3  }
0x3a: {  	_ = 	snop  }
0x3b: {  	_ = 	snop  }
0x3c: {  	p2 =	seq.s32 s10, $0x1;
	s10 =	sld [smem:$0x3FAF]  }
0x3d: {  	_ =	shalt  }
0x3e: {  	_ =	shalt  }
0x3f: {  	_ =	shalt  }
0x40: {  	_ =	shalt  }
0x41: {  	_ =	shalt  }
0x42: {  	_ =	shalt  }
0x43: {  	_ =	shalt  }
0x44: {  	_ =	shalt  }
0x45: {  	_ =	shalt  }
0x46: {  	_ =	shalt  }
0x47: {  	_ =	shalt  }
0x48: {  	_ =	shalt  }
0x49: {  	_ =	shalt  }
0x4a: {  	_ =	shalt  }
0x4b: {  	_ =	shalt  }
0x4c: {  	_ =	shalt  }
0x4d: {  	_ =	shalt  }
0x4e: {  	_ =	shalt  }
0x4f: {  	_ =	shalt  }
0x50: {  	_ =	shalt  }
0x51: {  	_ =	shalt  }
0x52: {  	_ =	shalt  }
0x53: {  	_ =	shalt  }
0x54: {  	_ =	shalt  }
0x55: {  	_ =	shalt  }
0x56: {  	_ =	shalt  }
0x57: {  	_ =	shalt  }
0x58: {  	_ =	shalt  }
0x59: {  	_ =	shalt  }
0x5a: {  	_ =	shalt  }
0x5b: {  	_ =	shalt  }
0x5c: {  	_ =	shalt  }
0x5d: {  	_ =	shalt  }
0x5e: {  	_ =	shalt  }
0x5f: {  	_ =	shalt  }
0x60: {  	_ =	shalt  }
0x61: {  	_ =	shalt  }
0x62: {  	_ =	shalt  }
0x63: {  	_ =	shalt  }
0x64: {  	_ =	shalt  }
0x65: {  	_ =	shalt  }
0x66: {  	_ =	shalt  }
0x67: {  	_ =	shalt  }
0x68: {  	_ =	shalt  }
0x69: {  	_ =	shalt  }
0x6a: {  	_ =	shalt  }
0x6b: {  	_ =	shalt  }
0x6c: {  	_ =	shalt  }
0x6d: {  	_ =	shalt  }
0x6e: {  	_ =	shalt  }
0x6f: {  	_ =	shalt  }
0x70: {  	_ =	shalt  }
0x71: {  	_ =	shalt  }
0x72: {  	_ =	shalt  }
0x73: {  	_ =	shalt  }
0x74: {  	_ =	shalt  }
0x75: {  	_ =	shalt  }
0x76: {  	_ =	shalt  }
0x77: {  	_ =	shalt  }
0x78: {  	_ =	shalt  }
0x79: {  	_ =	shalt  }
0x7a: {  	_ =	shalt  }
0x7b: {  	_ =	shalt  }
0x7c: {  	_ =	shalt  }
0x7d: {  	_ =	shalt  }
0x7e: {  	_ =	shalt  }
0x7f: {  	_ =	shalt  }
0x80: {  	_ =	shalt  }
0x81: {  	_ =	shalt  }
0x82: {  	_ =	shalt  }
0x83: {  	_ =	shalt  }
0x84: {  	_ =	shalt  }
0x85: {  	_ =	shalt  }
0x86: {  	_ =	shalt  }
0x87: {  	_ =	shalt  }
.Lfunc_end0:
.L_simem_size_0:
called_computation.2_lowered:
.L_overlay_start_0:
0x88: {  	s2 =	sld [smem:$0x3FD9]  }
0x89: {  	s3 =	sld [smem:$0x3FFE];
	_ =	sdelay $0x1  }
0x8a: {  	s1 =	srdreg.scid  }
0x8b: {  	s0 =	sand.u32 $0x1, s1  }
0x8c: {  	s16 =	sshll.u32 s0, $0xA;
	s2 =	sadd.s32 s3, s2  }
0x8d: {  	s2 =	sadd.s32 s2, s16  }
0x8e: {  	[smem:$0x3FBB] =	sst s2  }
0x8f: {  	_ = 	snop  }
0x90: {  	(tm) =	ssettm $0x1  }
0x91: {  	s17 =	sld [smem:$0x3FFB];
	_ =	sdelay $0x3  }
0x92: {  	_ =	strace s17  }
0x93: {  	s2 =	sld [smem:$0x3FFC];
	_ =	sdelay $0x3  }
0x94: {  	_ =	strace s2  }
0x95: {  	s2 =	sld [smem:$0x3FFD];
	_ =	sdelay $0x3  }
0x96: {  	_ =	strace s2  }
0x97: {  	_ =	strace $0x8FFFFFFF  }
0x98: {  	s18 =	sld [smem:$0x3FDB];
	_ =	sdelay $0x1  }
0x99: {  	s19 =	simm.s32 $_scs_section_size  }
0x9a: {  	s4 =	simm.s32 $_size__tile_overlayer_lowered;
	s5 =	simm.s32 $_tile_overlayer_lowered  }
0x9b: {  	s22 =	simm.s32 $0x1BFF;
	s21 =	sshll.u32 s5, $0x1;
	s2 =	sadd.s32 s19, s18  }
0x9c: {  	s6 =	simm.s32 $0x0;
	s20 =	sshll.u32 s4, $0x1;
	s4 =	sadd.s32 s21, s2  }
0x9d: {  	[timem:s6], [sflag:s22] =	dma.local [hbm:s4], s20  }
0x9e: {  	_ =	swait.ge [sflag:s22], s20  }
0x9f: {  	s3 =	ssub.s32 $0x0, s20;
	[sflag:s22] =	ssyncset.done $0x0  }
0xa0: {  	[sflag:s22] =	ssyncadd.s32 s3;
	_ =	sdelay $0x1  }
0xa1: {  	s23 =	simm.s32 $0x1B8B  }
0xa2: {  	_ =	swait.ge [sflag:s23], $0x1  }
0xa3: {  	[sflag:s23] =	ssyncset.done $0x0  }
0xa4: {  	s25 =	simm.s32 $0x1B8E;
	s24 =	sld [smem:$0x3FFE];
	[sflag:s23] =	ssyncadd.s32 $0xFFFFFFFF  }
0xa5: {  	s26 =	simm.s32 $execute0_lowered;
	[smem:$0x3FD2] =	sst s25  }
0xa6: {  	s4 =	sshll.u32 s26, $0x1;
	_ =	strace $0x8000004C;
	[dreg:$0x1] =	wrdreg $0xFFFFFFFF  }
0xa7: {  	s28 =	simm.s32 $_size_execute0_lowered;
	s2 =	sadd.s32 s2, s4;
	[dreg:$0x0] =	wrdreg $0x0  }
0xa8: {  	s4 =	sshll.u32 s28, $0x1;
	[dreg:$0x2] =	wrdreg s2  }
0xa9: {  	[dreg:$0x3] =	wrdreg s4  }
0xaa: {  	[dreg:$0x4] =	wrdreg $0xC0  }
0xab: {  	_ =	task [dreg:s6], $0x5FFFF  }
0xac: {  	[dreg:$0x1] =	wrdreg $0xFFFFFFFF  }
0xad: {  	[dreg:$0x0] =	wrdreg $0x60  }
0xae: {  	[dreg:$0x2] =	wrdreg s24  }
0xaf: {  	[dreg:$0x3] =	wrdreg $0x88000  }
0xb0: {  	[dreg:$0x4] =	wrdreg $0x9  }
0xb1: {  	_ =	task.clear_ibuf [dreg:s6], $0x5FFFF;
	_ =	strace $0x9000004C  }
0xb2: {  	s29 =	simm.s32 $0x9;
	_ =	strace $0x8000004E  }
0xb3: {  	_ =	swait.ge [sflag:s29], $0x1  }
0xb4: {  	[sflag:s29] =	ssyncadd.s32 $0xFFFFFFFF  }
0xb5: {  	_ =	strace $0x9000004E  }
0xb6: {  	_ =	sfence  }
0xb7: {  	s30 =	sld [smem:$0x0];
	_ =	sdelay $0x2  }
0xb8: {  	s31 =	sshll.u32 s1, $0xD;
	s1 =	sshrl.u32 s1, $0x2  }
0xb9: {  	s3 =	sand.u32 $0x4000, s31;
	s1 =	sadd.s32 s1, s30  }
0xba: {  	s0 =	sor.u32 s3, s0;
	s1 =	sshll.u32 s1, $0x11  }
0xbb: {  	s0 =	sor.u32 s1, s0  }
0xbc: {  	s0 =	sadd.s32 $0x8F2B, s0  }
0xbd: {  	[sflag:s0] =	ssyncadd.remote.s32 $0x1  }
0xbe: {  	_ =	sfence.sel $0xFFFF  }
0xbf: {  	[dreg:$0x0] =	wrdreg $0xFFFFFFFF;
	(pc) =	sbr.abs _section_cstart, $3  }
0xc0: {  	[dreg:$0x1] =	wrdreg $0xFFFFFFFF  }
0xc1: {  	_ =	task.clear_ibuf [dreg:s6], $0x2FFFF;
	_ =	strace $0x9FFFFFFF  }
0xc2: {  	(tm) =	ssettm $0x7FFFFFFF  }
0xc3: {  	_ =	shalt  }
tec
execute0_lowered:
.L_overlay_start_1:
0x0: {  	(tag) =	ssettag $0x1  }
0x1: {  	s0 =	srdreg.scid;
	s1 =	rddreg [dreg:$0x0]  }
0x2: {  	s8 =	stileid.u32;
	s2 =	rddreg [dreg:$0x1]  }
0x3: {  	s3 =	simm.s32 $0x0;
	s15 =	simm.s32 $0x800;
	s16 =	simm.s32 $0x3  }
0x4: {  	s17 =	simm.s32 $0x400;
	s18 =	simm.s32 $0x7D;
	s5 =	smul.u32 $0x2800, s8  }
0x5: {  	s28 =	simm.s32 $0x200;
	s29 =	simm.s32 $0x580;
	s19 =	smul.u32 $0x13C00, s8  }
0x6: {  	s30 =	simm.s32 $0x280;
	s0 =	sand.u32 $0x1, s0;
	s8 =	smul.u32 $0x4F000, s8  }
0x7: {  	s31 =	simm.s32 $0x600;
	[smem:$0x7FF] =	sst s3;
	s4 =	smul.u32 $0x28000, s0  }
0x8: {  	s6 =	smul.u32 $0x13C000, s0;
	_ =	strace $0x8000004D;
	s0 =	ssub.s32 $0x2, s0  }
0x9: {  	s20 =	sshrl.u32 s8, $0x2;
	s9 =	sshrl.u32 s0, $0x1;
	s8 =	simm.s32 $0x780  }
0xa: {  	s4 =	sadd.s32 s5, s4;
	s5 =	sadd.s32 s19, s6;
	s12 =	sadd.s32 s20, s2  }
0xb: {  	s0 =	ssub.s32 s0, s9;
	s19 =	simm.s32 $0x80;
	s20 =	simm.s32 $0x4800  }
0xc: {  	s6 =	simm.s32 $0x380;
	s22 =	sadd.s32 $0x13880, s12;
	[dreg:$0x3] =	wrdreg s12  }
0xd: {  	s9 =	simm.s32 $0x0;
	s0 =	smax.u32 s0, $0x1;
	[dreg:$0x4] =	wrdreg s22  }
0xe: {  	s7 =	sshrl.u32 s4, $0x3;
	s23 =	sadd.s32 $0x3E80, s12;
	[dreg:$0x6] =	wrdreg s0  }
0xf: {  	s4 =	sadd.s32 $0x66800, s1;
	s24 =	sadd.s32 $0x7D00, s12;
	[dreg:$0x7] =	wrdreg s23  }
0x10: {  	s21 =	sshrl.u32 s5, $0x3;
	s25 =	sadd.s32 $0xBB80, s12;
	[dreg:$0x8] =	wrdreg s24  }
0x11: {  	s26 =	sadd.s32 $0xFA00, s12;
	s7 =	sadd.s32 s7, s1;
	[dreg:$0x9] =	wrdreg s25  }
0x12: {  	s1 =	sadd.s32 s21, s1;
	[dreg:$0xa] =	wrdreg s26;
	s21 =	simm.s32 $0x1  }
0x13: {  	s22 =	simm.s32 $0x100;
	s23 =	simm.s32 $0x2;
	s24 =	simm.s32 $0x480  }
0x14: {  	s25 =	simm.s32 $0x180;
	s26 =	simm.s32 $0x500;
	s0 =	simm.s32 $0x680  }
0x15: {  	s1 =	sadd.s32 $0x8DA00, s1;
	s13 =	sadd.s32 $0x3800, s7;
	s14 =	sadd.s32 $0x5C800, s7  }
0x16: {  	v0 =	vimm.f32 $0.0e+00;
	s7 =	simm.s32 $0x700;
	[dreg:$0x5] =	wrdreg s1;
	s1 =	simm.s32 $0x300  }
.LBB2_1:
0x17: {  	s10 =	simm.s32 $0x0;
	s11 =	simm.s32 $0x200  }
.LBB2_2:
0x18: {  	p0 =	sne.s32 s11, $0xF800;
	[tilespmem:s10+$0x870] =	vst v0  }
0x19: {  	[tilespmem:s10+$0x800] =	vst v0  }
0x1a: {  	[tilespmem:s10+$0x810] =	vst v0  }
.Ltmp0:
0x1b: {  	[tilespmem:s10+$0x820] =	vst v0;
	(pc) =	sbr.rel @p0 .LBB2_2-.Ltmp0, $4  }
0x1c: {  	[tilespmem:s10+$0x830] =	vst v0  }
0x1d: {  	[tilespmem:s10+$0x840] =	vst v0  }
0x1e: {  	[tilespmem:s10+$0x850] =	vst v0  }
0x1f: {  	[tilespmem:s10+$0x860] =	vst v0;
	s10 =	sshra.s32 s11, $0x2;
	s11 =	sadd.s32 $0x200, s11  }
0x20: {  	[tilespmem:s10+$0x870] =	vst v0  }
0x21: {  	[tilespmem:s10+$0x800] =	vst v0  }
0x22: {  	[tilespmem:s10+$0x810] =	vst v0  }
0x23: {  	[tilespmem:s10+$0x820] =	vst v0  }
0x24: {  	[tilespmem:s10+$0x830] =	vst v0  }
0x25: {  	[tilespmem:s10+$0x840] =	vst v0  }
0x26: {  	[tilespmem:s10+$0x850] =	vst v0  }
0x27: {  	[dreg:$0xb] =	wrdreg s9;
	[tilespmem:s10+$0x860] =	vst v0  }
0x28: {  	[spmem:s12] =	stream.linear.scatter [tilespmem:s15], [sflag:$0x3], $0x3E80, $0x38;
	[tilespmem:$0x1C400] =	vst v63  }
0x29: {  	_ =	swait.ge [sflag:s16], $0x3E80  }
0x2a: {  	[sflag:s16] =	ssyncset.done $0x0  }
0x2b: {  	s5 =	rddreg [dreg:$0x7];
	[sflag:s16] =	ssyncadd.s32 $0xFFFFC180  }
0x2c: {  	[spmem:s5] =	stream.linear.scatter [tilespmem:s15], [sflag:$0x3], $0x3E80, $0x38;
	[tilespmem:$0x1C400] =	vst v63  }
0x2d: {  	_ =	swait.ge [sflag:s16], $0x3E80  }
0x2e: {  	[sflag:s16] =	ssyncset.done $0x0  }
0x2f: {  	s11 =	rddreg [dreg:$0x8];
	[sflag:s16] =	ssyncadd.s32 $0xFFFFC180  }
0x30: {  	[spmem:s11] =	stream.linear.scatter [tilespmem:s15], [sflag:$0x3], $0x3E80, $0x38;
	[tilespmem:$0x1C400] =	vst v63  }
0x31: {  	_ =	swait.ge [sflag:s16], $0x3E80  }
0x32: {  	[sflag:s16] =	ssyncset.done $0x0  }
0x33: {  	s12 =	rddreg [dreg:$0x9];
	[sflag:s16] =	ssyncadd.s32 $0xFFFFC180  }
0x34: {  	[spmem:s12] =	stream.linear.scatter [tilespmem:s15], [sflag:$0x3], $0x3E80, $0x38;
	[tilespmem:$0x1C400] =	vst v63  }
0x35: {  	_ =	swait.ge [sflag:s16], $0x3E80  }
0x36: {  	[sflag:s16] =	ssyncset.done $0x0  }
0x37: {  	s9 =	rddreg [dreg:$0xa];
	[sflag:s16] =	ssyncadd.s32 $0xFFFFC180  }
0x38: {  	[spmem:s9] =	stream.linear.scatter [tilespmem:s15], [sflag:$0x3], $0x3E80, $0x38;
	[tilespmem:$0x1C400] =	vst v63  }
0x39: {  	_ =	swait.ge [sflag:s16], $0x3E80  }
0x3a: {  	[sflag:s16] =	ssyncset.done $0x0  }
0x3b: {  	s10 =	rddreg [dreg:$0x4];
	[sflag:s16] =	ssyncadd.s32 $0xFFFFC180  }
0x3c: {  	[spmem:s10] =	stream.linear.scatter [tilespmem:s15], [sflag:$0x3], $0x380, $0x38;
	[tilespmem:$0x1C400] =	vst v63  }
0x3d: {  	_ =	swait.ge [sflag:s16], $0x380  }
0x3e: {  	[sflag:s16] =	ssyncset.done $0x0  }
0x3f: {  	[sflag:s16] =	ssyncadd.s32 $0xFFFFFC80  }
0x40: {  	s11 =	sadd.s32 $0x0, s14;
	[bflag:$0x0] =	sbarrier.arrive $0xFFFF  }
0x41: {  	[tilespmem:s3], [sflag:$0x3] =	stream.linear.gather [hbm4b:s11+s3], $0x400, $0x38;
	[tilespmem:$0x1C400] =	vst v63  }
0x42: {  	_ =	swait.ge [sflag:s16], $0x400  }
0x43: {  	[sflag:s16] =	ssyncset.done $0x0  }
0x44: {  	s12 =	sadd.s32 $0x0, s13;
	[sflag:s16] =	ssyncadd.s32 $0xFFFFFC00  }
0x45: {  	[tilespmem:s17], [sflag:$0x3] =	stream.linear.gather [hbm4b:s12+s3], $0x400, $0x38;
	[tilespmem:$0x1C400] =	vst v63  }
0x46: {  	_ =	swait.ge [sflag:s16], $0x400  }
0x47: {  	[sflag:s16] =	ssyncset.done $0x0  }
0x48: {  	[sflag:s16] =	ssyncadd.s32 $0xFFFFFC00  }
0x49: {  	[tilespmem:s15], [sflag:$0x1] =	stream.indirect.gather [hbm4b:s4+s18], $0x80, s3, s18, $0xb8;
	[tilespmem:$0x1C400] =	vst v63  }
0x4a: {  	_ = 	snop  }
0x4b: {  	[tilespmem:s20], [sflag:$0x2] =	stream.indirect.gather [hbm4b:s4+s18], $0x80, s19, s18, $0xb8;
	[tilespmem:$0x1C400] =	vst v63  }
0x4c: {  	_ =	swait.ge [sflag:s21], $0x3E80  }
0x4d: {  	[sflag:s21] =	ssyncset.done $0x0  }
0x4e: {  	[sflag:s21] =	ssyncadd.s32 $0xFFFFC180  }
0x4f: {  	[spmem:s2] =	stream.indirect.scatter.add.f32 [tilespmem:s15], [sflag:$0x3], $0x80, s17, s18, $0xb8;
	[tilespmem:$0x1C400] =	vst v63  }
0x50: {  	_ =	swait.ge [sflag:s16], $0x3E80  }
0x51: {  	[sflag:s16] =	ssyncset.done $0x0  }
0x52: {  	[sflag:s16] =	ssyncadd.s32 $0xFFFFC180  }
0x53: {  	[tilespmem:s15], [sflag:$0x1] =	stream.indirect.gather [hbm4b:s4+s18], $0x80, s22, s18, $0xb8;
	[tilespmem:$0x1C400] =	vst v63  }
0x54: {  	_ =	swait.ge [sflag:s23], $0x3E80  }
0x55: {  	[sflag:s23] =	ssyncset.done $0x0  }
0x56: {  	[sflag:s23] =	ssyncadd.s32 $0xFFFFC180  }
0x57: {  	[spmem:s2] =	stream.indirect.scatter.add.f32 [tilespmem:s20], [sflag:$0x3], $0x80, s24, s18, $0xb8;
	[tilespmem:$0x1C400] =	vst v63  }
0x58: {  	_ =	swait.ge [sflag:s16], $0x3E80  }
0x59: {  	[sflag:s16] =	ssyncset.done $0x0  }
0x5a: {  	[sflag:s16] =	ssyncadd.s32 $0xFFFFC180  }
0x5b: {  	[tilespmem:s20], [sflag:$0x2] =	stream.indirect.gather [hbm4b:s4+s18], $0x80, s25, s18, $0xb8;
	[tilespmem:$0x1C400] =	vst v63  }
0x5c: {  	_ =	swait.ge [sflag:s21], $0x3E80  }
0x5d: {  	[sflag:s21] =	ssyncset.done $0x0  }
0x5e: {  	[sflag:s21] =	ssyncadd.s32 $0xFFFFC180  }
0x5f: {  	[spmem:s2] =	stream.indirect.scatter.add.f32 [tilespmem:s15], [sflag:$0x3], $0x80, s26, s18, $0xb8;
	[tilespmem:$0x1C400] =	vst v63  }
0x60: {  	_ =	swait.ge [sflag:s16], $0x3E80  }
0x61: {  	[sflag:s16] =	ssyncset.done $0x0  }
0x62: {  	[sflag:s16] =	ssyncadd.s32 $0xFFFFC180  }
0x63: {  	[tilespmem:s15], [sflag:$0x1] =	stream.indirect.gather [hbm4b:s4+s18], $0x80, s28, s18, $0xb8;
	[tilespmem:$0x1C400] =	vst v63  }
0x64: {  	_ =	swait.ge [sflag:s23], $0x3E80  }
0x65: {  	[sflag:s23] =	ssyncset.done $0x0  }
0x66: {  	[sflag:s23] =	ssyncadd.s32 $0xFFFFC180  }
0x67: {  	[spmem:s2] =	stream.indirect.scatter.add.f32 [tilespmem:s20], [sflag:$0x3], $0x80, s29, s18, $0xb8;
	[tilespmem:$0x1C400] =	vst v63  }
0x68: {  	_ =	swait.ge [sflag:s16], $0x3E80  }
0x69: {  	[sflag:s16] =	ssyncset.done $0x0  }
0x6a: {  	[sflag:s16] =	ssyncadd.s32 $0xFFFFC180  }
0x6b: {  	[tilespmem:s20], [sflag:$0x2] =	stream.indirect.gather [hbm4b:s4+s18], $0x80, s30, s18, $0xb8;
	[tilespmem:$0x1C400] =	vst v63  }
0x6c: {  	_ =	swait.ge [sflag:s21], $0x3E80  }
0x6d: {  	[sflag:s21] =	ssyncset.done $0x0  }
0x6e: {  	[sflag:s21] =	ssyncadd.s32 $0xFFFFC180  }
0x6f: {  	[spmem:s2] =	stream.indirect.scatter.add.f32 [tilespmem:s15], [sflag:$0x3], $0x80, s31, s18, $0xb8;
	[tilespmem:$0x1C400] =	vst v63  }
0x70: {  	_ =	swait.ge [sflag:s16], $0x3E80  }
0x71: {  	[sflag:s16] =	ssyncset.done $0x0  }
0x72: {  	[sflag:s16] =	ssyncadd.s32 $0xFFFFC180  }
0x73: {  	[tilespmem:s15], [sflag:$0x1] =	stream.indirect.gather [hbm4b:s4+s18], $0x80, s1, s18, $0xb8;
	[tilespmem:$0x1C400] =	vst v63  }
0x74: {  	_ =	swait.ge [sflag:s23], $0x3E80  }
0x75: {  	[sflag:s23] =	ssyncset.done $0x0  }
0x76: {  	[sflag:s23] =	ssyncadd.s32 $0xFFFFC180  }
0x77: {  	[spmem:s2] =	stream.indirect.scatter.add.f32 [tilespmem:s20], [sflag:$0x3], $0x80, s0, s18, $0xb8;
	[tilespmem:$0x1C400] =	vst v63  }
0x78: {  	_ =	swait.ge [sflag:s16], $0x3E80  }
0x79: {  	[sflag:s16] =	ssyncset.done $0x0  }
0x7a: {  	[sflag:s16] =	ssyncadd.s32 $0xFFFFC180  }
0x7b: {  	[tilespmem:s20], [sflag:$0x2] =	stream.indirect.gather [hbm4b:s4+s18], $0x80, s6, s18, $0xb8;
	[tilespmem:$0x1C400] =	vst v63  }
0x7c: {  	_ =	swait.ge [sflag:s21], $0x3E80  }
0x7d: {  	[sflag:s21] =	ssyncset.done $0x0  }
0x7e: {  	[sflag:s21] =	ssyncadd.s32 $0xFFFFC180  }
0x7f: {  	[spmem:s2] =	stream.indirect.scatter.add.f32 [tilespmem:s15], [sflag:$0x3], $0x80, s7, s18, $0xb8;
	[tilespmem:$0x1C400] =	vst v63  }
0x80: {  	_ =	swait.ge [sflag:s16], $0x3E80  }
0x81: {  	[sflag:s16] =	ssyncset.done $0x0  }
0x82: {  	[sflag:s16] =	ssyncadd.s32 $0xFFFFC180  }
0x83: {  	_ =	swait.ge [sflag:s23], $0x3E80  }
0x84: {  	[sflag:s23] =	ssyncset.done $0x0  }
0x85: {  	[sflag:s23] =	ssyncadd.s32 $0xFFFFC180  }
0x86: {  	[spmem:s2] =	stream.indirect.scatter.add.f32 [tilespmem:s20], [sflag:$0x3], $0x80, s8, s18, $0xb8;
	[tilespmem:$0x1C400] =	vst v63  }
0x87: {  	_ =	swait.ge [sflag:s16], $0x3E80  }
0x88: {  	s10 =	simm.s32 $0x80;
	s11 =	simm.s32 $0x100;
	[sflag:s16] =	ssyncset.done $0x0  }
.LBB2_4:
0x89: {  	s5 =	sadd.s32 s10, s14  }
0x8a: {  	[sflag:s16] =	ssyncadd.s32 $0xFFFFC180;
	s9 =	smov.u32 s11;
	s12 =	sadd.s32 $0x80, s11  }
0x8b: {  	[tilespmem:s3], [sflag:$0x3] =	stream.linear.gather [hbm4b:s5+s3], $0x400, $0x38;
	[tilespmem:$0x1C400] =	vst v63  }
0x8c: {  	p0 =	sne.s32 s11, $0x480;
	_ =	swait.ge [sflag:s16], $0x400  }
0x8d: {  	[sflag:s16] =	ssyncset.done $0x0  }
0x8e: {  	s5 =	sadd.s32 s10, s13;
	s10 =	smov.u32 s9;
	[sflag:s16] =	ssyncadd.s32 $0xFFFFFC00  }
0x8f: {  	[tilespmem:s17], [sflag:$0x3] =	stream.linear.gather [hbm4b:s5+s3], $0x400, $0x38;
	[tilespmem:$0x1C400] =	vst v63  }
0x90: {  	_ =	swait.ge [sflag:s16], $0x400  }
0x91: {  	[sflag:s16] =	ssyncset.done $0x0  }
0x92: {  	[sflag:s16] =	ssyncadd.s32 $0xFFFFFC00  }
0x93: {  	[tilespmem:s15], [sflag:$0x1] =	stream.indirect.gather [hbm4b:s4+s18], $0x80, s3, s18, $0xb8;
	[tilespmem:$0x1C400] =	vst v63  }
0x94: {  	_ = 	snop  }
0x95: {  	[tilespmem:s20], [sflag:$0x2] =	stream.indirect.gather [hbm4b:s4+s18], $0x80, s19, s18, $0xb8;
	[tilespmem:$0x1C400] =	vst v63  }
0x96: {  	_ =	swait.ge [sflag:s21], $0x3E80  }
0x97: {  	[sflag:s21] =	ssyncset.done $0x0  }
0x98: {  	[sflag:s21] =	ssyncadd.s32 $0xFFFFC180  }
0x99: {  	[spmem:s2] =	stream.indirect.scatter.add.f32 [tilespmem:s15], [sflag:$0x3], $0x80, s17, s18, $0xb8;
	[tilespmem:$0x1C400] =	vst v63  }
0x9a: {  	_ =	swait.ge [sflag:s16], $0x3E80  }
0x9b: {  	[sflag:s16] =	ssyncset.done $0x0  }
0x9c: {  	[sflag:s16] =	ssyncadd.s32 $0xFFFFC180  }
0x9d: {  	[tilespmem:s15], [sflag:$0x1] =	stream.indirect.gather [hbm4b:s4+s18], $0x80, s22, s18, $0xb8;
	[tilespmem:$0x1C400] =	vst v63  }
0x9e: {  	_ =	swait.ge [sflag:s23], $0x3E80  }
0x9f: {  	[sflag:s23] =	ssyncset.done $0x0  }
0xa0: {  	[sflag:s23] =	ssyncadd.s32 $0xFFFFC180  }
0xa1: {  	[spmem:s2] =	stream.indirect.scatter.add.f32 [tilespmem:s20], [sflag:$0x3], $0x80, s24, s18, $0xb8;
	[tilespmem:$0x1C400] =	vst v63  }
0xa2: {  	_ =	swait.ge [sflag:s16], $0x3E80  }
0xa3: {  	[sflag:s16] =	ssyncset.done $0x0  }
0xa4: {  	[sflag:s16] =	ssyncadd.s32 $0xFFFFC180  }
0xa5: {  	[tilespmem:s20], [sflag:$0x2] =	stream.indirect.gather [hbm4b:s4+s18], $0x80, s25, s18, $0xb8;
	[tilespmem:$0x1C400] =	vst v63  }
0xa6: {  	_ =	swait.ge [sflag:s21], $0x3E80  }
0xa7: {  	[sflag:s21] =	ssyncset.done $0x0  }
0xa8: {  	[sflag:s21] =	ssyncadd.s32 $0xFFFFC180  }
0xa9: {  	[spmem:s2] =	stream.indirect.scatter.add.f32 [tilespmem:s15], [sflag:$0x3], $0x80, s26, s18, $0xb8;
	[tilespmem:$0x1C400] =	vst v63  }
0xaa: {  	_ =	swait.ge [sflag:s16], $0x3E80  }
0xab: {  	[sflag:s16] =	ssyncset.done $0x0  }
0xac: {  	[sflag:s16] =	ssyncadd.s32 $0xFFFFC180  }
0xad: {  	[tilespmem:s15], [sflag:$0x1] =	stream.indirect.gather [hbm4b:s4+s18], $0x80, s28, s18, $0xb8;
	[tilespmem:$0x1C400] =	vst v63  }
0xae: {  	_ =	swait.ge [sflag:s23], $0x3E80  }
0xaf: {  	[sflag:s23] =	ssyncset.done $0x0  }
0xb0: {  	[sflag:s23] =	ssyncadd.s32 $0xFFFFC180  }
0xb1: {  	[spmem:s2] =	stream.indirect.scatter.add.f32 [tilespmem:s20], [sflag:$0x3], $0x80, s29, s18, $0xb8;
	[tilespmem:$0x1C400] =	vst v63  }
0xb2: {  	_ =	swait.ge [sflag:s16], $0x3E80  }
0xb3: {  	[sflag:s16] =	ssyncset.done $0x0  }
0xb4: {  	[sflag:s16] =	ssyncadd.s32 $0xFFFFC180  }
0xb5: {  	[tilespmem:s20], [sflag:$0x2] =	stream.indirect.gather [hbm4b:s4+s18], $0x80, s30, s18, $0xb8;
	[tilespmem:$0x1C400] =	vst v63  }
0xb6: {  	_ =	swait.ge [sflag:s21], $0x3E80  }
0xb7: {  	[sflag:s21] =	ssyncset.done $0x0  }
0xb8: {  	[sflag:s21] =	ssyncadd.s32 $0xFFFFC180  }
0xb9: {  	[spmem:s2] =	stream.indirect.scatter.add.f32 [tilespmem:s15], [sflag:$0x3], $0x80, s31, s18, $0xb8;
	[tilespmem:$0x1C400] =	vst v63  }
0xba: {  	_ =	swait.ge [sflag:s16], $0x3E80  }
0xbb: {  	[sflag:s16] =	ssyncset.done $0x0  }
0xbc: {  	[sflag:s16] =	ssyncadd.s32 $0xFFFFC180  }
0xbd: {  	[tilespmem:s15], [sflag:$0x1] =	stream.indirect.gather [hbm4b:s4+s18], $0x80, s1, s18, $0xb8;
	[tilespmem:$0x1C400] =	vst v63  }
0xbe: {  	_ =	swait.ge [sflag:s23], $0x3E80  }
0xbf: {  	[sflag:s23] =	ssyncset.done $0x0  }
0xc0: {  	[sflag:s23] =	ssyncadd.s32 $0xFFFFC180  }
0xc1: {  	[spmem:s2] =	stream.indirect.scatter.add.f32 [tilespmem:s20], [sflag:$0x3], $0x80, s0, s18, $0xb8;
	[tilespmem:$0x1C400] =	vst v63  }
0xc2: {  	_ =	swait.ge [sflag:s16], $0x3E80  }
0xc3: {  	[sflag:s16] =	ssyncset.done $0x0  }
0xc4: {  	[sflag:s16] =	ssyncadd.s32 $0xFFFFC180  }
0xc5: {  	[tilespmem:s20], [sflag:$0x2] =	stream.indirect.gather [hbm4b:s4+s18], $0x80, s6, s18, $0xb8;
	[tilespmem:$0x1C400] =	vst v63  }
0xc6: {  	_ =	swait.ge [sflag:s21], $0x3E80  }
0xc7: {  	[sflag:s21] =	ssyncset.done $0x0  }
0xc8: {  	[sflag:s21] =	ssyncadd.s32 $0xFFFFC180  }
0xc9: {  	[spmem:s2] =	stream.indirect.scatter.add.f32 [tilespmem:s15], [sflag:$0x3], $0x80, s7, s18, $0xb8;
	[tilespmem:$0x1C400] =	vst v63  }
0xca: {  	_ =	swait.ge [sflag:s16], $0x3E80  }
0xcb: {  	[sflag:s16] =	ssyncset.done $0x0  }
0xcc: {  	[sflag:s16] =	ssyncadd.s32 $0xFFFFC180  }
0xcd: {  	_ =	swait.ge [sflag:s23], $0x3E80  }
.Ltmp1:
0xce: {  	[sflag:s23] =	ssyncset.done $0x0;
	(pc) =	sbr.rel @p0 .LBB2_4-.Ltmp1, $4  }
0xcf: {  	[sflag:s23] =	ssyncadd.s32 $0xFFFFC180  }
0xd0: {  	[spmem:s2] =	stream.indirect.scatter.add.f32 [tilespmem:s20], [sflag:$0x3], $0x80, s8, s18, $0xb8;
	[tilespmem:$0x1C400] =	vst v63  }
0xd1: {  	_ =	swait.ge [sflag:s16], $0x3E80  }
0xd2: {  	s11 =	smov.u32 s12;
	[sflag:s16] =	ssyncset.done $0x0  }
0xd3: {  	s5 =	sadd.s32 s10, s14;
	[sflag:s16] =	ssyncadd.s32 $0xFFFFC180  }
0xd4: {  	[tilespmem:s3], [sflag:$0x3] =	stream.linear.gather [hbm4b:s5+s3], $0x400, $0x38;
	[tilespmem:$0x1C400] =	vst v63  }
0xd5: {  	_ =	swait.ge [sflag:s16], $0x400  }
0xd6: {  	[sflag:s16] =	ssyncset.done $0x0  }
0xd7: {  	s9 =	sadd.s32 s10, s13;
	[sflag:s16] =	ssyncadd.s32 $0xFFFFFC00  }
0xd8: {  	[tilespmem:s17], [sflag:$0x3] =	stream.linear.gather [hbm4b:s9+s3], $0x400, $0x38;
	[tilespmem:$0x1C400] =	vst v63  }
0xd9: {  	_ =	swait.ge [sflag:s16], $0x400  }
0xda: {  	[sflag:s16] =	ssyncset.done $0x0  }
0xdb: {  	[sflag:s16] =	ssyncadd.s32 $0xFFFFFC00  }
0xdc: {  	[tilespmem:s15], [sflag:$0x1] =	stream.indirect.gather [hbm4b:s4+s18], $0x80, s3, s18, $0xb8;
	[tilespmem:$0x1C400] =	vst v63  }
0xdd: {  	_ = 	snop  }
0xde: {  	[tilespmem:s20], [sflag:$0x2] =	stream.indirect.gather [hbm4b:s4+s18], $0x80, s19, s18, $0xb8;
	[tilespmem:$0x1C400] =	vst v63  }
0xdf: {  	_ =	swait.ge [sflag:s21], $0x3E80  }
0xe0: {  	[sflag:s21] =	ssyncset.done $0x0  }
0xe1: {  	[sflag:s21] =	ssyncadd.s32 $0xFFFFC180  }
0xe2: {  	[spmem:s2] =	stream.indirect.scatter.add.f32 [tilespmem:s15], [sflag:$0x3], $0x80, s17, s18, $0xb8;
	[tilespmem:$0x1C400] =	vst v63  }
0xe3: {  	_ =	swait.ge [sflag:s16], $0x3E80  }
0xe4: {  	[sflag:s16] =	ssyncset.done $0x0  }
0xe5: {  	[sflag:s16] =	ssyncadd.s32 $0xFFFFC180  }
0xe6: {  	[tilespmem:s15], [sflag:$0x1] =	stream.indirect.gather [hbm4b:s4+s18], $0x80, s22, s18, $0xb8;
	[tilespmem:$0x1C400] =	vst v63  }
0xe7: {  	_ =	swait.ge [sflag:s23], $0x3E80  }
0xe8: {  	[sflag:s23] =	ssyncset.done $0x0  }
0xe9: {  	[sflag:s23] =	ssyncadd.s32 $0xFFFFC180  }
0xea: {  	[spmem:s2] =	stream.indirect.scatter.add.f32 [tilespmem:s20], [sflag:$0x3], $0x80, s24, s18, $0xb8;
	[tilespmem:$0x1C400] =	vst v63  }
0xeb: {  	_ =	swait.ge [sflag:s16], $0x3E80  }
0xec: {  	[sflag:s16] =	ssyncset.done $0x0  }
0xed: {  	[sflag:s16] =	ssyncadd.s32 $0xFFFFC180  }
0xee: {  	[tilespmem:s20], [sflag:$0x2] =	stream.indirect.gather [hbm4b:s4+s18], $0x80, s25, s18, $0xb8;
	[tilespmem:$0x1C400] =	vst v63  }
0xef: {  	_ =	swait.ge [sflag:s21], $0x3E80  }
0xf0: {  	[sflag:s21] =	ssyncset.done $0x0  }
0xf1: {  	[sflag:s21] =	ssyncadd.s32 $0xFFFFC180  }
0xf2: {  	[spmem:s2] =	stream.indirect.scatter.add.f32 [tilespmem:s15], [sflag:$0x3], $0x80, s26, s18, $0xb8;
	[tilespmem:$0x1C400] =	vst v63  }
0xf3: {  	_ =	swait.ge [sflag:s16], $0x3E80  }
0xf4: {  	[sflag:s16] =	ssyncset.done $0x0  }
0xf5: {  	[sflag:s16] =	ssyncadd.s32 $0xFFFFC180  }
0xf6: {  	[tilespmem:s15], [sflag:$0x1] =	stream.indirect.gather [hbm4b:s4+s18], $0x80, s28, s18, $0xb8;
	[tilespmem:$0x1C400] =	vst v63  }
0xf7: {  	_ =	swait.ge [sflag:s23], $0x3E80  }
0xf8: {  	[sflag:s23] =	ssyncset.done $0x0  }
0xf9: {  	[sflag:s23] =	ssyncadd.s32 $0xFFFFC180  }
0xfa: {  	[spmem:s2] =	stream.indirect.scatter.add.f32 [tilespmem:s20], [sflag:$0x3], $0x80, s29, s18, $0xb8;
	[tilespmem:$0x1C400] =	vst v63  }
0xfb: {  	_ =	swait.ge [sflag:s16], $0x3E80  }
0xfc: {  	[sflag:s16] =	ssyncset.done $0x0  }
0xfd: {  	[sflag:s16] =	ssyncadd.s32 $0xFFFFC180  }
0xfe: {  	[tilespmem:s20], [sflag:$0x2] =	stream.indirect.gather [hbm4b:s4+s18], $0x80, s30, s18, $0xb8;
	[tilespmem:$0x1C400] =	vst v63  }
0xff: {  	_ =	swait.ge [sflag:s21], $0x3E80  }
0x100: {  	[sflag:s21] =	ssyncset.done $0x0  }
0x101: {  	[sflag:s21] =	ssyncadd.s32 $0xFFFFC180  }
0x102: {  	[spmem:s2] =	stream.indirect.scatter.add.f32 [tilespmem:s15], [sflag:$0x3], $0x80, s31, s18, $0xb8;
	[tilespmem:$0x1C400] =	vst v63  }
0x103: {  	_ =	swait.ge [sflag:s16], $0x3E80  }
0x104: {  	[sflag:s16] =	ssyncset.done $0x0  }
0x105: {  	[sflag:s16] =	ssyncadd.s32 $0xFFFFC180  }
0x106: {  	[tilespmem:s15], [sflag:$0x1] =	stream.indirect.gather [hbm4b:s4+s18], $0x80, s1, s18, $0xb8;
	[tilespmem:$0x1C400] =	vst v63  }
0x107: {  	_ =	swait.ge [sflag:s23], $0x3E80  }
0x108: {  	[sflag:s23] =	ssyncset.done $0x0  }
0x109: {  	[sflag:s23] =	ssyncadd.s32 $0xFFFFC180  }
0x10a: {  	[spmem:s2] =	stream.indirect.scatter.add.f32 [tilespmem:s20], [sflag:$0x3], $0x80, s0, s18, $0xb8;
	[tilespmem:$0x1C400] =	vst v63  }
0x10b: {  	_ =	swait.ge [sflag:s16], $0x3E80  }
0x10c: {  	[sflag:s16] =	ssyncset.done $0x0  }
0x10d: {  	[sflag:s16] =	ssyncadd.s32 $0xFFFFC180  }
0x10e: {  	[tilespmem:s20], [sflag:$0x2] =	stream.indirect.gather [hbm4b:s4+s18], $0x80, s6, s18, $0xb8;
	[tilespmem:$0x1C400] =	vst v63  }
0x10f: {  	_ =	swait.ge [sflag:s21], $0x3E80  }
0x110: {  	[sflag:s21] =	ssyncset.done $0x0  }
0x111: {  	[sflag:s21] =	ssyncadd.s32 $0xFFFFC180  }
0x112: {  	[spmem:s2] =	stream.indirect.scatter.add.f32 [tilespmem:s15], [sflag:$0x3], $0x80, s7, s18, $0xb8;
	[tilespmem:$0x1C400] =	vst v63  }
0x113: {  	_ =	swait.ge [sflag:s16], $0x3E80  }
0x114: {  	[sflag:s16] =	ssyncset.done $0x0  }
0x115: {  	[sflag:s16] =	ssyncadd.s32 $0xFFFFC180  }
0x116: {  	_ =	swait.ge [sflag:s23], $0x3E80  }
0x117: {  	[sflag:s23] =	ssyncset.done $0x0  }
0x118: {  	[sflag:s23] =	ssyncadd.s32 $0xFFFFC180  }
0x119: {  	[spmem:s2] =	stream.indirect.scatter.add.f32 [tilespmem:s20], [sflag:$0x3], $0x80, s8, s18, $0xb8;
	[tilespmem:$0x1C400] =	vst v63  }
0x11a: {  	_ =	swait.ge [sflag:s16], $0x3E80  }
0x11b: {  	[sflag:s16] =	ssyncset.done $0x0  }
0x11c: {  	[sflag:s16] =	ssyncadd.s32 $0xFFFFC180  }
0x11d: {  	s10 =	stileid.u32;
	[bflag:$0x0] =	sbarrier.arrive $0xFFFF  }
0x11e: {  	s5 =	sshll.u32 s10, $0x6;
	s12 =	rddreg [dreg:$0x3]  }
0x11f: {  	s5 =	sor.u32 $0x1C03, s5;
	s11 =	rddreg [dreg:$0x5];
	s9 =	sshrl.u32 s12, $0x3  }
0x120: {  	[hbm:s11], [sflag:s5] =	dma.local [spmem:s9], $0x2780  }
0x121: {  	_ =	swait.ge [sflag:s16], $0x2780  }
0x122: {  	s10 =	rddreg [dreg:$0xb]  }
0x123: {  	s11 =	rddreg [dreg:$0x6];
	s9 =	sadd.s32 $0x1, s10  }
0x124: {  	p0 =	sne.s32 s9, s11  }
.Ltmp2:
0x125: {  	_ = 	snop;
	(pc) =	sbr.rel @p0 .LBB2_1-.Ltmp2, $3  }
0x126: {  	_ =	sdelay $0x1  }
0x127: {  	[sflag:s16] =	ssyncset.done $0x0  }
0x128: {  	[sflag:s16] =	ssyncadd.s32 $0xFFFFD880  }
0x129: {  	_ =	sfence.sel $0x180000  }
0x12a: {  	[bflag:$0x0] =	sbarrier.arrive $0xFFFF  }
0x12b: {  	_ =	strace $0x9000004D  }
0x12c: {  	s0 =	stileid.u32;
	[bflag:$0x2] =	sbarrier.arrive $0xFFFF  }
0x12d: {  	p0 =	sne.s32 s0, $0x0;
	s0 =	rddreg [dreg:$0x2]  }
0x12e: {  	s0 =	sadd.s32 @!p0 $0x100000, s0  }
0x12f: {  	[sflag:s0] =	ssyncadd.tile.s32 @!p0 $0x1;
	_ =	shalt  }
.Lfunc_end2:
_tile_overlayer_lowered:
.L_overlay_start_2:
0x130: {  	(tag) =	ssettag $0x2  }
0x131: {  	s0 =	rddreg [dreg:$0x0];
	s2 =	stileid.u32  }
0x132: {  	s1 =	rddreg [dreg:$0x1];
	p0 =	sne.s32 s2, $0x0  }
0x133: {  	s3 =	rddreg [dreg:$0x2];
	[bflag:$0x3] =	sbarrier.arrive $0xFFFF;
	s2 =	simm.s32 @!p0 $0x1C03  }
0x134: {  	[timem:s3], [sflag:s2] =	dma.local @!p0 [hbm:s0], s1  }
0x135: {  	s0 =	simm.s32 @!p0 $0x3  }
0x136: {  	_ =	swait.ge @!p0 [sflag:s0], s1  }
0x137: {  	s1 =	ssub.s32 @!p0 $0x0, s1;
	[sflag:s0] =	ssyncset.done @!p0 $0x0  }
0x138: {  	[sflag:s0] =	ssyncadd.s32 @!p0 s1  }
0x139: {  	[bflag:$0x3] =	sbarrier.arrive $0xFFFF  }
0x13a: {  	_ =	shalt  }

// kernel: kernel.19.cloned.1.call-start
scs
__scs_entry_jumppad:
0x0: {  	(pc) =	sbr.rel $0x88, $3  }
0x1: {  	(tag) =	ssettag $0x0;
	lr =	simm.s32 $0x1  }
0x2: {  	[smem:$0x3F94] =	sst lr;
	_ =	strace $0xD0000000  }
0x3: {  	_ = 	snop  }
0x4: {  	_ = 	snop  }
0x5: {  	_ = 	snop  }
0x6: {  	_ = 	snop  }
0x7: {  	_ = 	snop  }
__scs_overlays_trampoline_lowered:
0x8: {  	[smem:$0x3FA3] =	sst s0  }
0x9: {  	[smem:$0x3FA4] =	sst s1  }
0xa: {  	[smem:$0x3FA5] =	sst s2  }
0xb: {  	[smem:$0x3FA6] =	sst s3  }
0xc: {  	[smem:$0x3FA7] =	sst s4  }
0xd: {  	[smem:$0x3FA8] =	sst s5  }
0xe: {  	[smem:$0x3FA9] =	sst s6  }
0xf: {  	[smem:$0x3FAA] =	sst s7  }
0x10: {  	[smem:$0x3FAB] =	sst s8  }
0x11: {  	[smem:$0x3FAC] =	sst s9;
	s0 =	simm.s32 @!p0 $0x0  }
0x12: {  	s1 =	sld [smem:$0x3F92];
	s0 =	simm.s32 @p0 $0x1  }
0x13: {  	[smem:$0x3FAD] =	sst s0;
	s0 =	simm.s32 @!p1 $0x0  }
0x14: {  	s2 =	sld [smem:$0x3F91];
	s0 =	simm.s32 @p1 $0x1  }
0x15: {  	[smem:$0x3FAE] =	sst s0;
	s0 =	simm.s32 @!p2 $0x0  }
0x16: {  	s3 =	sld [smem:$0x3FDB];
	s0 =	simm.s32 @p2 $0x1  }
0x17: {  	s4 =	simm.s32 $0x1BF5;
	[smem:$0x3FB0] =	sst s0  }
0x18: {  	s0 =	sld [smem:$0x3F93];
	_ =	swait.ge [sflag:s4], $0x0  }
0x19: {  	s7 =	sld [smem:$0x3F94]  }
0x1a: {  	s8 =	sadd.s32 $0xFFFFE003, lr  }
0x1b: {  	s9 =	sadd.s32 $0xFFFFFEF7, lr;
	s5 =	simm.s32 $0xFFFFFFFF;
	p2 =	slt.u32 s8, $0xFFFFF086  }
0x1c: {  	p1 =	slt.u32 s9, $0xF7A;
	s5 =	simm.s32 @!p2 $0x0  }
0x1d: {  	s5 =	simm.s32 @p1 $0x1;
	p0 =	seq.s32 s7, s2  }
0x1e: {  	s7 =	smul.u32 @!p0 $0xF7A, s2;
	p2 =	seq.s32 @!p0 s5, $0x0  }
0x1f: {  	s9 =	smul.u32 $0xF7A, s1;
	s8 =	simm.s32 @!p0 $0x1BF5;
	p2 =	por !p2, p0  }
0x20: {  	[sflag:s8] =	ssyncset.s32 @!p0 $0xFFFFF086;
	s6 =	sadd.s32 @!p0 s3, s7;
	s7 =	simm.s32 @!p0 $0x108  }
0x21: {  	s3 =	sadd.s32 s3, s9;
	s6 =	sadd.s32 @!p0 $0x88, s6;
	s7 =	simm.s32 @p2 $0x1082  }
0x22: {  	[simem:s7], [sflag:s8] =	dma.local @!p0 [hbm:s6], $0xF7A  }
0x23: {  	s9 =	sor.u32 $0xD0000000, s2;
	s6 =	simm.s32 $0x108;
	_ =	swait.ge @!p0 [sflag:s8], $0x0  }
0x24: {  	s3 =	sadd.s32 $0x88, s3;
	s6 =	simm.s32 @!p1 $0x1082;
	[sflag:s4] =	ssyncset.s32 $0xFFFFF086  }
0x25: {  	[simem:s6], [sflag:s4] =	dma.local [hbm:s3], $0xF7A  }
0x26: {  	[smem:$0x3F94] =	sst s1;
	(tag) =	ssettag s2;
	_ =	strace s9  }
0x27: {  	s1 =	sld [smem:$0x3FA4]  }
0x28: {  	s2 =	sld [smem:$0x3FA5]  }
0x29: {  	s4 =	sld [smem:$0x3FA7]  }
0x2a: {  	p0 =	seq.s32 s5, $0x0;
	s5 =	sld [smem:$0x3FA8]  }
0x2b: {  	s6 =	sld [smem:$0x3FA9]  }
0x2c: {  	s7 =	sld [smem:$0x3FAA]  }
0x2d: {  	s3 =	simm.s32 $0x108;
	s8 =	sld [smem:$0x3FAB]  }
0x2e: {  	s3 =	simm.s32 @!p0 $0x1082;
	s9 =	sld [smem:$0x3FAC]  }
0x2f: {  	lr =	sadd.s32 s0, s3;
	s0 =	sld [smem:$0x3FA3]  }
0x30: {  	s3 =	sld [smem:$0x3FA6]  }
0x31: {  	[smem:$0x3FAF] =	sst s10  }
0x32: {  	s10 =	sld [smem:$0x3FAD];
	_ =	sdelay $0x3  }
0x33: {  	p0 =	seq.s32 s10, $0x1;
	s10 =	sld [smem:$0x3FAF];
	_ =	sdelay $0x3  }
0x34: {  	[smem:$0x3FAF] =	sst s10  }
0x35: {  	s10 =	sld [smem:$0x3FAE];
	_ =	sdelay $0x3  }
0x36: {  	p1 =	seq.s32 s10, $0x1;
	s10 =	sld [smem:$0x3FAF];
	_ =	sdelay $0x3  }
0x37: {  	[smem:$0x3FAF] =	sst s10  }
0x38: {  	s10 =	sld [smem:$0x3FB0]  }
0x39: {  	_ = 	snop;
	(pc) =	sbr.ind lr, $3  }
0x3a: {  	_ = 	snop  }
0x3b: {  	_ = 	snop  }
0x3c: {  	p2 =	seq.s32 s10, $0x1;
	s10 =	sld [smem:$0x3FAF]  }
0x3d: {  	_ =	shalt  }
0x3e: {  	_ =	shalt  }
0x3f: {  	_ =	shalt  }
0x40: {  	_ =	shalt  }
0x41: {  	_ =	shalt  }
0x42: {  	_ =	shalt  }
0x43: {  	_ =	shalt  }
0x44: {  	_ =	shalt  }
0x45: {  	_ =	shalt  }
0x46: {  	_ =	shalt  }
0x47: {  	_ =	shalt  }
0x48: {  	_ =	shalt  }
0x49: {  	_ =	shalt  }
0x4a: {  	_ =	shalt  }
0x4b: {  	_ =	shalt  }
0x4c: {  	_ =	shalt  }
0x4d: {  	_ =	shalt  }
0x4e: {  	_ =	shalt  }
0x4f: {  	_ =	shalt  }
0x50: {  	_ =	shalt  }
0x51: {  	_ =	shalt  }
0x52: {  	_ =	shalt  }
0x53: {  	_ =	shalt  }
0x54: {  	_ =	shalt  }
0x55: {  	_ =	shalt  }
0x56: {  	_ =	shalt  }
0x57: {  	_ =	shalt  }
0x58: {  	_ =	shalt  }
0x59: {  	_ =	shalt  }
0x5a: {  	_ =	shalt  }
0x5b: {  	_ =	shalt  }
0x5c: {  	_ =	shalt  }
0x5d: {  	_ =	shalt  }
0x5e: {  	_ =	shalt  }
0x5f: {  	_ =	shalt  }
0x60: {  	_ =	shalt  }
0x61: {  	_ =	shalt  }
0x62: {  	_ =	shalt  }
0x63: {  	_ =	shalt  }
0x64: {  	_ =	shalt  }
0x65: {  	_ =	shalt  }
0x66: {  	_ =	shalt  }
0x67: {  	_ =	shalt  }
0x68: {  	_ =	shalt  }
0x69: {  	_ =	shalt  }
0x6a: {  	_ =	shalt  }
0x6b: {  	_ =	shalt  }
0x6c: {  	_ =	shalt  }
0x6d: {  	_ =	shalt  }
0x6e: {  	_ =	shalt  }
0x6f: {  	_ =	shalt  }
0x70: {  	_ =	shalt  }
0x71: {  	_ =	shalt  }
0x72: {  	_ =	shalt  }
0x73: {  	_ =	shalt  }
0x74: {  	_ =	shalt  }
0x75: {  	_ =	shalt  }
0x76: {  	_ =	shalt  }
0x77: {  	_ =	shalt  }
0x78: {  	_ =	shalt  }
0x79: {  	_ =	shalt  }
0x7a: {  	_ =	shalt  }
0x7b: {  	_ =	shalt  }
0x7c: {  	_ =	shalt  }
0x7d: {  	_ =	shalt  }
0x7e: {  	_ =	shalt  }
0x7f: {  	_ =	shalt  }
0x80: {  	_ =	shalt  }
0x81: {  	_ =	shalt  }
0x82: {  	_ =	shalt  }
0x83: {  	_ =	shalt  }
0x84: {  	_ =	shalt  }
0x85: {  	_ =	shalt  }
0x86: {  	_ =	shalt  }
0x87: {  	_ =	shalt  }
.Lfunc_end0:
.L_simem_size_0:
called_computation.3_lowered:
.L_overlay_start_0:
0x88: {  	s2 =	sld [smem:$0x3FD9]  }
0x89: {  	s3 =	sld [smem:$0x3FFE];
	_ =	sdelay $0x1  }
0x8a: {  	s1 =	srdreg.scid  }
0x8b: {  	s0 =	sand.u32 $0x1, s1  }
0x8c: {  	s14 =	sshll.u32 s0, $0xA;
	s2 =	sadd.s32 s3, s2  }
0x8d: {  	s2 =	sadd.s32 s2, s14  }
0x8e: {  	[smem:$0x3FBB] =	sst s2  }
0x8f: {  	_ = 	snop  }
0x90: {  	s2 =	sld [smem:$0x3FD0];
	_ =	sdelay $0x2  }
0x91: {  	s15 =	simm.s32 $0xA;
	s4 =	simm.s32 $0x10  }
0x92: {  	[smem:s4], [sflag:s15] =	dma.local [hbm:s2], $0x1  }
0x93: {  	_ =	swait.eq [sflag:s15], $0x1  }
0x94: {  	[sflag:s15] =	ssyncset.done $0x0  }
0x95: {  	[sflag:s15] =	ssyncadd.s32 $0xFFFFFFFF  }
0x96: {  	s16 =	sld [smem:$0x10];
	(tm) =	ssettm $0x1  }
0x97: {  	s17 =	sld [smem:$0x3FFB];
	_ =	sdelay $0x3  }
0x98: {  	_ =	strace s17  }
0x99: {  	s3 =	sld [smem:$0x3FFC];
	_ =	sdelay $0x3  }
0x9a: {  	_ =	strace s3  }
0x9b: {  	s3 =	sld [smem:$0x3FFD];
	_ =	sdelay $0x3  }
0x9c: {  	_ =	strace s3  }
0x9d: {  	_ =	strace $0x8FFFFFFF  }
0x9e: {  	s18 =	sld [smem:$0x3FDB];
	_ =	sdelay $0x1  }
0x9f: {  	s19 =	simm.s32 $_scs_section_size  }
0xa0: {  	s5 =	simm.s32 $_size__tile_overlayer_lowered;
	s6 =	simm.s32 $_tile_overlayer_lowered  }
0xa1: {  	s22 =	simm.s32 $0x1BFF;
	s21 =	sshll.u32 s6, $0x1;
	s3 =	sadd.s32 s19, s18  }
0xa2: {  	s7 =	simm.s32 $0x0;
	s20 =	sshll.u32 s5, $0x1;
	s5 =	sadd.s32 s21, s3  }
0xa3: {  	[timem:s7], [sflag:s22] =	dma.local [hbm:s5], s20  }
0xa4: {  	_ =	swait.ge [sflag:s22], s20  }
0xa5: {  	s4 =	ssub.s32 $0x0, s20;
	[sflag:s22] =	ssyncset.done $0x0  }
0xa6: {  	[sflag:s22] =	ssyncadd.s32 s4;
	_ =	sdelay $0x1  }
0xa7: {  	s23 =	simm.s32 $0x1B8B  }
0xa8: {  	_ =	swait.ge [sflag:s23], $0x1  }
0xa9: {  	[sflag:s23] =	ssyncset.done $0x0  }
0xaa: {  	s25 =	simm.s32 $0x1B8E;
	s24 =	sld [smem:$0x3FFE];
	[sflag:s23] =	ssyncadd.s32 $0xFFFFFFFF  }
0xab: {  	s26 =	simm.s32 $execute0_lowered;
	[smem:$0x3FD2] =	sst s25  }
0xac: {  	s5 =	sshll.u32 s26, $0x1;
	_ =	strace $0x8000004F;
	[dreg:$0x1] =	wrdreg $0xFFFFFFFF  }
0xad: {  	s28 =	simm.s32 $_size_execute0_lowered;
	s3 =	sadd.s32 s3, s5;
	[dreg:$0x0] =	wrdreg $0x0  }
0xae: {  	s5 =	sshll.u32 s28, $0x1;
	[dreg:$0x2] =	wrdreg s3  }
0xaf: {  	[dreg:$0x3] =	wrdreg s5  }
0xb0: {  	[dreg:$0x4] =	wrdreg $0xC0  }
0xb1: {  	_ =	task [dreg:s7], $0x5FFFF  }
0xb2: {  	[dreg:$0x1] =	wrdreg $0xFFFFFFFF  }
0xb3: {  	[dreg:$0x0] =	wrdreg $0x60  }
0xb4: {  	[dreg:$0x2] =	wrdreg s24  }
0xb5: {  	[dreg:$0x3] =	wrdreg s16  }
0xb6: {  	[dreg:$0x4] =	wrdreg $0x48000  }
0xb7: {  	[dreg:$0x5] =	wrdreg $0x9  }
0xb8: {  	_ =	task.clear_ibuf [dreg:s7], $0x6FFFF;
	_ =	strace $0x9000004F  }
0xb9: {  	s29 =	simm.s32 $0x9;
	_ =	strace $0x80000051  }
0xba: {  	_ =	swait.ge [sflag:s29], $0x1  }
0xbb: {  	[sflag:s29] =	ssyncadd.s32 $0xFFFFFFFF  }
0xbc: {  	_ =	strace $0x90000051  }
0xbd: {  	_ =	sfence  }
0xbe: {  	s30 =	sld [smem:$0x0];
	_ =	sdelay $0x2  }
0xbf: {  	s31 =	sshll.u32 s1, $0xD;
	s1 =	sshrl.u32 s1, $0x2  }
0xc0: {  	s3 =	sand.u32 $0x4000, s31;
	s1 =	sadd.s32 s1, s30  }
0xc1: {  	s0 =	sor.u32 s3, s0;
	s1 =	sshll.u32 s1, $0x11  }
0xc2: {  	s0 =	sor.u32 s1, s0  }
0xc3: {  	s0 =	sadd.s32 $0x8F2B, s0  }
0xc4: {  	[sflag:s0] =	ssyncadd.remote.s32 $0x1  }
0xc5: {  	_ =	sfence.sel $0xFFFF  }
0xc6: {  	[dreg:$0x0] =	wrdreg $0xFFFFFFFF;
	(pc) =	sbr.abs _section_cstart, $3  }
0xc7: {  	[dreg:$0x1] =	wrdreg $0xFFFFFFFF  }
0xc8: {  	_ =	task.clear_ibuf [dreg:s7], $0x2FFFF;
	_ =	strace $0x9FFFFFFF  }
0xc9: {  	(tm) =	ssettm $0x7FFFFFFF  }
tec
execute0_lowered:
.L_overlay_start_1:
0x0: {  	(tag) =	ssettag $0x1  }
0x1: {  	s5 =	rddreg [dreg:$0x0]  }
0x2: {  	s1 =	rddreg [dreg:$0x1]  }
0x3: {  	s2 =	rddreg [dreg:$0x2]  }
0x4: {  	s0 =	rddreg [dreg:$0x3];
	s4 =	srdreg.scid;
	s3 =	simm.s32 $0x0  }
0x5: {  	s25 =	stileid.u32;
	s11 =	simm.s32 $0x2;
	s12 =	simm.s32 $0x400  }
0x6: {  	s13 =	simm.s32 $0x7D;
	s14 =	simm.s32 $0x800;
	s15 =	simm.s32 $0x1  }
0x7: {  	s16 =	simm.s32 $0x480;
	s17 =	simm.s32 $0x80;
	s18 =	simm.s32 $0x500  }
0x8: {  	s19 =	simm.s32 $0x100;
	s20 =	simm.s32 $0x580;
	s21 =	simm.s32 $0x180  }
0x9: {  	s22 =	simm.s32 $0x600;
	s23 =	simm.s32 $0x200;
	s4 =	sand.u32 $0x1, s4  }
0xa: {  	[smem:$0x7FF] =	sst s3;
	s7 =	sshll.u32 s25, $0x7;
	p0 =	sne.s32 s25, $0x0  }
0xb: {  	p1 =	slt.u32 s25, $0x8;
	s6 =	sshll.u32 s4, $0xA;
	_ =	strace $0x80000050  }
.Ltmp0:
0xc: {  	s8 =	ssub.s32 $0x2, s4;
	s4 =	sadd.s32 $0x3800, s5;
	(pc) =	sbr.rel .LBB2_1-.Ltmp0, $4  }
0xd: {  	s24 =	sshrl.u32 @!p0 s2, $0x3;
	s7 =	sadd.s32 s7, s6;
	s9 =	sshrl.u32 s8, $0x1  }
0xe: {  	s10 =	sadd.s32 s6, s5;
	s7 =	sadd.s32 s7, s5;
	s8 =	ssub.s32 s8, s9  }
0xf: {  	s9 =	sshrl.u32 s2, $0x3;
	s5 =	sadd.s32 $0xDCA00, s7;
	s6 =	sadd.s32 $0xDD200, s7  }
0x10: {  	s7 =	sadd.s32 $0x2AA00, s10;
	s8 =	smax.u32 s8, $0x1;
	s10 =	simm.s32 $0x1C02  }
.LBB2_5:
0x11: {  	[bflag:$0x0] =	sbarrier.arrive $0xFFFF  }
.LBB2_6:
0x12: {  	s8 =	sadd.s32 $0xFFFFFFFF, s8  }
0x13: {  	p2 =	sne.s32 s8, $0x0  }
.Ltmp1:
0x14: {  	_ = 	snop;
	(pc) =	sbr.rel @!p2 .LBB2_7-.Ltmp1, $1  }
0x15: {  	_ =	sdelay $0x3  }
.LBB2_1:
.Ltmp2:
0x16: {  	(pc) =	sbr.rel @!p0 .LBB2_2-.Ltmp2, $1  }
0x17: {  	_ =	sdelay $0x3  }
.Ltmp3:
0x18: {  	(pc) =	sbr.rel @p1 .LBB2_3-.Ltmp3, $4  }
.Ltmp4:
0x19: {  	(pc) =	sbr.rel @!p1 .LBB2_5-.Ltmp4, $4  }
0x1a: {  	_ = 	snop  }
0x1b: {  	[bflag:$0x0] =	sbarrier.arrive $0xFFFF  }
0x1c: {  	_ = 	snop  }
0x1d: {  	_ = 	snop  }
.LBB2_2:
0x1e: {  	[spmem:s9], [sflag:s10] =	dma.local [hbm:s1], $0x400  }
0x1f: {  	_ =	swait.ge [sflag:s11], $0x400  }
0x20: {  	[sflag:s11] =	ssyncset.done $0x0  }
0x21: {  	[sflag:s11] =	ssyncadd.s32 $0xFFFFFC00  }
0x22: {  	[bflag:$0x0] =	sbarrier.arrive $0xFFFF  }
.LBB2_3:
0x23: {  	[tilespmem:s3], [sflag:$0x2] =	stream.linear.gather [hbm4b:s5+s3], $0x280, $0x38;
	[tilespmem:$0x4A00] =	vst v63  }
0x24: {  	_ =	swait.ge [sflag:s11], $0x280  }
0x25: {  	[sflag:s11] =	ssyncset.done $0x0  }
0x26: {  	[sflag:s11] =	ssyncadd.s32 $0xFFFFFD80  }
0x27: {  	[tilespmem:s12], [sflag:$0x2] =	stream.linear.gather [hbm4b:s6+s3], $0x280, $0x38;
	[tilespmem:$0x4A00] =	vst v63  }
0x28: {  	_ =	swait.ge [sflag:s11], $0x280  }
0x29: {  	[sflag:s11] =	ssyncset.done $0x0  }
0x2a: {  	[sflag:s11] =	ssyncadd.s32 $0xFFFFFD80  }
0x2b: {  	[tilespmem:s14], [sflag:$0x1] =	stream.indirect.gather [hbm4b:s4+s13], $0x80, s12, s13, $0xb8;
	[tilespmem:$0x4A00] =	vst v63  }
0x2c: {  	_ =	swait.ge [sflag:s15], $0x3E80  }
0x2d: {  	[sflag:s15] =	ssyncset.done $0x0  }
0x2e: {  	[sflag:s15] =	ssyncadd.s32 $0xFFFFC180  }
0x2f: {  	[spmem:s2] =	stream.indirect.scatter.add.f32 [tilespmem:s14], [sflag:$0x2], $0x80, s3, s13, $0xb8;
	[tilespmem:$0x4A00] =	vst v63  }
0x30: {  	_ =	swait.ge [sflag:s11], $0x3E80  }
0x31: {  	[sflag:s11] =	ssyncset.done $0x0  }
0x32: {  	[sflag:s11] =	ssyncadd.s32 $0xFFFFC180  }
0x33: {  	[tilespmem:s14], [sflag:$0x1] =	stream.indirect.gather [hbm4b:s4+s13], $0x80, s16, s13, $0xb8;
	[tilespmem:$0x4A00] =	vst v63  }
0x34: {  	_ =	swait.ge [sflag:s15], $0x3E80  }
0x35: {  	[sflag:s15] =	ssyncset.done $0x0  }
0x36: {  	[sflag:s15] =	ssyncadd.s32 $0xFFFFC180  }
0x37: {  	[spmem:s2] =	stream.indirect.scatter.add.f32 [tilespmem:s14], [sflag:$0x2], $0x80, s17, s13, $0xb8;
	[tilespmem:$0x4A00] =	vst v63  }
0x38: {  	_ =	swait.ge [sflag:s11], $0x3E80  }
0x39: {  	[sflag:s11] =	ssyncset.done $0x0  }
0x3a: {  	[sflag:s11] =	ssyncadd.s32 $0xFFFFC180  }
0x3b: {  	[tilespmem:s14], [sflag:$0x1] =	stream.indirect.gather [hbm4b:s4+s13], $0x80, s18, s13, $0xb8;
	[tilespmem:$0x4A00] =	vst v63  }
0x3c: {  	_ =	swait.ge [sflag:s15], $0x3E80  }
0x3d: {  	[sflag:s15] =	ssyncset.done $0x0  }
0x3e: {  	[sflag:s15] =	ssyncadd.s32 $0xFFFFC180  }
0x3f: {  	[spmem:s2] =	stream.indirect.scatter.add.f32 [tilespmem:s14], [sflag:$0x2], $0x80, s19, s13, $0xb8;
	[tilespmem:$0x4A00] =	vst v63  }
0x40: {  	_ =	swait.ge [sflag:s11], $0x3E80  }
0x41: {  	[sflag:s11] =	ssyncset.done $0x0  }
0x42: {  	[sflag:s11] =	ssyncadd.s32 $0xFFFFC180  }
0x43: {  	[tilespmem:s14], [sflag:$0x1] =	stream.indirect.gather [hbm4b:s4+s13], $0x80, s20, s13, $0xb8;
	[tilespmem:$0x4A00] =	vst v63  }
0x44: {  	_ =	swait.ge [sflag:s15], $0x3E80  }
0x45: {  	[sflag:s15] =	ssyncset.done $0x0  }
0x46: {  	[sflag:s15] =	ssyncadd.s32 $0xFFFFC180  }
0x47: {  	[spmem:s2] =	stream.indirect.scatter.add.f32 [tilespmem:s14], [sflag:$0x2], $0x80, s21, s13, $0xb8;
	[tilespmem:$0x4A00] =	vst v63  }
0x48: {  	_ =	swait.ge [sflag:s11], $0x3E80  }
0x49: {  	[sflag:s11] =	ssyncset.done $0x0  }
0x4a: {  	[sflag:s11] =	ssyncadd.s32 $0xFFFFC180  }
0x4b: {  	[tilespmem:s14], [sflag:$0x1] =	stream.indirect.gather [hbm4b:s4+s13], $0x80, s22, s13, $0xb8;
	[tilespmem:$0x4A00] =	vst v63  }
0x4c: {  	_ =	swait.ge [sflag:s15], $0x3E80  }
0x4d: {  	[sflag:s15] =	ssyncset.done $0x0  }
0x4e: {  	[sflag:s15] =	ssyncadd.s32 $0xFFFFC180  }
0x4f: {  	[spmem:s2] =	stream.indirect.scatter.add.f32 [tilespmem:s14], [sflag:$0x2], $0x80, s23, s13, $0xb8;
	[tilespmem:$0x4A00] =	vst v63  }
0x50: {  	_ =	swait.ge [sflag:s11], $0x3E80  }
0x51: {  	[sflag:s11] =	ssyncset.done $0x0  }
0x52: {  	[sflag:s11] =	ssyncadd.s32 $0xFFFFC180  }
0x53: {  	s25 =	simm.s32 @!p0 $0x1C02;
	[bflag:$0x0] =	sbarrier.arrive $0xFFFF  }
0x54: {  	[hbm:s7], [sflag:s25] =	dma.local @!p0 [spmem:s24], $0x400  }
.Ltmp5:
0x55: {  	_ = 	snop;
	(pc) =	sbr.rel .LBB2_6-.Ltmp5, $4  }
0x56: {  	s25 =	simm.s32 @!p0 $0x2  }
0x57: {  	_ =	swait.ge @!p0 [sflag:s25], $0x400  }
0x58: {  	[sflag:s25] =	ssyncset.done @!p0 $0x0  }
0x59: {  	[sflag:s25] =	ssyncadd.s32 @!p0 $0xFFFFFC00  }
.LBB2_7:
0x5a: {  	_ =	sfence.sel $0x180000  }
0x5b: {  	[bflag:$0x0] =	sbarrier.arrive $0xFFFF  }
0x5c: {  	_ =	strace $0x90000050  }
0x5d: {  	s0 =	sadd.s32 @!p0 $0x100000, s0;
	[bflag:$0x2] =	sbarrier.arrive $0xFFFF  }
0x5e: {  	[sflag:s0] =	ssyncadd.tile.s32 @!p0 $0x1;
	_ =	shalt  }
.Lfunc_end2:
_tile_overlayer_lowered:
.L_overlay_start_2:
0x5f: {  	(tag) =	ssettag $0x2  }
0x60: {  	s0 =	rddreg [dreg:$0x0];
	s2 =	stileid.u32  }
0x61: {  	s1 =	rddreg [dreg:$0x1];
	p0 =	sne.s32 s2, $0x0  }
0x62: {  	s3 =	rddreg [dreg:$0x2];
	[bflag:$0x3] =	sbarrier.arrive $0xFFFF;
	s2 =	simm.s32 @!p0 $0x1C02  }
0x63: {  	[timem:s3], [sflag:s2] =	dma.local @!p0 [hbm:s0], s1  }
0x64: {  	s0 =	simm.s32 @!p0 $0x2  }
0x65: {  	_ =	swait.ge @!p0 [sflag:s0], s1  }
0x66: {  	s1 =	ssub.s32 @!p0 $0x0, s1;
	[sflag:s0] =	ssyncset.done @!p0 $0x0  }
0x67: {  	[sflag:s0] =	ssyncadd.s32 @!p0 s1  }
0x68: {  	[bflag:$0x3] =	sbarrier.arrive $0xFFFF  }
0x69: {  	_ =	shalt  }

</sc_bundles>
